<compile_context>
chip_gen: v7x
topology: tpu7x:2x2x1
jax: 0.10.2.dev20260603
libtpu: 0.0.44.dev20260713+nightly
codegen_flags: <defaults>
</compile_context>

<pallas_src>
import jax
import jax.numpy as jnp
from jax import lax
from jax.experimental import pallas as pl
from jax.experimental.pallas import tpu as pltpu
from jax.experimental.pallas import tpu_sc as plsc
import numpy as np

ROWS = 128
N = 32768
L = 16
C = N // L
BINS = 256
G = 8
NC, NS = 2, 16
NW = NC * NS
RPW = ROWS // NW

_MININT = np.int32(-(2 ** 31))
_ALLONES = np.int32(-1)


def _digit(k, p):
    if p == 0:
        s = k
    else:
        s = lax.shift_right_logical(k, jnp.full((L,), 8 * p, jnp.int32))
    if p == 3:
        return s
    return jnp.bitwise_and(s, jnp.full((L,), 255, jnp.int32))


def _to_key(b):
    return jnp.where(b < 0, jnp.bitwise_xor(b, _ALLONES),
                     jnp.bitwise_xor(b, _MININT))


def _from_key(k):
    return jnp.where(k < 0, jnp.bitwise_xor(k, _MININT),
                     jnp.bitwise_xor(k, _ALLONES))


def _phi(r):
    return jnp.bitwise_or(
        lax.shift_left(jnp.bitwise_and(r, jnp.full((L,), C - 1, jnp.int32)),
                       jnp.full((L,), 4, jnp.int32)),
        lax.shift_right_logical(r, jnp.full((L,), 11, jnp.int32)))


def _sc_sort_body(xs_hbm, out_hbm, buf_f, key_a, key_b, totals, h_a, h_b,
                  in_sem, out_sem):
    wid = lax.axis_index("s") * NC + lax.axis_index("c")
    lanes = lax.iota(jnp.int32, L)
    ones = jnp.full((L,), 1, jnp.int32)
    zeros = jnp.zeros((L,), jnp.int32)
    lane0 = lanes == 0

    def zero(h):
        @plsc.parallel_loop(0, BINS, unroll=4)
        def _z(j):
            h[pl.ds(j * L, L)] = zeros

    def scan(h):
        @plsc.parallel_loop(0, BINS, unroll=4)
        def _local(j):
            sl = pl.ds(j * L, L)
            v = h[sl]
            incl = plsc.cumsum(v)
            h[sl] = incl - v
            plsc.store_scatter(totals, [jnp.full((L,), j, jnp.int32)],
                               jnp.broadcast_to(incl[L - 1], (L,)),
                               mask=lane0)

        def _tot(u, carry):
            sl = pl.ds(u * L, L)
            tv = totals[sl]
            tincl = plsc.cumsum(tv)
            totals[sl] = tincl - tv + carry
            return carry + jnp.sum(tv)
        lax.fori_loop(0, BINS // L, _tot, jnp.int32(0))

        @plsc.parallel_loop(0, BINS, unroll=4)
        def _add(j):
            sl = pl.ds(j * L, L)
            base = plsc.load_gather(totals, [jnp.full((L,), j, jnp.int32)])
            h[sl] = h[sl] + base

    def in_copy(row):
        return pltpu.make_async_copy(xs_hbm.at[row], buf_f, in_sem)

    def out_copy(row):
        return pltpu.make_async_copy(key_b, out_hbm.at[row], out_sem)

    in_copy(wid * RPW).start()

    def do_row(rr, _carry):
        row = wid * RPW + rr
        in_copy(row).wait()

        zero(h_a)

        @plsc.parallel_loop(0, C, unroll=8)
        def _hist0(i):
            b = buf_f[pl.ds(i * L, L)]
            idx = _digit(_to_key(b), 0) * L + lanes
            plsc.addupdate_scatter(h_a, [idx], ones)

        for p in range(4):
            src, dst = [(buf_f, key_a), (key_a, buf_f),
                        (buf_f, key_a), (key_a, key_b)][p]
            h, hn = (h_a, h_b) if p % 2 == 0 else (h_b, h_a)

            scan(h)
            if p < 3:
                zero(hn)
            if p == 3:
                @pl.when(rr + 1 < RPW)
                def _prefetch():
                    in_copy(row + 1).start()

                @pl.when(rr > 0)
                def _drain_out():
                    out_copy(row - 1).wait()

            def perm_body(g, _, p=p, src=src, dst=dst, h=h, hn=hn):
                base = g * G
                ks = []
                for j in range(G):
                    v = src[pl.ds((base + j) * L, L)]
                    ks.append(_to_key(v) if p == 0 else v)
                idxs = [_digit(k, p) * L + lanes for k in ks]
                rs = [plsc.load_gather(h, [idx]) for idx in idxs]
                for j in range(G):
                    c = rs[j]
                    for jp in range(j):
                        c = c + (idxs[jp] == idxs[j]).astype(jnp.int32)
                    rs[j] = c
                for idx in idxs:
                    plsc.addupdate_scatter(h, [idx], ones)
                for j in range(G):
                    if p < 3:
                        plsc.store_scatter(dst, [_phi(rs[j])], ks[j])
                        cell2 = jnp.bitwise_or(
                            lax.shift_left(_digit(ks[j], p + 1),
                                           jnp.full((L,), 4, jnp.int32)),
                            lax.shift_right_logical(
                                rs[j], jnp.full((L,), 11, jnp.int32)))
                        plsc.addupdate_scatter(hn, [cell2], ones)
                    else:
                        plsc.store_scatter(dst, [rs[j]], _from_key(ks[j]))
                return 0
            lax.fori_loop(0, C // G, perm_body, 0)

        out_copy(row).start()
        return 0

    lax.fori_loop(0, RPW, do_row, 0)
    out_copy(wid * RPW + RPW - 1).wait()


_sc_sort = pl.kernel(
    _sc_sort_body,
    out_type=jax.ShapeDtypeStruct((ROWS, N), jnp.int32),
    mesh=plsc.VectorSubcoreMesh(core_axis_name="c", subcore_axis_name="s"),
    compiler_params=pltpu.CompilerParams(needs_layout_passes=False),
    scratch_types=[
        pltpu.VMEM((N,), jnp.int32),
        pltpu.VMEM((N,), jnp.int32),
        pltpu.VMEM((N,), jnp.int32),
        pltpu.VMEM((BINS,), jnp.int32),
        pltpu.VMEM((BINS * L,), jnp.int32),
        pltpu.VMEM((BINS * L,), jnp.int32),
        pltpu.SemaphoreType.DMA,
        pltpu.SemaphoreType.DMA,
    ],
)


def kernel(xs):
    xs_i = lax.bitcast_convert_type(xs, jnp.int32)
    return lax.bitcast_convert_type(_sc_sort(xs_i), jnp.float32)

# --- scband reference (transcript-rebuilt; emitter-appended) ---
"""Pipeline reference for scband-sorting-module-47055661695030 (READ-ONLY COPY).

The authoritative reference and input builder live on the scoring server;
editing this copy changes nothing except your own understanding.
"""

import jax, jax.numpy as jnp
import numpy as np

def setup_inputs(seed: int = 0) -> dict:
    key = jax.random.key(seed)
    xs = jax.random.normal(key, (128, 32768), dtype=jnp.float32)
    return {"xs": xs}

def reference(xs):
    # torch.sort(xs, dim=-1) returns (values, indices); module returns values only
    values = jnp.sort(xs, axis=-1)
    return values

if __name__ == "__main__":
    import jax
    _d = setup_inputs()
    print(jax.jit(kernel)(*tuple(_d.values())))

</pallas_src>

<mosaic_0001>
#map = affine_map<(d0, d1) -> (0, 0)>
module attributes {stable_mosaic.version = 14 : i64} {
  func.func @_sc_sort_body(%arg0: i32, %arg1: i32, %arg2: memref<128x32768xi32, #tpu.memory_space<hbm>>, %arg3: memref<128x32768xi32, #tpu.memory_space<hbm>>, %arg4: memref<32768xi32, #tpu.memory_space<vmem>>, %arg5: memref<32768xi32, #tpu.memory_space<vmem>>, %arg6: memref<32768xi32, #tpu.memory_space<vmem>>, %arg7: memref<256xi32, #tpu.memory_space<vmem>>, %arg8: memref<4096xi32, #tpu.memory_space<vmem>>, %arg9: memref<4096xi32, #tpu.memory_space<vmem>>, %arg10: memref<!tpu.dma_semaphore, #tpu.memory_space<semaphore_mem>>, %arg11: memref<!tpu.dma_semaphore, #tpu.memory_space<semaphore_mem>>) attributes {dimension_semantics = [#tpu.dimension_semantics<core_parallel>, #tpu.dimension_semantics<subcore_parallel>], iteration_bounds = array<i64: 2, 16>, scalar_prefetch = 0 : i64, scratch_operands = 8 : i64, tpu.core_type = #tpu.core_type<sc_vector_subcore>, window_params = [{transform_indices = #map}, {transform_indices = #map}]} {
    %mul3A = arith.constant 2 : i32
    %mul3A_0 = arith.muli %arg1, %mul3A : i32
    %add3A = arith.addi %mul3A_0, %arg0 : i32
    %iota3A = tpu.iota {dimensions = array<i32: 0>} : vector<16xi32>
    %broadcast_in_dim3A = arith.constant 1 : i32
    %broadcast_in_dim3A_1 = vector.broadcast %broadcast_in_dim3A : i32 to vector<16xi32>
    %broadcast_in_dim3A_2 = arith.constant 0 : i32
    %broadcast_in_dim3A_3 = vector.broadcast %broadcast_in_dim3A_2 : i32 to vector<16xi32>
    %eq3A = arith.constant 0 : i32
    %eq3A_4 = vector.broadcast %eq3A : i32 to vector<16xi32>
    %eq3A_5 = arith.cmpi eq, %iota3A, %eq3A_4 : vector<16xi32>
    %mul3A_6 = arith.constant 4 : i32
    %mul3A_7 = arith.muli %add3A, %mul3A_6 : i32
    %dma_start3A = arith.constant 0 : i32
    %dma_start3A_8 = tpu.memref_slice %arg2[%mul3A_7, %dma_start3A] : memref<128x32768xi32, #tpu.memory_space<hbm>> -> memref<1x32768xi32, #tpu.memory_space<hbm>>
    %dma_start3A_9 = tpu.memref_squeeze %dma_start3A_8 : memref<1x32768xi32, #tpu.memory_space<hbm>> -> memref<32768xi32, #tpu.memory_space<hbm>>
    %dma_start3A_10 = arith.constant 0 : i32
    %dma_start3A_11 = tpu.memref_slice %arg2[%mul3A_7, %dma_start3A_10] : memref<128x32768xi32, #tpu.memory_space<hbm>> -> memref<1x32768xi32, #tpu.memory_space<hbm>>
    %dma_start3A_12 = tpu.memref_squeeze %dma_start3A_11 : memref<1x32768xi32, #tpu.memory_space<hbm>> -> memref<32768xi32, #tpu.memory_space<hbm>>
    tpu.enqueue_dma source(%dma_start3A_12 : memref<32768xi32, #tpu.memory_space<hbm>>) target(%arg4 : memref<32768xi32, #tpu.memory_space<vmem>>) target_semaphore(%arg10 : memref<!tpu.dma_semaphore, #tpu.memory_space<semaphore_mem>>)
    %scan3A = arith.constant 0 : i32
    %scan3A_13 = arith.constant 0 : i32
    %scan3A_14 = arith.constant 4 : i32
    %scan3A_15 = arith.addi %scan3A_13, %scan3A_14 : i32
    %scan3A_16 = arith.constant 1 : i32
    %scan3A_17 = scf.for %scan3A_29 = %scan3A_13 to %scan3A_15 step %scan3A_16 iter_args(%scan3A_30 = %scan3A) -> (i32)  : i32 {
      %mul3A_31 = arith.constant 4 : i32
      %mul3A_32 = arith.muli %add3A, %mul3A_31 : i32
      %add3A_33 = arith.addi %mul3A_32, %scan3A_29 : i32
      %dma_wait3A_34 = arith.constant 0 : i32
      %dma_wait3A_35 = tpu.memref_slice %arg2[%add3A_33, %dma_wait3A_34] : memref<128x32768xi32, #tpu.memory_space<hbm>> -> memref<1x32768xi32, #tpu.memory_space<hbm>>
      %dma_wait3A_36 = tpu.memref_squeeze %dma_wait3A_35 : memref<1x32768xi32, #tpu.memory_space<hbm>> -> memref<32768xi32, #tpu.memory_space<hbm>>
      %dma_wait3A_37 = arith.constant 0 : i32
      %dma_wait3A_38 = tpu.memref_slice %arg2[%add3A_33, %dma_wait3A_37] : memref<128x32768xi32, #tpu.memory_space<hbm>> -> memref<1x32768xi32, #tpu.memory_space<hbm>>
      %dma_wait3A_39 = tpu.memref_squeeze %dma_wait3A_38 : memref<1x32768xi32, #tpu.memory_space<hbm>> -> memref<32768xi32, #tpu.memory_space<hbm>>
      tpu.wait_dma2 semaphore(%arg10 : memref<!tpu.dma_semaphore, #tpu.memory_space<semaphore_mem>>) src(%dma_wait3A_39 : memref<32768xi32, #tpu.memory_space<hbm>>) dst(%arg4 : memref<32768xi32, #tpu.memory_space<vmem>>)
      %parallel_loop3A = arith.constant 0 : i32
      %parallel_loop3A_40 = arith.constant 256 : i32
      %parallel_loop3A_41 = arith.constant 1 : i32
      scf.for %parallel_loop3A_149 = %parallel_loop3A to %parallel_loop3A_40 step %parallel_loop3A_41  : i32 {
        %parallel_loop3A_150 = arith.constant 16 : i32
        %parallel_loop3A_151 = arith.muli %parallel_loop3A_149, %parallel_loop3A_150 : i32
        %parallel_loop3A_152 = arith.index_cast %parallel_loop3A_151 : i32 to index
        %parallel_loop3A_153 = tpu.vector_load %arg8[%parallel_loop3A_152] {strides = array<i32>} : memref<4096xi32, #tpu.memory_space<vmem>>, vector<16xi32>,
        tpu.vector_store %arg8[%parallel_loop3A_152], %broadcast_in_dim3A_3 {strides = array<i32>} : memref<4096xi32, #tpu.memory_space<vmem>>, vector<16xi32>,
      } {sc.loop_unroll_factor = 4 : i64, sc.parallel_access}
      %parallel_loop3A_42 = arith.constant 0 : i32
      %parallel_loop3A_43 = arith.constant 2048 : i32
      %parallel_loop3A_44 = arith.constant 1 : i32
      scf.for %parallel_loop3A_149 = %parallel_loop3A_42 to %parallel_loop3A_43 step %parallel_loop3A_44  : i32 {
        %parallel_loop3A_150 = arith.constant 16 : i32
        %parallel_loop3A_151 = arith.muli %parallel_loop3A_149, %parallel_loop3A_150 : i32
        %parallel_loop3A_152 = arith.index_cast %parallel_loop3A_151 : i32 to index
        %parallel_loop3A_153 = tpu.vector_load %arg4[%parallel_loop3A_152] {strides = array<i32>} : memref<32768xi32, #tpu.memory_space<vmem>>, vector<16xi32>,
        %parallel_loop3A_154 = arith.constant 0 : i32
        %parallel_loop3A_155 = vector.broadcast %parallel_loop3A_154 : i32 to vector<16xi32>
        %parallel_loop3A_156 = arith.cmpi slt, %parallel_loop3A_153, %parallel_loop3A_155 : vector<16xi32>
        %parallel_loop3A_157 = arith.constant -1 : i32
        %parallel_loop3A_158 = vector.broadcast %parallel_loop3A_157 : i32 to vector<16xi32>
        %parallel_loop3A_159 = arith.xori %parallel_loop3A_153, %parallel_loop3A_158 : vector<16xi32>
        %parallel_loop3A_160 = arith.constant -2147483648 : i32
        %parallel_loop3A_161 = vector.broadcast %parallel_loop3A_160 : i32 to vector<16xi32>
        %parallel_loop3A_162 = arith.xori %parallel_loop3A_153, %parallel_loop3A_161 : vector<16xi32>
        %parallel_loop3A_163 = arith.select %parallel_loop3A_156, %parallel_loop3A_159, %parallel_loop3A_162 : vector<16xi1>, vector<16xi32>
        %parallel_loop3A_164 = arith.constant 255 : i32
        %parallel_loop3A_165 = vector.broadcast %parallel_loop3A_164 : i32 to vector<16xi32>
        %parallel_loop3A_166 = arith.andi %parallel_loop3A_163, %parallel_loop3A_165 : vector<16xi32>
        %parallel_loop3A_167 = arith.constant 16 : i32
        %parallel_loop3A_168 = vector.broadcast %parallel_loop3A_167 : i32 to vector<16xi32>
        %parallel_loop3A_169 = arith.muli %parallel_loop3A_166, %parallel_loop3A_168 : vector<16xi32>
        %parallel_loop3A_170 = arith.addi %parallel_loop3A_169, %iota3A : vector<16xi32>
        tpu.vector_store_idx %arg8[%parallel_loop3A_170], %broadcast_in_dim3A_1 {add = true} : memref<4096xi32, #tpu.memory_space<vmem>>[vector<16xi32>], vector<16xi32>,
      } {sc.loop_unroll_factor = 8 : i64, sc.parallel_access}
      %parallel_loop3A_45 = arith.constant 0 : i32
      %parallel_loop3A_46 = arith.constant 256 : i32
      %parallel_loop3A_47 = arith.constant 1 : i32
      scf.for %parallel_loop3A_149 = %parallel_loop3A_45 to %parallel_loop3A_46 step %parallel_loop3A_47  : i32 {
        %parallel_loop3A_150 = arith.constant 16 : i32
        %parallel_loop3A_151 = arith.muli %parallel_loop3A_149, %parallel_loop3A_150 : i32
        %parallel_loop3A_152 = arith.index_cast %parallel_loop3A_151 : i32 to index
        %parallel_loop3A_153 = tpu.vector_load %arg8[%parallel_loop3A_152] {strides = array<i32>} : memref<4096xi32, #tpu.memory_space<vmem>>, vector<16xi32>,
        %parallel_loop3A_154 = arith.constant true
        %parallel_loop3A_155 = vector.broadcast %parallel_loop3A_154 : i1 to vector<16xi1>
        %parallel_loop3A_156 = tpu.scan <sum>, %parallel_loop3A_153 masked %parallel_loop3A_155 : vector<16xi32>, vector<16xi1> -> vector<16xi32>
        %parallel_loop3A_157 = arith.subi %parallel_loop3A_156, %parallel_loop3A_153 : vector<16xi32>
        %parallel_loop3A_158 = arith.index_cast %parallel_loop3A_151 : i32 to index
        %parallel_loop3A_159 = tpu.vector_load %arg8[%parallel_loop3A_158] {strides = array<i32>} : memref<4096xi32, #tpu.memory_space<vmem>>, vector<16xi32>,
        tpu.vector_store %arg8[%parallel_loop3A_158], %parallel_loop3A_157 {strides = array<i32>} : memref<4096xi32, #tpu.memory_space<vmem>>, vector<16xi32>,
        %parallel_loop3A_160 = vector.broadcast %parallel_loop3A_149 : i32 to vector<16xi32>
        %parallel_loop3A_161 = vector.extract_strided_slice %parallel_loop3A_156 {offsets = [15], sizes = [1], strides = [1]} : vector<16xi32> to vector<1xi32>
        %parallel_loop3A_162 = vector.extract %parallel_loop3A_161[0] : i32 from vector<1xi32>
        %parallel_loop3A_163 = vector.broadcast %parallel_loop3A_162 : i32 to vector<16xi32>
        tpu.vector_store_idx %arg7[%parallel_loop3A_160], %parallel_loop3A_163 masked %eq3A_5 : memref<256xi32, #tpu.memory_space<vmem>>[vector<16xi32>], vector<16xi32>, vector<16xi1>
      } {sc.loop_unroll_factor = 4 : i64, sc.parallel_access}
      %scan3A_48 = arith.constant 0 : i32
      %scan3A_49 = arith.constant 0 : i32
      %scan3A_50 = arith.constant 16 : i32
      %scan3A_51 = arith.addi %scan3A_49, %scan3A_50 : i32
      %scan3A_52 = arith.constant 1 : i32
      %scan3A_53 = scf.for %scan3A_149 = %scan3A_49 to %scan3A_51 step %scan3A_52 iter_args(%scan3A_150 = %scan3A_48) -> (i32)  : i32 {
        %mul3A_151 = arith.constant 16 : i32
        %mul3A_152 = arith.muli %scan3A_149, %mul3A_151 : i32
        %get3A = arith.index_cast %mul3A_152 : i32 to index
        %get3A_153 = tpu.vector_load %arg7[%get3A] {strides = array<i32>} : memref<256xi32, #tpu.memory_space<vmem>>, vector<16xi32>,
        %broadcast_in_dim3A_154 = arith.constant true
        %broadcast_in_dim3A_155 = vector.broadcast %broadcast_in_dim3A_154 : i1 to vector<16xi1>
        %masked_cumsum3A = tpu.scan <sum>, %get3A_153 masked %broadcast_in_dim3A_155 : vector<16xi32>, vector<16xi1> -> vector<16xi32>
        %sub3A_156 = arith.subi %masked_cumsum3A, %get3A_153 : vector<16xi32>
        %add3A_157 = vector.broadcast %scan3A_150 : i32 to vector<16xi32>
        %add3A_158 = arith.addi %sub3A_156, %add3A_157 : vector<16xi32>
        %swap3A = arith.index_cast %mul3A_152 : i32 to index
        %swap3A_159 = tpu.vector_load %arg7[%swap3A] {strides = array<i32>} : memref<256xi32, #tpu.memory_space<vmem>>, vector<16xi32>,
        tpu.vector_store %arg7[%swap3A], %add3A_158 {strides = array<i32>} : memref<256xi32, #tpu.memory_space<vmem>>, vector<16xi32>,
        %reduce_sum3A = arith.constant true
        %reduce_sum3A_160 = vector.broadcast %reduce_sum3A : i1 to vector<16xi1>
        %reduce_sum3A_161 = tpu.scan <sum>, %get3A_153 masked %reduce_sum3A_160 : vector<16xi32>, vector<16xi1> -> vector<16xi32>
        %reduce_sum3A_162 = vector.extract %reduce_sum3A_161[15] : i32 from vector<16xi32>
        %add3A_163 = arith.addi %scan3A_150, %reduce_sum3A_162 : i32
        scf.yield %add3A_163 : i32
      }
      %scan3A_54 = arith.constant 16 : i32
      %parallel_loop3A_55 = arith.constant 0 : i32
      %parallel_loop3A_56 = arith.constant 256 : i32
      %parallel_loop3A_57 = arith.constant 1 : i32
      scf.for %parallel_loop3A_149 = %parallel_loop3A_55 to %parallel_loop3A_56 step %parallel_loop3A_57  : i32 {
        %parallel_loop3A_150 = arith.constant 16 : i32
        %parallel_loop3A_151 = arith.muli %parallel_loop3A_149, %parallel_loop3A_150 : i32
        %parallel_loop3A_152 = vector.broadcast %parallel_loop3A_149 : i32 to vector<16xi32>
        %parallel_loop3A_153 = tpu.vector_load_idx %arg7[%parallel_loop3A_152] : memref<256xi32, #tpu.memory_space<vmem>>[vector<16xi32>], vector<16xi32>,
        %parallel_loop3A_154 = arith.index_cast %parallel_loop3A_151 : i32 to index
        %parallel_loop3A_155 = tpu.vector_load %arg8[%parallel_loop3A_154] {strides = array<i32>} : memref<4096xi32, #tpu.memory_space<vmem>>, vector<16xi32>,
        %parallel_loop3A_156 = arith.addi %parallel_loop3A_155, %parallel_loop3A_153 : vector<16xi32>
        %parallel_loop3A_157 = arith.index_cast %parallel_loop3A_151 : i32 to index
        %parallel_loop3A_158 = tpu.vector_load %arg8[%parallel_loop3A_157] {strides = array<i32>} : memref<4096xi32, #tpu.memory_space<vmem>>, vector<16xi32>,
        tpu.vector_store %arg8[%parallel_loop3A_157], %parallel_loop3A_156 {strides = array<i32>} : memref<4096xi32, #tpu.memory_space<vmem>>, vector<16xi32>,
      } {sc.loop_unroll_factor = 4 : i64, sc.parallel_access}
      %parallel_loop3A_58 = arith.constant 0 : i32
      %parallel_loop3A_59 = arith.constant 256 : i32
      %parallel_loop3A_60 = arith.constant 1 : i32
      scf.for %parallel_loop3A_149 = %parallel_loop3A_58 to %parallel_loop3A_59 step %parallel_loop3A_60  : i32 {
        %parallel_loop3A_150 = arith.constant 16 : i32
        %parallel_loop3A_151 = arith.muli %parallel_loop3A_149, %parallel_loop3A_150 : i32
        %parallel_loop3A_152 = arith.index_cast %parallel_loop3A_151 : i32 to index
        %parallel_loop3A_153 = tpu.vector_load %arg9[%parallel_loop3A_152] {strides = array<i32>} : memref<4096xi32, #tpu.memory_space<vmem>>, vector<16xi32>,
        tpu.vector_store %arg9[%parallel_loop3A_152], %broadcast_in_dim3A_3 {strides = array<i32>} : memref<4096xi32, #tpu.memory_space<vmem>>, vector<16xi32>,
      } {sc.loop_unroll_factor = 4 : i64, sc.parallel_access}
      %scan3A_61 = arith.constant 0 : i32
      %scan3A_62 = arith.constant 0 : i32
      %scan3A_63 = arith.constant 256 : i32
      %scan3A_64 = arith.addi %scan3A_62, %scan3A_63 : i32
      %scan3A_65 = arith.constant 1 : i32
      %scan3A_66 = scf.for %scan3A_149 = %scan3A_62 to %scan3A_64 step %scan3A_65 iter_args(%scan3A_150 = %scan3A_61) -> (i32)  : i32 {
        %mul3A_151 = arith.constant 8 : i32
        %mul3A_152 = arith.muli %scan3A_149, %mul3A_151 : i32
        %add3A_153 = arith.constant 0 : i32
        %add3A_154 = arith.addi %mul3A_152, %add3A_153 : i32
        %mul3A_155 = arith.constant 16 : i32
        %mul3A_156 = arith.muli %add3A_154, %mul3A_155 : i32
        %get3A = arith.index_cast %mul3A_156 : i32 to index
        %get3A_157 = tpu.vector_load %arg4[%get3A] {strides = array<i32>} : memref<32768xi32, #tpu.memory_space<vmem>>, vector<16xi32>,
        %lt3A_158 = arith.constant 0 : i32
        %lt3A_159 = vector.broadcast %lt3A_158 : i32 to vector<16xi32>
        %lt3A_160 = arith.cmpi slt, %get3A_157, %lt3A_159 : vector<16xi32>
        %xor3A = arith.constant -1 : i32
        %xor3A_161 = vector.broadcast %xor3A : i32 to vector<16xi32>
        %xor3A_162 = arith.xori %get3A_157, %xor3A_161 : vector<16xi32>
        %xor3A_163 = arith.constant -2147483648 : i32
        %xor3A_164 = vector.broadcast %xor3A_163 : i32 to vector<16xi32>
        %xor3A_165 = arith.xori %get3A_157, %xor3A_164 : vector<16xi32>
        %select_n3A = arith.select %lt3A_160, %xor3A_162, %xor3A_165 : vector<16xi1>, vector<16xi32>
        %add3A_166 = arith.constant 1 : i32
        %add3A_167 = arith.addi %mul3A_152, %add3A_166 : i32
        %mul3A_168 = arith.constant 16 : i32
        %mul3A_169 = arith.muli %add3A_167, %mul3A_168 : i32
        %get3A_170 = arith.index_cast %mul3A_169 : i32 to index
        %get3A_171 = tpu.vector_load %arg4[%get3A_170] {strides = array<i32>} : memref<32768xi32, #tpu.memory_space<vmem>>, vector<16xi32>,
        %lt3A_172 = arith.constant 0 : i32
        %lt3A_173 = vector.broadcast %lt3A_172 : i32 to vector<16xi32>
        %lt3A_174 = arith.cmpi slt, %get3A_171, %lt3A_173 : vector<16xi32>
        %xor3A_175 = arith.constant -1 : i32
        %xor3A_176 = vector.broadcast %xor3A_175 : i32 to vector<16xi32>
        %xor3A_177 = arith.xori %get3A_171, %xor3A_176 : vector<16xi32>
        %xor3A_178 = arith.constant -2147483648 : i32
        %xor3A_179 = vector.broadcast %xor3A_178 : i32 to vector<16xi32>
        %xor3A_180 = arith.xori %get3A_171, %xor3A_179 : vector<16xi32>
        %select_n3A_181 = arith.select %lt3A_174, %xor3A_177, %xor3A_180 : vector<16xi1>, vector<16xi32>
        %add3A_182 = arith.constant 2 : i32
        %add3A_183 = arith.addi %mul3A_152, %add3A_182 : i32
        %mul3A_184 = arith.constant 16 : i32
        %mul3A_185 = arith.muli %add3A_183, %mul3A_184 : i32
        %get3A_186 = arith.index_cast %mul3A_185 : i32 to index
        %get3A_187 = tpu.vector_load %arg4[%get3A_186] {strides = array<i32>} : memref<32768xi32, #tpu.memory_space<vmem>>, vector<16xi32>,
        %lt3A_188 = arith.constant 0 : i32
        %lt3A_189 = vector.broadcast %lt3A_188 : i32 to vector<16xi32>
        %lt3A_190 = arith.cmpi slt, %get3A_187, %lt3A_189 : vector<16xi32>
        %xor3A_191 = arith.constant -1 : i32
        %xor3A_192 = vector.broadcast %xor3A_191 : i32 to vector<16xi32>
        %xor3A_193 = arith.xori %get3A_187, %xor3A_192 : vector<16xi32>
        %xor3A_194 = arith.constant -2147483648 : i32
        %xor3A_195 = vector.broadcast %xor3A_194 : i32 to vector<16xi32>
        %xor3A_196 = arith.xori %get3A_187, %xor3A_195 : vector<16xi32>
        %select_n3A_197 = arith.select %lt3A_190, %xor3A_193, %xor3A_196 : vector<16xi1>, vector<16xi32>
        %add3A_198 = arith.constant 3 : i32
        %add3A_199 = arith.addi %mul3A_152, %add3A_198 : i32
        %mul3A_200 = arith.constant 16 : i32
        %mul3A_201 = arith.muli %add3A_199, %mul3A_200 : i32
        %get3A_202 = arith.index_cast %mul3A_201 : i32 to index
        %get3A_203 = tpu.vector_load %arg4[%get3A_202] {strides = array<i32>} : memref<32768xi32, #tpu.memory_space<vmem>>, vector<16xi32>,
        %lt3A_204 = arith.constant 0 : i32
        %lt3A_205 = vector.broadcast %lt3A_204 : i32 to vector<16xi32>
        %lt3A_206 = arith.cmpi slt, %get3A_203, %lt3A_205 : vector<16xi32>
        %xor3A_207 = arith.constant -1 : i32
        %xor3A_208 = vector.broadcast %xor3A_207 : i32 to vector<16xi32>
        %xor3A_209 = arith.xori %get3A_203, %xor3A_208 : vector<16xi32>
        %xor3A_210 = arith.constant -2147483648 : i32
        %xor3A_211 = vector.broadcast %xor3A_210 : i32 to vector<16xi32>
        %xor3A_212 = arith.xori %get3A_203, %xor3A_211 : vector<16xi32>
        %select_n3A_213 = arith.select %lt3A_206, %xor3A_209, %xor3A_212 : vector<16xi1>, vector<16xi32>
        %add3A_214 = arith.constant 4 : i32
        %add3A_215 = arith.addi %mul3A_152, %add3A_214 : i32
        %mul3A_216 = arith.constant 16 : i32
        %mul3A_217 = arith.muli %add3A_215, %mul3A_216 : i32
        %get3A_218 = arith.index_cast %mul3A_217 : i32 to index
        %get3A_219 = tpu.vector_load %arg4[%get3A_218] {strides = array<i32>} : memref<32768xi32, #tpu.memory_space<vmem>>, vector<16xi32>,
        %lt3A_220 = arith.constant 0 : i32
        %lt3A_221 = vector.broadcast %lt3A_220 : i32 to vector<16xi32>
        %lt3A_222 = arith.cmpi slt, %get3A_219, %lt3A_221 : vector<16xi32>
        %xor3A_223 = arith.constant -1 : i32
        %xor3A_224 = vector.broadcast %xor3A_223 : i32 to vector<16xi32>
        %xor3A_225 = arith.xori %get3A_219, %xor3A_224 : vector<16xi32>
        %xor3A_226 = arith.constant -2147483648 : i32
        %xor3A_227 = vector.broadcast %xor3A_226 : i32 to vector<16xi32>
        %xor3A_228 = arith.xori %get3A_219, %xor3A_227 : vector<16xi32>
        %select_n3A_229 = arith.select %lt3A_222, %xor3A_225, %xor3A_228 : vector<16xi1>, vector<16xi32>
        %add3A_230 = arith.constant 5 : i32
        %add3A_231 = arith.addi %mul3A_152, %add3A_230 : i32
        %mul3A_232 = arith.constant 16 : i32
        %mul3A_233 = arith.muli %add3A_231, %mul3A_232 : i32
        %get3A_234 = arith.index_cast %mul3A_233 : i32 to index
        %get3A_235 = tpu.vector_load %arg4[%get3A_234] {strides = array<i32>} : memref<32768xi32, #tpu.memory_space<vmem>>, vector<16xi32>,
        %lt3A_236 = arith.constant 0 : i32
        %lt3A_237 = vector.broadcast %lt3A_236 : i32 to vector<16xi32>
        %lt3A_238 = arith.cmpi slt, %get3A_235, %lt3A_237 : vector<16xi32>
        %xor3A_239 = arith.constant -1 : i32
        %xor3A_240 = vector.broadcast %xor3A_239 : i32 to vector<16xi32>
        %xor3A_241 = arith.xori %get3A_235, %xor3A_240 : vector<16xi32>
        %xor3A_242 = arith.constant -2147483648 : i32
        %xor3A_243 = vector.broadcast %xor3A_242 : i32 to vector<16xi32>
        %xor3A_244 = arith.xori %get3A_235, %xor3A_243 : vector<16xi32>
        %select_n3A_245 = arith.select %lt3A_238, %xor3A_241, %xor3A_244 : vector<16xi1>, vector<16xi32>
        %add3A_246 = arith.constant 6 : i32
        %add3A_247 = arith.addi %mul3A_152, %add3A_246 : i32
        %mul3A_248 = arith.constant 16 : i32
        %mul3A_249 = arith.muli %add3A_247, %mul3A_248 : i32
        %get3A_250 = arith.index_cast %mul3A_249 : i32 to index
        %get3A_251 = tpu.vector_load %arg4[%get3A_250] {strides = array<i32>} : memref<32768xi32, #tpu.memory_space<vmem>>, vector<16xi32>,
        %lt3A_252 = arith.constant 0 : i32
        %lt3A_253 = vector.broadcast %lt3A_252 : i32 to vector<16xi32>
        %lt3A_254 = arith.cmpi slt, %get3A_251, %lt3A_253 : vector<16xi32>
        %xor3A_255 = arith.constant -1 : i32
        %xor3A_256 = vector.broadcast %xor3A_255 : i32 to vector<16xi32>
        %xor3A_257 = arith.xori %get3A_251, %xor3A_256 : vector<16xi32>
        %xor3A_258 = arith.constant -2147483648 : i32
        %xor3A_259 = vector.broadcast %xor3A_258 : i32 to vector<16xi32>
        %xor3A_260 = arith.xori %get3A_251, %xor3A_259 : vector<16xi32>
        %select_n3A_261 = arith.select %lt3A_254, %xor3A_257, %xor3A_260 : vector<16xi1>, vector<16xi32>
        %add3A_262 = arith.constant 7 : i32
        %add3A_263 = arith.addi %mul3A_152, %add3A_262 : i32
        %mul3A_264 = arith.constant 16 : i32
        %mul3A_265 = arith.muli %add3A_263, %mul3A_264 : i32
        %get3A_266 = arith.index_cast %mul3A_265 : i32 to index
        %get3A_267 = tpu.vector_load %arg4[%get3A_266] {strides = array<i32>} : memref<32768xi32, #tpu.memory_space<vmem>>, vector<16xi32>,
        %lt3A_268 = arith.constant 0 : i32
        %lt3A_269 = vector.broadcast %lt3A_268 : i32 to vector<16xi32>
        %lt3A_270 = arith.cmpi slt, %get3A_267, %lt3A_269 : vector<16xi32>
        %xor3A_271 = arith.constant -1 : i32
        %xor3A_272 = vector.broadcast %xor3A_271 : i32 to vector<16xi32>
        %xor3A_273 = arith.xori %get3A_267, %xor3A_272 : vector<16xi32>
        %xor3A_274 = arith.constant -2147483648 : i32
        %xor3A_275 = vector.broadcast %xor3A_274 : i32 to vector<16xi32>
        %xor3A_276 = arith.xori %get3A_267, %xor3A_275 : vector<16xi32>
        %select_n3A_277 = arith.select %lt3A_270, %xor3A_273, %xor3A_276 : vector<16xi1>, vector<16xi32>
        %broadcast_in_dim3A_278 = arith.constant 255 : i32
        %broadcast_in_dim3A_279 = vector.broadcast %broadcast_in_dim3A_278 : i32 to vector<16xi32>
        %and3A = arith.andi %select_n3A, %broadcast_in_dim3A_279 : vector<16xi32>
        %mul3A_280 = arith.constant 16 : i32
        %mul3A_281 = vector.broadcast %mul3A_280 : i32 to vector<16xi32>
        %mul3A_282 = arith.muli %and3A, %mul3A_281 : vector<16xi32>
        %add3A_283 = arith.addi %mul3A_282, %iota3A : vector<16xi32>
        %broadcast_in_dim3A_284 = arith.constant 255 : i32
        %broadcast_in_dim3A_285 = vector.broadcast %broadcast_in_dim3A_284 : i32 to vector<16xi32>
        %and3A_286 = arith.andi %select_n3A_181, %broadcast_in_dim3A_285 : vector<16xi32>
        %mul3A_287 = arith.constant 16 : i32
        %mul3A_288 = vector.broadcast %mul3A_287 : i32 to vector<16xi32>
        %mul3A_289 = arith.muli %and3A_286, %mul3A_288 : vector<16xi32>
        %add3A_290 = arith.addi %mul3A_289, %iota3A : vector<16xi32>
        %broadcast_in_dim3A_291 = arith.constant 255 : i32
        %broadcast_in_dim3A_292 = vector.broadcast %broadcast_in_dim3A_291 : i32 to vector<16xi32>
        %and3A_293 = arith.andi %select_n3A_197, %broadcast_in_dim3A_292 : vector<16xi32>
        %mul3A_294 = arith.constant 16 : i32
        %mul3A_295 = vector.broadcast %mul3A_294 : i32 to vector<16xi32>
        %mul3A_296 = arith.muli %and3A_293, %mul3A_295 : vector<16xi32>
        %add3A_297 = arith.addi %mul3A_296, %iota3A : vector<16xi32>
        %broadcast_in_dim3A_298 = arith.constant 255 : i32
        %broadcast_in_dim3A_299 = vector.broadcast %broadcast_in_dim3A_298 : i32 to vector<16xi32>
        %and3A_300 = arith.andi %select_n3A_213, %broadcast_in_dim3A_299 : vector<16xi32>
        %mul3A_301 = arith.constant 16 : i32
        %mul3A_302 = vector.broadcast %mul3A_301 : i32 to vector<16xi32>
        %mul3A_303 = arith.muli %and3A_300, %mul3A_302 : vector<16xi32>
        %add3A_304 = arith.addi %mul3A_303, %iota3A : vector<16xi32>
        %broadcast_in_dim3A_305 = arith.constant 255 : i32
        %broadcast_in_dim3A_306 = vector.broadcast %broadcast_in_dim3A_305 : i32 to vector<16xi32>
        %and3A_307 = arith.andi %select_n3A_229, %broadcast_in_dim3A_306 : vector<16xi32>
        %mul3A_308 = arith.constant 16 : i32
        %mul3A_309 = vector.broadcast %mul3A_308 : i32 to vector<16xi32>
        %mul3A_310 = arith.muli %and3A_307, %mul3A_309 : vector<16xi32>
        %add3A_311 = arith.addi %mul3A_310, %iota3A : vector<16xi32>
        %broadcast_in_dim3A_312 = arith.constant 255 : i32
        %broadcast_in_dim3A_313 = vector.broadcast %broadcast_in_dim3A_312 : i32 to vector<16xi32>
        %and3A_314 = arith.andi %select_n3A_245, %broadcast_in_dim3A_313 : vector<16xi32>
        %mul3A_315 = arith.constant 16 : i32
        %mul3A_316 = vector.broadcast %mul3A_315 : i32 to vector<16xi32>
        %mul3A_317 = arith.muli %and3A_314, %mul3A_316 : vector<16xi32>
        %add3A_318 = arith.addi %mul3A_317, %iota3A : vector<16xi32>
        %broadcast_in_dim3A_319 = arith.constant 255 : i32
        %broadcast_in_dim3A_320 = vector.broadcast %broadcast_in_dim3A_319 : i32 to vector<16xi32>
        %and3A_321 = arith.andi %select_n3A_261, %broadcast_in_dim3A_320 : vector<16xi32>
        %mul3A_322 = arith.constant 16 : i32
        %mul3A_323 = vector.broadcast %mul3A_322 : i32 to vector<16xi32>
        %mul3A_324 = arith.muli %and3A_321, %mul3A_323 : vector<16xi32>
        %add3A_325 = arith.addi %mul3A_324, %iota3A : vector<16xi32>
        %broadcast_in_dim3A_326 = arith.constant 255 : i32
        %broadcast_in_dim3A_327 = vector.broadcast %broadcast_in_dim3A_326 : i32 to vector<16xi32>
        %and3A_328 = arith.andi %select_n3A_277, %broadcast_in_dim3A_327 : vector<16xi32>
        %mul3A_329 = arith.constant 16 : i32
        %mul3A_330 = vector.broadcast %mul3A_329 : i32 to vector<16xi32>
        %mul3A_331 = arith.muli %and3A_328, %mul3A_330 : vector<16xi32>
        %add3A_332 = arith.addi %mul3A_331, %iota3A : vector<16xi32>
        %gather3A = tpu.vector_load_idx %arg8[%add3A_283] : memref<4096xi32, #tpu.memory_space<vmem>>[vector<16xi32>], vector<16xi32>,
        %gather3A_333 = tpu.vector_load_idx %arg8[%add3A_290] : memref<4096xi32, #tpu.memory_space<vmem>>[vector<16xi32>], vector<16xi32>,
        %gather3A_334 = tpu.vector_load_idx %arg8[%add3A_297] : memref<4096xi32, #tpu.memory_space<vmem>>[vector<16xi32>], vector<16xi32>,
        %gather3A_335 = tpu.vector_load_idx %arg8[%add3A_304] : memref<4096xi32, #tpu.memory_space<vmem>>[vector<16xi32>], vector<16xi32>,
        %gather3A_336 = tpu.vector_load_idx %arg8[%add3A_311] : memref<4096xi32, #tpu.memory_space<vmem>>[vector<16xi32>], vector<16xi32>,
        %gather3A_337 = tpu.vector_load_idx %arg8[%add3A_318] : memref<4096xi32, #tpu.memory_space<vmem>>[vector<16xi32>], vector<16xi32>,
        %gather3A_338 = tpu.vector_load_idx %arg8[%add3A_325] : memref<4096xi32, #tpu.memory_space<vmem>>[vector<16xi32>], vector<16xi32>,
        %gather3A_339 = tpu.vector_load_idx %arg8[%add3A_332] : memref<4096xi32, #tpu.memory_space<vmem>>[vector<16xi32>], vector<16xi32>,
        %eq3A_340 = arith.cmpi eq, %add3A_283, %add3A_290 : vector<16xi32>
        %convert_element_type3A_341 = arith.extui %eq3A_340 : vector<16xi1> to vector<16xi32>
        %add3A_342 = arith.addi %gather3A_333, %convert_element_type3A_341 : vector<16xi32>
        %eq3A_343 = arith.cmpi eq, %add3A_283, %add3A_297 : vector<16xi32>
        %convert_element_type3A_344 = arith.extui %eq3A_343 : vector<16xi1> to vector<16xi32>
        %add3A_345 = arith.addi %gather3A_334, %convert_element_type3A_344 : vector<16xi32>
        %eq3A_346 = arith.cmpi eq, %add3A_290, %add3A_297 : vector<16xi32>
        %convert_element_type3A_347 = arith.extui %eq3A_346 : vector<16xi1> to vector<16xi32>
        %add3A_348 = arith.addi %add3A_345, %convert_element_type3A_347 : vector<16xi32>
        %eq3A_349 = arith.cmpi eq, %add3A_283, %add3A_304 : vector<16xi32>
        %convert_element_type3A_350 = arith.extui %eq3A_349 : vector<16xi1> to vector<16xi32>
        %add3A_351 = arith.addi %gather3A_335, %convert_element_type3A_350 : vector<16xi32>
        %eq3A_352 = arith.cmpi eq, %add3A_290, %add3A_304 : vector<16xi32>
        %convert_element_type3A_353 = arith.extui %eq3A_352 : vector<16xi1> to vector<16xi32>
        %add3A_354 = arith.addi %add3A_351, %convert_element_type3A_353 : vector<16xi32>
        %eq3A_355 = arith.cmpi eq, %add3A_297, %add3A_304 : vector<16xi32>
        %convert_element_type3A_356 = arith.extui %eq3A_355 : vector<16xi1> to vector<16xi32>
        %add3A_357 = arith.addi %add3A_354, %convert_element_type3A_356 : vector<16xi32>
        %eq3A_358 = arith.cmpi eq, %add3A_283, %add3A_311 : vector<16xi32>
        %convert_element_type3A_359 = arith.extui %eq3A_358 : vector<16xi1> to vector<16xi32>
        %add3A_360 = arith.addi %gather3A_336, %convert_element_type3A_359 : vector<16xi32>
        %eq3A_361 = arith.cmpi eq, %add3A_290, %add3A_311 : vector<16xi32>
        %convert_element_type3A_362 = arith.extui %eq3A_361 : vector<16xi1> to vector<16xi32>
        %add3A_363 = arith.addi %add3A_360, %convert_element_type3A_362 : vector<16xi32>
        %eq3A_364 = arith.cmpi eq, %add3A_297, %add3A_311 : vector<16xi32>
        %convert_element_type3A_365 = arith.extui %eq3A_364 : vector<16xi1> to vector<16xi32>
        %add3A_366 = arith.addi %add3A_363, %convert_element_type3A_365 : vector<16xi32>
        %eq3A_367 = arith.cmpi eq, %add3A_304, %add3A_311 : vector<16xi32>
        %convert_element_type3A_368 = arith.extui %eq3A_367 : vector<16xi1> to vector<16xi32>
        %add3A_369 = arith.addi %add3A_366, %convert_element_type3A_368 : vector<16xi32>
        %eq3A_370 = arith.cmpi eq, %add3A_283, %add3A_318 : vector<16xi32>
        %convert_element_type3A_371 = arith.extui %eq3A_370 : vector<16xi1> to vector<16xi32>
        %add3A_372 = arith.addi %gather3A_337, %convert_element_type3A_371 : vector<16xi32>
        %eq3A_373 = arith.cmpi eq, %add3A_290, %add3A_318 : vector<16xi32>
        %convert_element_type3A_374 = arith.extui %eq3A_373 : vector<16xi1> to vector<16xi32>
        %add3A_375 = arith.addi %add3A_372, %convert_element_type3A_374 : vector<16xi32>
        %eq3A_376 = arith.cmpi eq, %add3A_297, %add3A_318 : vector<16xi32>
        %convert_element_type3A_377 = arith.extui %eq3A_376 : vector<16xi1> to vector<16xi32>
        %add3A_378 = arith.addi %add3A_375, %convert_element_type3A_377 : vector<16xi32>
        %eq3A_379 = arith.cmpi eq, %add3A_304, %add3A_318 : vector<16xi32>
        %convert_element_type3A_380 = arith.extui %eq3A_379 : vector<16xi1> to vector<16xi32>
        %add3A_381 = arith.addi %add3A_378, %convert_element_type3A_380 : vector<16xi32>
        %eq3A_382 = arith.cmpi eq, %add3A_311, %add3A_318 : vector<16xi32>
        %convert_element_type3A_383 = arith.extui %eq3A_382 : vector<16xi1> to vector<16xi32>
        %add3A_384 = arith.addi %add3A_381, %convert_element_type3A_383 : vector<16xi32>
        %eq3A_385 = arith.cmpi eq, %add3A_283, %add3A_325 : vector<16xi32>
        %convert_element_type3A_386 = arith.extui %eq3A_385 : vector<16xi1> to vector<16xi32>
        %add3A_387 = arith.addi %gather3A_338, %convert_element_type3A_386 : vector<16xi32>
        %eq3A_388 = arith.cmpi eq, %add3A_290, %add3A_325 : vector<16xi32>
        %convert_element_type3A_389 = arith.extui %eq3A_388 : vector<16xi1> to vector<16xi32>
        %add3A_390 = arith.addi %add3A_387, %convert_element_type3A_389 : vector<16xi32>
        %eq3A_391 = arith.cmpi eq, %add3A_297, %add3A_325 : vector<16xi32>
        %convert_element_type3A_392 = arith.extui %eq3A_391 : vector<16xi1> to vector<16xi32>
        %add3A_393 = arith.addi %add3A_390, %convert_element_type3A_392 : vector<16xi32>
        %eq3A_394 = arith.cmpi eq, %add3A_304, %add3A_325 : vector<16xi32>
        %convert_element_type3A_395 = arith.extui %eq3A_394 : vector<16xi1> to vector<16xi32>
        %add3A_396 = arith.addi %add3A_393, %convert_element_type3A_395 : vector<16xi32>
        %eq3A_397 = arith.cmpi eq, %add3A_311, %add3A_325 : vector<16xi32>
        %convert_element_type3A_398 = arith.extui %eq3A_397 : vector<16xi1> to vector<16xi32>
        %add3A_399 = arith.addi %add3A_396, %convert_element_type3A_398 : vector<16xi32>
        %eq3A_400 = arith.cmpi eq, %add3A_318, %add3A_325 : vector<16xi32>
        %convert_element_type3A_401 = arith.extui %eq3A_400 : vector<16xi1> to vector<16xi32>
        %add3A_402 = arith.addi %add3A_399, %convert_element_type3A_401 : vector<16xi32>
        %eq3A_403 = arith.cmpi eq, %add3A_283, %add3A_332 : vector<16xi32>
        %convert_element_type3A_404 = arith.extui %eq3A_403 : vector<16xi1> to vector<16xi32>
        %add3A_405 = arith.addi %gather3A_339, %convert_element_type3A_404 : vector<16xi32>
        %eq3A_406 = arith.cmpi eq, %add3A_290, %add3A_332 : vector<16xi32>
        %convert_element_type3A_407 = arith.extui %eq3A_406 : vector<16xi1> to vector<16xi32>
        %add3A_408 = arith.addi %add3A_405, %convert_element_type3A_407 : vector<16xi32>
        %eq3A_409 = arith.cmpi eq, %add3A_297, %add3A_332 : vector<16xi32>
        %convert_element_type3A_410 = arith.extui %eq3A_409 : vector<16xi1> to vector<16xi32>
        %add3A_411 = arith.addi %add3A_408, %convert_element_type3A_410 : vector<16xi32>
        %eq3A_412 = arith.cmpi eq, %add3A_304, %add3A_332 : vector<16xi32>
        %convert_element_type3A_413 = arith.extui %eq3A_412 : vector<16xi1> to vector<16xi32>
        %add3A_414 = arith.addi %add3A_411, %convert_element_type3A_413 : vector<16xi32>
        %eq3A_415 = arith.cmpi eq, %add3A_311, %add3A_332 : vector<16xi32>
        %convert_element_type3A_416 = arith.extui %eq3A_415 : vector<16xi1> to vector<16xi32>
        %add3A_417 = arith.addi %add3A_414, %convert_element_type3A_416 : vector<16xi32>
        %eq3A_418 = arith.cmpi eq, %add3A_318, %add3A_332 : vector<16xi32>
        %convert_element_type3A_419 = arith.extui %eq3A_418 : vector<16xi1> to vector<16xi32>
        %add3A_420 = arith.addi %add3A_417, %convert_element_type3A_419 : vector<16xi32>
        %eq3A_421 = arith.cmpi eq, %add3A_325, %add3A_332 : vector<16xi32>
        %convert_element_type3A_422 = arith.extui %eq3A_421 : vector<16xi1> to vector<16xi32>
        %add3A_423 = arith.addi %add3A_420, %convert_element_type3A_422 : vector<16xi32>
        tpu.vector_store_idx %arg8[%add3A_283], %broadcast_in_dim3A_1 {add = true} : memref<4096xi32, #tpu.memory_space<vmem>>[vector<16xi32>], vector<16xi32>,
        tpu.vector_store_idx %arg8[%add3A_290], %broadcast_in_dim3A_1 {add = true} : memref<4096xi32, #tpu.memory_space<vmem>>[vector<16xi32>], vector<16xi32>,
        tpu.vector_store_idx %arg8[%add3A_297], %broadcast_in_dim3A_1 {add = true} : memref<4096xi32, #tpu.memory_space<vmem>>[vector<16xi32>], vector<16xi32>,
        tpu.vector_store_idx %arg8[%add3A_304], %broadcast_in_dim3A_1 {add = true} : memref<4096xi32, #tpu.memory_space<vmem>>[vector<16xi32>], vector<16xi32>,
        tpu.vector_store_idx %arg8[%add3A_311], %broadcast_in_dim3A_1 {add = true} : memref<4096xi32, #tpu.memory_space<vmem>>[vector<16xi32>], vector<16xi32>,
        tpu.vector_store_idx %arg8[%add3A_318], %broadcast_in_dim3A_1 {add = true} : memref<4096xi32, #tpu.memory_space<vmem>>[vector<16xi32>], vector<16xi32>,
        tpu.vector_store_idx %arg8[%add3A_325], %broadcast_in_dim3A_1 {add = true} : memref<4096xi32, #tpu.memory_space<vmem>>[vector<16xi32>], vector<16xi32>,
        tpu.vector_store_idx %arg8[%add3A_332], %broadcast_in_dim3A_1 {add = true} : memref<4096xi32, #tpu.memory_space<vmem>>[vector<16xi32>], vector<16xi32>,
        %broadcast_in_dim3A_424 = arith.constant 2047 : i32
        %broadcast_in_dim3A_425 = vector.broadcast %broadcast_in_dim3A_424 : i32 to vector<16xi32>
        %and3A_426 = arith.andi %gather3A, %broadcast_in_dim3A_425 : vector<16xi32>
        %broadcast_in_dim3A_427 = arith.constant 4 : i32
        %broadcast_in_dim3A_428 = vector.broadcast %broadcast_in_dim3A_427 : i32 to vector<16xi32>
        %shift_left3A = arith.shli %and3A_426, %broadcast_in_dim3A_428 : vector<16xi32>
        %broadcast_in_dim3A_429 = arith.constant 11 : i32
        %broadcast_in_dim3A_430 = vector.broadcast %broadcast_in_dim3A_429 : i32 to vector<16xi32>
        %shift_right_logical3A = arith.shrui %gather3A, %broadcast_in_dim3A_430 : vector<16xi32>
        %or3A = arith.ori %shift_left3A, %shift_right_logical3A : vector<16xi32>
        tpu.vector_store_idx %arg5[%or3A], %select_n3A : memref<32768xi32, #tpu.memory_space<vmem>>[vector<16xi32>], vector<16xi32>,
        %broadcast_in_dim3A_431 = arith.constant 8 : i32
        %broadcast_in_dim3A_432 = vector.broadcast %broadcast_in_dim3A_431 : i32 to vector<16xi32>
        %shift_right_logical3A_433 = arith.shrui %select_n3A, %broadcast_in_dim3A_432 : vector<16xi32>
        %broadcast_in_dim3A_434 = arith.constant 255 : i32
        %broadcast_in_dim3A_435 = vector.broadcast %broadcast_in_dim3A_434 : i32 to vector<16xi32>
        %and3A_436 = arith.andi %shift_right_logical3A_433, %broadcast_in_dim3A_435 : vector<16xi32>
        %broadcast_in_dim3A_437 = arith.constant 4 : i32
        %broadcast_in_dim3A_438 = vector.broadcast %broadcast_in_dim3A_437 : i32 to vector<16xi32>
        %shift_left3A_439 = arith.shli %and3A_436, %broadcast_in_dim3A_438 : vector<16xi32>
        %broadcast_in_dim3A_440 = arith.constant 11 : i32
        %broadcast_in_dim3A_441 = vector.broadcast %broadcast_in_dim3A_440 : i32 to vector<16xi32>
        %shift_right_logical3A_442 = arith.shrui %gather3A, %broadcast_in_dim3A_441 : vector<16xi32>
        %or3A_443 = arith.ori %shift_left3A_439, %shift_right_logical3A_442 : vector<16xi32>
        tpu.vector_store_idx %arg9[%or3A_443], %broadcast_in_dim3A_1 {add = true} : memref<4096xi32, #tpu.memory_space<vmem>>[vector<16xi32>], vector<16xi32>,
        %broadcast_in_dim3A_444 = arith.constant 2047 : i32
        %broadcast_in_dim3A_445 = vector.broadcast %broadcast_in_dim3A_444 : i32 to vector<16xi32>
        %and3A_446 = arith.andi %add3A_342, %broadcast_in_dim3A_445 : vector<16xi32>
        %broadcast_in_dim3A_447 = arith.constant 4 : i32
        %broadcast_in_dim3A_448 = vector.broadcast %broadcast_in_dim3A_447 : i32 to vector<16xi32>
        %shift_left3A_449 = arith.shli %and3A_446, %broadcast_in_dim3A_448 : vector<16xi32>
        %broadcast_in_dim3A_450 = arith.constant 11 : i32
        %broadcast_in_dim3A_451 = vector.broadcast %broadcast_in_dim3A_450 : i32 to vector<16xi32>
        %shift_right_logical3A_452 = arith.shrui %add3A_342, %broadcast_in_dim3A_451 : vector<16xi32>
        %or3A_453 = arith.ori %shift_left3A_449, %shift_right_logical3A_452 : vector<16xi32>
        tpu.vector_store_idx %arg5[%or3A_453], %select_n3A_181 : memref<32768xi32, #tpu.memory_space<vmem>>[vector<16xi32>], vector<16xi32>,
        %broadcast_in_dim3A_454 = arith.constant 8 : i32
        %broadcast_in_dim3A_455 = vector.broadcast %broadcast_in_dim3A_454 : i32 to vector<16xi32>
        %shift_right_logical3A_456 = arith.shrui %select_n3A_181, %broadcast_in_dim3A_455 : vector<16xi32>
        %broadcast_in_dim3A_457 = arith.constant 255 : i32
        %broadcast_in_dim3A_458 = vector.broadcast %broadcast_in_dim3A_457 : i32 to vector<16xi32>
        %and3A_459 = arith.andi %shift_right_logical3A_456, %broadcast_in_dim3A_458 : vector<16xi32>
        %broadcast_in_dim3A_460 = arith.constant 4 : i32
        %broadcast_in_dim3A_461 = vector.broadcast %broadcast_in_dim3A_460 : i32 to vector<16xi32>
        %shift_left3A_462 = arith.shli %and3A_459, %broadcast_in_dim3A_461 : vector<16xi32>
        %broadcast_in_dim3A_463 = arith.constant 11 : i32
        %broadcast_in_dim3A_464 = vector.broadcast %broadcast_in_dim3A_463 : i32 to vector<16xi32>
        %shift_right_logical3A_465 = arith.shrui %add3A_342, %broadcast_in_dim3A_464 : vector<16xi32>
        %or3A_466 = arith.ori %shift_left3A_462, %shift_right_logical3A_465 : vector<16xi32>
        tpu.vector_store_idx %arg9[%or3A_466], %broadcast_in_dim3A_1 {add = true} : memref<4096xi32, #tpu.memory_space<vmem>>[vector<16xi32>], vector<16xi32>,
        %broadcast_in_dim3A_467 = arith.constant 2047 : i32
        %broadcast_in_dim3A_468 = vector.broadcast %broadcast_in_dim3A_467 : i32 to vector<16xi32>
        %and3A_469 = arith.andi %add3A_348, %broadcast_in_dim3A_468 : vector<16xi32>
        %broadcast_in_dim3A_470 = arith.constant 4 : i32
        %broadcast_in_dim3A_471 = vector.broadcast %broadcast_in_dim3A_470 : i32 to vector<16xi32>
        %shift_left3A_472 = arith.shli %and3A_469, %broadcast_in_dim3A_471 : vector<16xi32>
        %broadcast_in_dim3A_473 = arith.constant 11 : i32
        %broadcast_in_dim3A_474 = vector.broadcast %broadcast_in_dim3A_473 : i32 to vector<16xi32>
        %shift_right_logical3A_475 = arith.shrui %add3A_348, %broadcast_in_dim3A_474 : vector<16xi32>
        %or3A_476 = arith.ori %shift_left3A_472, %shift_right_logical3A_475 : vector<16xi32>
        tpu.vector_store_idx %arg5[%or3A_476], %select_n3A_197 : memref<32768xi32, #tpu.memory_space<vmem>>[vector<16xi32>], vector<16xi32>,
        %broadcast_in_dim3A_477 = arith.constant 8 : i32
        %broadcast_in_dim3A_478 = vector.broadcast %broadcast_in_dim3A_477 : i32 to vector<16xi32>
        %shift_right_logical3A_479 = arith.shrui %select_n3A_197, %broadcast_in_dim3A_478 : vector<16xi32>
        %broadcast_in_dim3A_480 = arith.constant 255 : i32
        %broadcast_in_dim3A_481 = vector.broadcast %broadcast_in_dim3A_480 : i32 to vector<16xi32>
        %and3A_482 = arith.andi %shift_right_logical3A_479, %broadcast_in_dim3A_481 : vector<16xi32>
        %broadcast_in_dim3A_483 = arith.constant 4 : i32
        %broadcast_in_dim3A_484 = vector.broadcast %broadcast_in_dim3A_483 : i32 to vector<16xi32>
        %shift_left3A_485 = arith.shli %and3A_482, %broadcast_in_dim3A_484 : vector<16xi32>
        %broadcast_in_dim3A_486 = arith.constant 11 : i32
        %broadcast_in_dim3A_487 = vector.broadcast %broadcast_in_dim3A_486 : i32 to vector<16xi32>
        %shift_right_logical3A_488 = arith.shrui %add3A_348, %broadcast_in_dim3A_487 : vector<16xi32>
        %or3A_489 = arith.ori %shift_left3A_485, %shift_right_logical3A_488 : vector<16xi32>
        tpu.vector_store_idx %arg9[%or3A_489], %broadcast_in_dim3A_1 {add = true} : memref<4096xi32, #tpu.memory_space<vmem>>[vector<16xi32>], vector<16xi32>,
        %broadcast_in_dim3A_490 = arith.constant 2047 : i32
        %broadcast_in_dim3A_491 = vector.broadcast %broadcast_in_dim3A_490 : i32 to vector<16xi32>
        %and3A_492 = arith.andi %add3A_357, %broadcast_in_dim3A_491 : vector<16xi32>
        %broadcast_in_dim3A_493 = arith.constant 4 : i32
        %broadcast_in_dim3A_494 = vector.broadcast %broadcast_in_dim3A_493 : i32 to vector<16xi32>
        %shift_left3A_495 = arith.shli %and3A_492, %broadcast_in_dim3A_494 : vector<16xi32>
        %broadcast_in_dim3A_496 = arith.constant 11 : i32
        %broadcast_in_dim3A_497 = vector.broadcast %broadcast_in_dim3A_496 : i32 to vector<16xi32>
        %shift_right_logical3A_498 = arith.shrui %add3A_357, %broadcast_in_dim3A_497 : vector<16xi32>
        %or3A_499 = arith.ori %shift_left3A_495, %shift_right_logical3A_498 : vector<16xi32>
        tpu.vector_store_idx %arg5[%or3A_499], %select_n3A_213 : memref<32768xi32, #tpu.memory_space<vmem>>[vector<16xi32>], vector<16xi32>,
        %broadcast_in_dim3A_500 = arith.constant 8 : i32
        %broadcast_in_dim3A_501 = vector.broadcast %broadcast_in_dim3A_500 : i32 to vector<16xi32>
        %shift_right_logical3A_502 = arith.shrui %select_n3A_213, %broadcast_in_dim3A_501 : vector<16xi32>
        %broadcast_in_dim3A_503 = arith.constant 255 : i32
        %broadcast_in_dim3A_504 = vector.broadcast %broadcast_in_dim3A_503 : i32 to vector<16xi32>
        %and3A_505 = arith.andi %shift_right_logical3A_502, %broadcast_in_dim3A_504 : vector<16xi32>
        %broadcast_in_dim3A_506 = arith.constant 4 : i32
        %broadcast_in_dim3A_507 = vector.broadcast %broadcast_in_dim3A_506 : i32 to vector<16xi32>
        %shift_left3A_508 = arith.shli %and3A_505, %broadcast_in_dim3A_507 : vector<16xi32>
        %broadcast_in_dim3A_509 = arith.constant 11 : i32
        %broadcast_in_dim3A_510 = vector.broadcast %broadcast_in_dim3A_509 : i32 to vector<16xi32>
        %shift_right_logical3A_511 = arith.shrui %add3A_357, %broadcast_in_dim3A_510 : vector<16xi32>
        %or3A_512 = arith.ori %shift_left3A_508, %shift_right_logical3A_511 : vector<16xi32>
        tpu.vector_store_idx %arg9[%or3A_512], %broadcast_in_dim3A_1 {add = true} : memref<4096xi32, #tpu.memory_space<vmem>>[vector<16xi32>], vector<16xi32>,
        %broadcast_in_dim3A_513 = arith.constant 2047 : i32
        %broadcast_in_dim3A_514 = vector.broadcast %broadcast_in_dim3A_513 : i32 to vector<16xi32>
        %and3A_515 = arith.andi %add3A_369, %broadcast_in_dim3A_514 : vector<16xi32>
        %broadcast_in_dim3A_516 = arith.constant 4 : i32
        %broadcast_in_dim3A_517 = vector.broadcast %broadcast_in_dim3A_516 : i32 to vector<16xi32>
        %shift_left3A_518 = arith.shli %and3A_515, %broadcast_in_dim3A_517 : vector<16xi32>
        %broadcast_in_dim3A_519 = arith.constant 11 : i32
        %broadcast_in_dim3A_520 = vector.broadcast %broadcast_in_dim3A_519 : i32 to vector<16xi32>
        %shift_right_logical3A_521 = arith.shrui %add3A_369, %broadcast_in_dim3A_520 : vector<16xi32>
        %or3A_522 = arith.ori %shift_left3A_518, %shift_right_logical3A_521 : vector<16xi32>
        tpu.vector_store_idx %arg5[%or3A_522], %select_n3A_229 : memref<32768xi32, #tpu.memory_space<vmem>>[vector<16xi32>], vector<16xi32>,
        %broadcast_in_dim3A_523 = arith.constant 8 : i32
        %broadcast_in_dim3A_524 = vector.broadcast %broadcast_in_dim3A_523 : i32 to vector<16xi32>
        %shift_right_logical3A_525 = arith.shrui %select_n3A_229, %broadcast_in_dim3A_524 : vector<16xi32>
        %broadcast_in_dim3A_526 = arith.constant 255 : i32
        %broadcast_in_dim3A_527 = vector.broadcast %broadcast_in_dim3A_526 : i32 to vector<16xi32>
        %and3A_528 = arith.andi %shift_right_logical3A_525, %broadcast_in_dim3A_527 : vector<16xi32>
        %broadcast_in_dim3A_529 = arith.constant 4 : i32
        %broadcast_in_dim3A_530 = vector.broadcast %broadcast_in_dim3A_529 : i32 to vector<16xi32>
        %shift_left3A_531 = arith.shli %and3A_528, %broadcast_in_dim3A_530 : vector<16xi32>
        %broadcast_in_dim3A_532 = arith.constant 11 : i32
        %broadcast_in_dim3A_533 = vector.broadcast %broadcast_in_dim3A_532 : i32 to vector<16xi32>
        %shift_right_logical3A_534 = arith.shrui %add3A_369, %broadcast_in_dim3A_533 : vector<16xi32>
        %or3A_535 = arith.ori %shift_left3A_531, %shift_right_logical3A_534 : vector<16xi32>
        tpu.vector_store_idx %arg9[%or3A_535], %broadcast_in_dim3A_1 {add = true} : memref<4096xi32, #tpu.memory_space<vmem>>[vector<16xi32>], vector<16xi32>,
        %broadcast_in_dim3A_536 = arith.constant 2047 : i32
        %broadcast_in_dim3A_537 = vector.broadcast %broadcast_in_dim3A_536 : i32 to vector<16xi32>
        %and3A_538 = arith.andi %add3A_384, %broadcast_in_dim3A_537 : vector<16xi32>
        %broadcast_in_dim3A_539 = arith.constant 4 : i32
        %broadcast_in_dim3A_540 = vector.broadcast %broadcast_in_dim3A_539 : i32 to vector<16xi32>
        %shift_left3A_541 = arith.shli %and3A_538, %broadcast_in_dim3A_540 : vector<16xi32>
        %broadcast_in_dim3A_542 = arith.constant 11 : i32
        %broadcast_in_dim3A_543 = vector.broadcast %broadcast_in_dim3A_542 : i32 to vector<16xi32>
        %shift_right_logical3A_544 = arith.shrui %add3A_384, %broadcast_in_dim3A_543 : vector<16xi32>
        %or3A_545 = arith.ori %shift_left3A_541, %shift_right_logical3A_544 : vector<16xi32>
        tpu.vector_store_idx %arg5[%or3A_545], %select_n3A_245 : memref<32768xi32, #tpu.memory_space<vmem>>[vector<16xi32>], vector<16xi32>,
        %broadcast_in_dim3A_546 = arith.constant 8 : i32
        %broadcast_in_dim3A_547 = vector.broadcast %broadcast_in_dim3A_546 : i32 to vector<16xi32>
        %shift_right_logical3A_548 = arith.shrui %select_n3A_245, %broadcast_in_dim3A_547 : vector<16xi32>
        %broadcast_in_dim3A_549 = arith.constant 255 : i32
        %broadcast_in_dim3A_550 = vector.broadcast %broadcast_in_dim3A_549 : i32 to vector<16xi32>
        %and3A_551 = arith.andi %shift_right_logical3A_548, %broadcast_in_dim3A_550 : vector<16xi32>
        %broadcast_in_dim3A_552 = arith.constant 4 : i32
        %broadcast_in_dim3A_553 = vector.broadcast %broadcast_in_dim3A_552 : i32 to vector<16xi32>
        %shift_left3A_554 = arith.shli %and3A_551, %broadcast_in_dim3A_553 : vector<16xi32>
        %broadcast_in_dim3A_555 = arith.constant 11 : i32
        %broadcast_in_dim3A_556 = vector.broadcast %broadcast_in_dim3A_555 : i32 to vector<16xi32>
        %shift_right_logical3A_557 = arith.shrui %add3A_384, %broadcast_in_dim3A_556 : vector<16xi32>
        %or3A_558 = arith.ori %shift_left3A_554, %shift_right_logical3A_557 : vector<16xi32>
        tpu.vector_store_idx %arg9[%or3A_558], %broadcast_in_dim3A_1 {add = true} : memref<4096xi32, #tpu.memory_space<vmem>>[vector<16xi32>], vector<16xi32>,
        %broadcast_in_dim3A_559 = arith.constant 2047 : i32
        %broadcast_in_dim3A_560 = vector.broadcast %broadcast_in_dim3A_559 : i32 to vector<16xi32>
        %and3A_561 = arith.andi %add3A_402, %broadcast_in_dim3A_560 : vector<16xi32>
        %broadcast_in_dim3A_562 = arith.constant 4 : i32
        %broadcast_in_dim3A_563 = vector.broadcast %broadcast_in_dim3A_562 : i32 to vector<16xi32>
        %shift_left3A_564 = arith.shli %and3A_561, %broadcast_in_dim3A_563 : vector<16xi32>
        %broadcast_in_dim3A_565 = arith.constant 11 : i32
        %broadcast_in_dim3A_566 = vector.broadcast %broadcast_in_dim3A_565 : i32 to vector<16xi32>
        %shift_right_logical3A_567 = arith.shrui %add3A_402, %broadcast_in_dim3A_566 : vector<16xi32>
        %or3A_568 = arith.ori %shift_left3A_564, %shift_right_logical3A_567 : vector<16xi32>
        tpu.vector_store_idx %arg5[%or3A_568], %select_n3A_261 : memref<32768xi32, #tpu.memory_space<vmem>>[vector<16xi32>], vector<16xi32>,
        %broadcast_in_dim3A_569 = arith.constant 8 : i32
        %broadcast_in_dim3A_570 = vector.broadcast %broadcast_in_dim3A_569 : i32 to vector<16xi32>
        %shift_right_logical3A_571 = arith.shrui %select_n3A_261, %broadcast_in_dim3A_570 : vector<16xi32>
        %broadcast_in_dim3A_572 = arith.constant 255 : i32
        %broadcast_in_dim3A_573 = vector.broadcast %broadcast_in_dim3A_572 : i32 to vector<16xi32>
        %and3A_574 = arith.andi %shift_right_logical3A_571, %broadcast_in_dim3A_573 : vector<16xi32>
        %broadcast_in_dim3A_575 = arith.constant 4 : i32
        %broadcast_in_dim3A_576 = vector.broadcast %broadcast_in_dim3A_575 : i32 to vector<16xi32>
        %shift_left3A_577 = arith.shli %and3A_574, %broadcast_in_dim3A_576 : vector<16xi32>
        %broadcast_in_dim3A_578 = arith.constant 11 : i32
        %broadcast_in_dim3A_579 = vector.broadcast %broadcast_in_dim3A_578 : i32 to vector<16xi32>
        %shift_right_logical3A_580 = arith.shrui %add3A_402, %broadcast_in_dim3A_579 : vector<16xi32>
        %or3A_581 = arith.ori %shift_left3A_577, %shift_right_logical3A_580 : vector<16xi32>
        tpu.vector_store_idx %arg9[%or3A_581], %broadcast_in_dim3A_1 {add = true} : memref<4096xi32, #tpu.memory_space<vmem>>[vector<16xi32>], vector<16xi32>,
        %broadcast_in_dim3A_582 = arith.constant 2047 : i32
        %broadcast_in_dim3A_583 = vector.broadcast %broadcast_in_dim3A_582 : i32 to vector<16xi32>
        %and3A_584 = arith.andi %add3A_423, %broadcast_in_dim3A_583 : vector<16xi32>
        %broadcast_in_dim3A_585 = arith.constant 4 : i32
        %broadcast_in_dim3A_586 = vector.broadcast %broadcast_in_dim3A_585 : i32 to vector<16xi32>
        %shift_left3A_587 = arith.shli %and3A_584, %broadcast_in_dim3A_586 : vector<16xi32>
        %broadcast_in_dim3A_588 = arith.constant 11 : i32
        %broadcast_in_dim3A_589 = vector.broadcast %broadcast_in_dim3A_588 : i32 to vector<16xi32>
        %shift_right_logical3A_590 = arith.shrui %add3A_423, %broadcast_in_dim3A_589 : vector<16xi32>
        %or3A_591 = arith.ori %shift_left3A_587, %shift_right_logical3A_590 : vector<16xi32>
        tpu.vector_store_idx %arg5[%or3A_591], %select_n3A_277 : memref<32768xi32, #tpu.memory_space<vmem>>[vector<16xi32>], vector<16xi32>,
        %broadcast_in_dim3A_592 = arith.constant 8 : i32
        %broadcast_in_dim3A_593 = vector.broadcast %broadcast_in_dim3A_592 : i32 to vector<16xi32>
        %shift_right_logical3A_594 = arith.shrui %select_n3A_277, %broadcast_in_dim3A_593 : vector<16xi32>
        %broadcast_in_dim3A_595 = arith.constant 255 : i32
        %broadcast_in_dim3A_596 = vector.broadcast %broadcast_in_dim3A_595 : i32 to vector<16xi32>
        %and3A_597 = arith.andi %shift_right_logical3A_594, %broadcast_in_dim3A_596 : vector<16xi32>
        %broadcast_in_dim3A_598 = arith.constant 4 : i32
        %broadcast_in_dim3A_599 = vector.broadcast %broadcast_in_dim3A_598 : i32 to vector<16xi32>
        %shift_left3A_600 = arith.shli %and3A_597, %broadcast_in_dim3A_599 : vector<16xi32>
        %broadcast_in_dim3A_601 = arith.constant 11 : i32
        %broadcast_in_dim3A_602 = vector.broadcast %broadcast_in_dim3A_601 : i32 to vector<16xi32>
        %shift_right_logical3A_603 = arith.shrui %add3A_423, %broadcast_in_dim3A_602 : vector<16xi32>
        %or3A_604 = arith.ori %shift_left3A_600, %shift_right_logical3A_603 : vector<16xi32>
        tpu.vector_store_idx %arg9[%or3A_604], %broadcast_in_dim3A_1 {add = true} : memref<4096xi32, #tpu.memory_space<vmem>>[vector<16xi32>], vector<16xi32>,
        %scan3A_605 = arith.constant 0 : i32
        scf.yield %scan3A_605 : i32
      }
      %scan3A_67 = arith.constant 256 : i32
      %parallel_loop3A_68 = arith.constant 0 : i32
      %parallel_loop3A_69 = arith.constant 256 : i32
      %parallel_loop3A_70 = arith.constant 1 : i32
      scf.for %parallel_loop3A_149 = %parallel_loop3A_68 to %parallel_loop3A_69 step %parallel_loop3A_70  : i32 {
        %parallel_loop3A_150 = arith.constant 16 : i32
        %parallel_loop3A_151 = arith.muli %parallel_loop3A_149, %parallel_loop3A_150 : i32
        %parallel_loop3A_152 = arith.index_cast %parallel_loop3A_151 : i32 to index
        %parallel_loop3A_153 = tpu.vector_load %arg9[%parallel_loop3A_152] {strides = array<i32>} : memref<4096xi32, #tpu.memory_space<vmem>>, vector<16xi32>,
        %parallel_loop3A_154 = arith.constant true
        %parallel_loop3A_155 = vector.broadcast %parallel_loop3A_154 : i1 to vector<16xi1>
        %parallel_loop3A_156 = tpu.scan <sum>, %parallel_loop3A_153 masked %parallel_loop3A_155 : vector<16xi32>, vector<16xi1> -> vector<16xi32>
        %parallel_loop3A_157 = arith.subi %parallel_loop3A_156, %parallel_loop3A_153 : vector<16xi32>
        %parallel_loop3A_158 = arith.index_cast %parallel_loop3A_151 : i32 to index
        %parallel_loop3A_159 = tpu.vector_load %arg9[%parallel_loop3A_158] {strides = array<i32>} : memref<4096xi32, #tpu.memory_space<vmem>>, vector<16xi32>,
        tpu.vector_store %arg9[%parallel_loop3A_158], %parallel_loop3A_157 {strides = array<i32>} : memref<4096xi32, #tpu.memory_space<vmem>>, vector<16xi32>,
        %parallel_loop3A_160 = vector.broadcast %parallel_loop3A_149 : i32 to vector<16xi32>
        %parallel_loop3A_161 = vector.extract_strided_slice %parallel_loop3A_156 {offsets = [15], sizes = [1], strides = [1]} : vector<16xi32> to vector<1xi32>
        %parallel_loop3A_162 = vector.extract %parallel_loop3A_161[0] : i32 from vector<1xi32>
        %parallel_loop3A_163 = vector.broadcast %parallel_loop3A_162 : i32 to vector<16xi32>
        tpu.vector_store_idx %arg7[%parallel_loop3A_160], %parallel_loop3A_163 masked %eq3A_5 : memref<256xi32, #tpu.memory_space<vmem>>[vector<16xi32>], vector<16xi32>, vector<16xi1>
      } {sc.loop_unroll_factor = 4 : i64, sc.parallel_access}
      %scan3A_71 = arith.constant 0 : i32
      %scan3A_72 = arith.constant 0 : i32
      %scan3A_73 = arith.constant 16 : i32
      %scan3A_74 = arith.addi %scan3A_72, %scan3A_73 : i32
      %scan3A_75 = arith.constant 1 : i32
      %scan3A_76 = scf.for %scan3A_149 = %scan3A_72 to %scan3A_74 step %scan3A_75 iter_args(%scan3A_150 = %scan3A_71) -> (i32)  : i32 {
        %mul3A_151 = arith.constant 16 : i32
        %mul3A_152 = arith.muli %scan3A_149, %mul3A_151 : i32
        %get3A = arith.index_cast %mul3A_152 : i32 to index
        %get3A_153 = tpu.vector_load %arg7[%get3A] {strides = array<i32>} : memref<256xi32, #tpu.memory_space<vmem>>, vector<16xi32>,
        %broadcast_in_dim3A_154 = arith.constant true
        %broadcast_in_dim3A_155 = vector.broadcast %broadcast_in_dim3A_154 : i1 to vector<16xi1>
        %masked_cumsum3A = tpu.scan <sum>, %get3A_153 masked %broadcast_in_dim3A_155 : vector<16xi32>, vector<16xi1> -> vector<16xi32>
        %sub3A_156 = arith.subi %masked_cumsum3A, %get3A_153 : vector<16xi32>
        %add3A_157 = vector.broadcast %scan3A_150 : i32 to vector<16xi32>
        %add3A_158 = arith.addi %sub3A_156, %add3A_157 : vector<16xi32>
        %swap3A = arith.index_cast %mul3A_152 : i32 to index
        %swap3A_159 = tpu.vector_load %arg7[%swap3A] {strides = array<i32>} : memref<256xi32, #tpu.memory_space<vmem>>, vector<16xi32>,
        tpu.vector_store %arg7[%swap3A], %add3A_158 {strides = array<i32>} : memref<256xi32, #tpu.memory_space<vmem>>, vector<16xi32>,
        %reduce_sum3A = arith.constant true
        %reduce_sum3A_160 = vector.broadcast %reduce_sum3A : i1 to vector<16xi1>
        %reduce_sum3A_161 = tpu.scan <sum>, %get3A_153 masked %reduce_sum3A_160 : vector<16xi32>, vector<16xi1> -> vector<16xi32>
        %reduce_sum3A_162 = vector.extract %reduce_sum3A_161[15] : i32 from vector<16xi32>
        %add3A_163 = arith.addi %scan3A_150, %reduce_sum3A_162 : i32
        scf.yield %add3A_163 : i32
      }
      %scan3A_77 = arith.constant 16 : i32
      %parallel_loop3A_78 = arith.constant 0 : i32
      %parallel_loop3A_79 = arith.constant 256 : i32
      %parallel_loop3A_80 = arith.constant 1 : i32
      scf.for %parallel_loop3A_149 = %parallel_loop3A_78 to %parallel_loop3A_79 step %parallel_loop3A_80  : i32 {
        %parallel_loop3A_150 = arith.constant 16 : i32
        %parallel_loop3A_151 = arith.muli %parallel_loop3A_149, %parallel_loop3A_150 : i32
        %parallel_loop3A_152 = vector.broadcast %parallel_loop3A_149 : i32 to vector<16xi32>
        %parallel_loop3A_153 = tpu.vector_load_idx %arg7[%parallel_loop3A_152] : memref<256xi32, #tpu.memory_space<vmem>>[vector<16xi32>], vector<16xi32>,
        %parallel_loop3A_154 = arith.index_cast %parallel_loop3A_151 : i32 to index
        %parallel_loop3A_155 = tpu.vector_load %arg9[%parallel_loop3A_154] {strides = array<i32>} : memref<4096xi32, #tpu.memory_space<vmem>>, vector<16xi32>,
        %parallel_loop3A_156 = arith.addi %parallel_loop3A_155, %parallel_loop3A_153 : vector<16xi32>
        %parallel_loop3A_157 = arith.index_cast %parallel_loop3A_151 : i32 to index
        %parallel_loop3A_158 = tpu.vector_load %arg9[%parallel_loop3A_157] {strides = array<i32>} : memref<4096xi32, #tpu.memory_space<vmem>>, vector<16xi32>,
        tpu.vector_store %arg9[%parallel_loop3A_157], %parallel_loop3A_156 {strides = array<i32>} : memref<4096xi32, #tpu.memory_space<vmem>>, vector<16xi32>,
      } {sc.loop_unroll_factor = 4 : i64, sc.parallel_access}
      %parallel_loop3A_81 = arith.constant 0 : i32
      %parallel_loop3A_82 = arith.constant 256 : i32
      %parallel_loop3A_83 = arith.constant 1 : i32
      scf.for %parallel_loop3A_149 = %parallel_loop3A_81 to %parallel_loop3A_82 step %parallel_loop3A_83  : i32 {
        %parallel_loop3A_150 = arith.constant 16 : i32
        %parallel_loop3A_151 = arith.muli %parallel_loop3A_149, %parallel_loop3A_150 : i32
        %parallel_loop3A_152 = arith.index_cast %parallel_loop3A_151 : i32 to index
        %parallel_loop3A_153 = tpu.vector_load %arg8[%parallel_loop3A_152] {strides = array<i32>} : memref<4096xi32, #tpu.memory_space<vmem>>, vector<16xi32>,
        tpu.vector_store %arg8[%parallel_loop3A_152], %broadcast_in_dim3A_3 {strides = array<i32>} : memref<4096xi32, #tpu.memory_space<vmem>>, vector<16xi32>,
      } {sc.loop_unroll_factor = 4 : i64, sc.parallel_access}
      %scan3A_84 = arith.constant 0 : i32
      %scan3A_85 = arith.constant 0 : i32
      %scan3A_86 = arith.constant 256 : i32
      %scan3A_87 = arith.addi %scan3A_85, %scan3A_86 : i32
      %scan3A_88 = arith.constant 1 : i32
      %scan3A_89 = scf.for %scan3A_149 = %scan3A_85 to %scan3A_87 step %scan3A_88 iter_args(%scan3A_150 = %scan3A_84) -> (i32)  : i32 {
        %mul3A_151 = arith.constant 8 : i32
        %mul3A_152 = arith.muli %scan3A_149, %mul3A_151 : i32
        %add3A_153 = arith.constant 0 : i32
        %add3A_154 = arith.addi %mul3A_152, %add3A_153 : i32
        %mul3A_155 = arith.constant 16 : i32
        %mul3A_156 = arith.muli %add3A_154, %mul3A_155 : i32
        %get3A = arith.index_cast %mul3A_156 : i32 to index
        %get3A_157 = tpu.vector_load %arg5[%get3A] {strides = array<i32>} : memref<32768xi32, #tpu.memory_space<vmem>>, vector<16xi32>,
        %add3A_158 = arith.constant 1 : i32
        %add3A_159 = arith.addi %mul3A_152, %add3A_158 : i32
        %mul3A_160 = arith.constant 16 : i32
        %mul3A_161 = arith.muli %add3A_159, %mul3A_160 : i32
        %get3A_162 = arith.index_cast %mul3A_161 : i32 to index
        %get3A_163 = tpu.vector_load %arg5[%get3A_162] {strides = array<i32>} : memref<32768xi32, #tpu.memory_space<vmem>>, vector<16xi32>,
        %add3A_164 = arith.constant 2 : i32
        %add3A_165 = arith.addi %mul3A_152, %add3A_164 : i32
        %mul3A_166 = arith.constant 16 : i32
        %mul3A_167 = arith.muli %add3A_165, %mul3A_166 : i32
        %get3A_168 = arith.index_cast %mul3A_167 : i32 to index
        %get3A_169 = tpu.vector_load %arg5[%get3A_168] {strides = array<i32>} : memref<32768xi32, #tpu.memory_space<vmem>>, vector<16xi32>,
        %add3A_170 = arith.constant 3 : i32
        %add3A_171 = arith.addi %mul3A_152, %add3A_170 : i32
        %mul3A_172 = arith.constant 16 : i32
        %mul3A_173 = arith.muli %add3A_171, %mul3A_172 : i32
        %get3A_174 = arith.index_cast %mul3A_173 : i32 to index
        %get3A_175 = tpu.vector_load %arg5[%get3A_174] {strides = array<i32>} : memref<32768xi32, #tpu.memory_space<vmem>>, vector<16xi32>,
        %add3A_176 = arith.constant 4 : i32
        %add3A_177 = arith.addi %mul3A_152, %add3A_176 : i32
        %mul3A_178 = arith.constant 16 : i32
        %mul3A_179 = arith.muli %add3A_177, %mul3A_178 : i32
        %get3A_180 = arith.index_cast %mul3A_179 : i32 to index
        %get3A_181 = tpu.vector_load %arg5[%get3A_180] {strides = array<i32>} : memref<32768xi32, #tpu.memory_space<vmem>>, vector<16xi32>,
        %add3A_182 = arith.constant 5 : i32
        %add3A_183 = arith.addi %mul3A_152, %add3A_182 : i32
        %mul3A_184 = arith.constant 16 : i32
        %mul3A_185 = arith.muli %add3A_183, %mul3A_184 : i32
        %get3A_186 = arith.index_cast %mul3A_185 : i32 to index
        %get3A_187 = tpu.vector_load %arg5[%get3A_186] {strides = array<i32>} : memref<32768xi32, #tpu.memory_space<vmem>>, vector<16xi32>,
        %add3A_188 = arith.constant 6 : i32
        %add3A_189 = arith.addi %mul3A_152, %add3A_188 : i32
        %mul3A_190 = arith.constant 16 : i32
        %mul3A_191 = arith.muli %add3A_189, %mul3A_190 : i32
        %get3A_192 = arith.index_cast %mul3A_191 : i32 to index
        %get3A_193 = tpu.vector_load %arg5[%get3A_192] {strides = array<i32>} : memref<32768xi32, #tpu.memory_space<vmem>>, vector<16xi32>,
        %add3A_194 = arith.constant 7 : i32
        %add3A_195 = arith.addi %mul3A_152, %add3A_194 : i32
        %mul3A_196 = arith.constant 16 : i32
        %mul3A_197 = arith.muli %add3A_195, %mul3A_196 : i32
        %get3A_198 = arith.index_cast %mul3A_197 : i32 to index
        %get3A_199 = tpu.vector_load %arg5[%get3A_198] {strides = array<i32>} : memref<32768xi32, #tpu.memory_space<vmem>>, vector<16xi32>,
        %broadcast_in_dim3A_200 = arith.constant 8 : i32
        %broadcast_in_dim3A_201 = vector.broadcast %broadcast_in_dim3A_200 : i32 to vector<16xi32>
        %shift_right_logical3A = arith.shrui %get3A_157, %broadcast_in_dim3A_201 : vector<16xi32>
        %broadcast_in_dim3A_202 = arith.constant 255 : i32
        %broadcast_in_dim3A_203 = vector.broadcast %broadcast_in_dim3A_202 : i32 to vector<16xi32>
        %and3A = arith.andi %shift_right_logical3A, %broadcast_in_dim3A_203 : vector<16xi32>
        %mul3A_204 = arith.constant 16 : i32
        %mul3A_205 = vector.broadcast %mul3A_204 : i32 to vector<16xi32>
        %mul3A_206 = arith.muli %and3A, %mul3A_205 : vector<16xi32>
        %add3A_207 = arith.addi %mul3A_206, %iota3A : vector<16xi32>
        %broadcast_in_dim3A_208 = arith.constant 8 : i32
        %broadcast_in_dim3A_209 = vector.broadcast %broadcast_in_dim3A_208 : i32 to vector<16xi32>
        %shift_right_logical3A_210 = arith.shrui %get3A_163, %broadcast_in_dim3A_209 : vector<16xi32>
        %broadcast_in_dim3A_211 = arith.constant 255 : i32
        %broadcast_in_dim3A_212 = vector.broadcast %broadcast_in_dim3A_211 : i32 to vector<16xi32>
        %and3A_213 = arith.andi %shift_right_logical3A_210, %broadcast_in_dim3A_212 : vector<16xi32>
        %mul3A_214 = arith.constant 16 : i32
        %mul3A_215 = vector.broadcast %mul3A_214 : i32 to vector<16xi32>
        %mul3A_216 = arith.muli %and3A_213, %mul3A_215 : vector<16xi32>
        %add3A_217 = arith.addi %mul3A_216, %iota3A : vector<16xi32>
        %broadcast_in_dim3A_218 = arith.constant 8 : i32
        %broadcast_in_dim3A_219 = vector.broadcast %broadcast_in_dim3A_218 : i32 to vector<16xi32>
        %shift_right_logical3A_220 = arith.shrui %get3A_169, %broadcast_in_dim3A_219 : vector<16xi32>
        %broadcast_in_dim3A_221 = arith.constant 255 : i32
        %broadcast_in_dim3A_222 = vector.broadcast %broadcast_in_dim3A_221 : i32 to vector<16xi32>
        %and3A_223 = arith.andi %shift_right_logical3A_220, %broadcast_in_dim3A_222 : vector<16xi32>
        %mul3A_224 = arith.constant 16 : i32
        %mul3A_225 = vector.broadcast %mul3A_224 : i32 to vector<16xi32>
        %mul3A_226 = arith.muli %and3A_223, %mul3A_225 : vector<16xi32>
        %add3A_227 = arith.addi %mul3A_226, %iota3A : vector<16xi32>
        %broadcast_in_dim3A_228 = arith.constant 8 : i32
        %broadcast_in_dim3A_229 = vector.broadcast %broadcast_in_dim3A_228 : i32 to vector<16xi32>
        %shift_right_logical3A_230 = arith.shrui %get3A_175, %broadcast_in_dim3A_229 : vector<16xi32>
        %broadcast_in_dim3A_231 = arith.constant 255 : i32
        %broadcast_in_dim3A_232 = vector.broadcast %broadcast_in_dim3A_231 : i32 to vector<16xi32>
        %and3A_233 = arith.andi %shift_right_logical3A_230, %broadcast_in_dim3A_232 : vector<16xi32>
        %mul3A_234 = arith.constant 16 : i32
        %mul3A_235 = vector.broadcast %mul3A_234 : i32 to vector<16xi32>
        %mul3A_236 = arith.muli %and3A_233, %mul3A_235 : vector<16xi32>
        %add3A_237 = arith.addi %mul3A_236, %iota3A : vector<16xi32>
        %broadcast_in_dim3A_238 = arith.constant 8 : i32
        %broadcast_in_dim3A_239 = vector.broadcast %broadcast_in_dim3A_238 : i32 to vector<16xi32>
        %shift_right_logical3A_240 = arith.shrui %get3A_181, %broadcast_in_dim3A_239 : vector<16xi32>
        %broadcast_in_dim3A_241 = arith.constant 255 : i32
        %broadcast_in_dim3A_242 = vector.broadcast %broadcast_in_dim3A_241 : i32 to vector<16xi32>
        %and3A_243 = arith.andi %shift_right_logical3A_240, %broadcast_in_dim3A_242 : vector<16xi32>
        %mul3A_244 = arith.constant 16 : i32
        %mul3A_245 = vector.broadcast %mul3A_244 : i32 to vector<16xi32>
        %mul3A_246 = arith.muli %and3A_243, %mul3A_245 : vector<16xi32>
        %add3A_247 = arith.addi %mul3A_246, %iota3A : vector<16xi32>
        %broadcast_in_dim3A_248 = arith.constant 8 : i32
        %broadcast_in_dim3A_249 = vector.broadcast %broadcast_in_dim3A_248 : i32 to vector<16xi32>
        %shift_right_logical3A_250 = arith.shrui %get3A_187, %broadcast_in_dim3A_249 : vector<16xi32>
        %broadcast_in_dim3A_251 = arith.constant 255 : i32
        %broadcast_in_dim3A_252 = vector.broadcast %broadcast_in_dim3A_251 : i32 to vector<16xi32>
        %and3A_253 = arith.andi %shift_right_logical3A_250, %broadcast_in_dim3A_252 : vector<16xi32>
        %mul3A_254 = arith.constant 16 : i32
        %mul3A_255 = vector.broadcast %mul3A_254 : i32 to vector<16xi32>
        %mul3A_256 = arith.muli %and3A_253, %mul3A_255 : vector<16xi32>
        %add3A_257 = arith.addi %mul3A_256, %iota3A : vector<16xi32>
        %broadcast_in_dim3A_258 = arith.constant 8 : i32
        %broadcast_in_dim3A_259 = vector.broadcast %broadcast_in_dim3A_258 : i32 to vector<16xi32>
        %shift_right_logical3A_260 = arith.shrui %get3A_193, %broadcast_in_dim3A_259 : vector<16xi32>
        %broadcast_in_dim3A_261 = arith.constant 255 : i32
        %broadcast_in_dim3A_262 = vector.broadcast %broadcast_in_dim3A_261 : i32 to vector<16xi32>
        %and3A_263 = arith.andi %shift_right_logical3A_260, %broadcast_in_dim3A_262 : vector<16xi32>
        %mul3A_264 = arith.constant 16 : i32
        %mul3A_265 = vector.broadcast %mul3A_264 : i32 to vector<16xi32>
        %mul3A_266 = arith.muli %and3A_263, %mul3A_265 : vector<16xi32>
        %add3A_267 = arith.addi %mul3A_266, %iota3A : vector<16xi32>
        %broadcast_in_dim3A_268 = arith.constant 8 : i32
        %broadcast_in_dim3A_269 = vector.broadcast %broadcast_in_dim3A_268 : i32 to vector<16xi32>
        %shift_right_logical3A_270 = arith.shrui %get3A_199, %broadcast_in_dim3A_269 : vector<16xi32>
        %broadcast_in_dim3A_271 = arith.constant 255 : i32
        %broadcast_in_dim3A_272 = vector.broadcast %broadcast_in_dim3A_271 : i32 to vector<16xi32>
        %and3A_273 = arith.andi %shift_right_logical3A_270, %broadcast_in_dim3A_272 : vector<16xi32>
        %mul3A_274 = arith.constant 16 : i32
        %mul3A_275 = vector.broadcast %mul3A_274 : i32 to vector<16xi32>
        %mul3A_276 = arith.muli %and3A_273, %mul3A_275 : vector<16xi32>
        %add3A_277 = arith.addi %mul3A_276, %iota3A : vector<16xi32>
        %gather3A = tpu.vector_load_idx %arg9[%add3A_207] : memref<4096xi32, #tpu.memory_space<vmem>>[vector<16xi32>], vector<16xi32>,
        %gather3A_278 = tpu.vector_load_idx %arg9[%add3A_217] : memref<4096xi32, #tpu.memory_space<vmem>>[vector<16xi32>], vector<16xi32>,
        %gather3A_279 = tpu.vector_load_idx %arg9[%add3A_227] : memref<4096xi32, #tpu.memory_space<vmem>>[vector<16xi32>], vector<16xi32>,
        %gather3A_280 = tpu.vector_load_idx %arg9[%add3A_237] : memref<4096xi32, #tpu.memory_space<vmem>>[vector<16xi32>], vector<16xi32>,
        %gather3A_281 = tpu.vector_load_idx %arg9[%add3A_247] : memref<4096xi32, #tpu.memory_space<vmem>>[vector<16xi32>], vector<16xi32>,
        %gather3A_282 = tpu.vector_load_idx %arg9[%add3A_257] : memref<4096xi32, #tpu.memory_space<vmem>>[vector<16xi32>], vector<16xi32>,
        %gather3A_283 = tpu.vector_load_idx %arg9[%add3A_267] : memref<4096xi32, #tpu.memory_space<vmem>>[vector<16xi32>], vector<16xi32>,
        %gather3A_284 = tpu.vector_load_idx %arg9[%add3A_277] : memref<4096xi32, #tpu.memory_space<vmem>>[vector<16xi32>], vector<16xi32>,
        %eq3A_285 = arith.cmpi eq, %add3A_207, %add3A_217 : vector<16xi32>
        %convert_element_type3A_286 = arith.extui %eq3A_285 : vector<16xi1> to vector<16xi32>
        %add3A_287 = arith.addi %gather3A_278, %convert_element_type3A_286 : vector<16xi32>
        %eq3A_288 = arith.cmpi eq, %add3A_207, %add3A_227 : vector<16xi32>
        %convert_element_type3A_289 = arith.extui %eq3A_288 : vector<16xi1> to vector<16xi32>
        %add3A_290 = arith.addi %gather3A_279, %convert_element_type3A_289 : vector<16xi32>
        %eq3A_291 = arith.cmpi eq, %add3A_217, %add3A_227 : vector<16xi32>
        %convert_element_type3A_292 = arith.extui %eq3A_291 : vector<16xi1> to vector<16xi32>
        %add3A_293 = arith.addi %add3A_290, %convert_element_type3A_292 : vector<16xi32>
        %eq3A_294 = arith.cmpi eq, %add3A_207, %add3A_237 : vector<16xi32>
        %convert_element_type3A_295 = arith.extui %eq3A_294 : vector<16xi1> to vector<16xi32>
        %add3A_296 = arith.addi %gather3A_280, %convert_element_type3A_295 : vector<16xi32>
        %eq3A_297 = arith.cmpi eq, %add3A_217, %add3A_237 : vector<16xi32>
        %convert_element_type3A_298 = arith.extui %eq3A_297 : vector<16xi1> to vector<16xi32>
        %add3A_299 = arith.addi %add3A_296, %convert_element_type3A_298 : vector<16xi32>
        %eq3A_300 = arith.cmpi eq, %add3A_227, %add3A_237 : vector<16xi32>
        %convert_element_type3A_301 = arith.extui %eq3A_300 : vector<16xi1> to vector<16xi32>
        %add3A_302 = arith.addi %add3A_299, %convert_element_type3A_301 : vector<16xi32>
        %eq3A_303 = arith.cmpi eq, %add3A_207, %add3A_247 : vector<16xi32>
        %convert_element_type3A_304 = arith.extui %eq3A_303 : vector<16xi1> to vector<16xi32>
        %add3A_305 = arith.addi %gather3A_281, %convert_element_type3A_304 : vector<16xi32>
        %eq3A_306 = arith.cmpi eq, %add3A_217, %add3A_247 : vector<16xi32>
        %convert_element_type3A_307 = arith.extui %eq3A_306 : vector<16xi1> to vector<16xi32>
        %add3A_308 = arith.addi %add3A_305, %convert_element_type3A_307 : vector<16xi32>
        %eq3A_309 = arith.cmpi eq, %add3A_227, %add3A_247 : vector<16xi32>
        %convert_element_type3A_310 = arith.extui %eq3A_309 : vector<16xi1> to vector<16xi32>
        %add3A_311 = arith.addi %add3A_308, %convert_element_type3A_310 : vector<16xi32>
        %eq3A_312 = arith.cmpi eq, %add3A_237, %add3A_247 : vector<16xi32>
        %convert_element_type3A_313 = arith.extui %eq3A_312 : vector<16xi1> to vector<16xi32>
        %add3A_314 = arith.addi %add3A_311, %convert_element_type3A_313 : vector<16xi32>
        %eq3A_315 = arith.cmpi eq, %add3A_207, %add3A_257 : vector<16xi32>
        %convert_element_type3A_316 = arith.extui %eq3A_315 : vector<16xi1> to vector<16xi32>
        %add3A_317 = arith.addi %gather3A_282, %convert_element_type3A_316 : vector<16xi32>
        %eq3A_318 = arith.cmpi eq, %add3A_217, %add3A_257 : vector<16xi32>
        %convert_element_type3A_319 = arith.extui %eq3A_318 : vector<16xi1> to vector<16xi32>
        %add3A_320 = arith.addi %add3A_317, %convert_element_type3A_319 : vector<16xi32>
        %eq3A_321 = arith.cmpi eq, %add3A_227, %add3A_257 : vector<16xi32>
        %convert_element_type3A_322 = arith.extui %eq3A_321 : vector<16xi1> to vector<16xi32>
        %add3A_323 = arith.addi %add3A_320, %convert_element_type3A_322 : vector<16xi32>
        %eq3A_324 = arith.cmpi eq, %add3A_237, %add3A_257 : vector<16xi32>
        %convert_element_type3A_325 = arith.extui %eq3A_324 : vector<16xi1> to vector<16xi32>
        %add3A_326 = arith.addi %add3A_323, %convert_element_type3A_325 : vector<16xi32>
        %eq3A_327 = arith.cmpi eq, %add3A_247, %add3A_257 : vector<16xi32>
        %convert_element_type3A_328 = arith.extui %eq3A_327 : vector<16xi1> to vector<16xi32>
        %add3A_329 = arith.addi %add3A_326, %convert_element_type3A_328 : vector<16xi32>
        %eq3A_330 = arith.cmpi eq, %add3A_207, %add3A_267 : vector<16xi32>
        %convert_element_type3A_331 = arith.extui %eq3A_330 : vector<16xi1> to vector<16xi32>
        %add3A_332 = arith.addi %gather3A_283, %convert_element_type3A_331 : vector<16xi32>
        %eq3A_333 = arith.cmpi eq, %add3A_217, %add3A_267 : vector<16xi32>
        %convert_element_type3A_334 = arith.extui %eq3A_333 : vector<16xi1> to vector<16xi32>
        %add3A_335 = arith.addi %add3A_332, %convert_element_type3A_334 : vector<16xi32>
        %eq3A_336 = arith.cmpi eq, %add3A_227, %add3A_267 : vector<16xi32>
        %convert_element_type3A_337 = arith.extui %eq3A_336 : vector<16xi1> to vector<16xi32>
        %add3A_338 = arith.addi %add3A_335, %convert_element_type3A_337 : vector<16xi32>
        %eq3A_339 = arith.cmpi eq, %add3A_237, %add3A_267 : vector<16xi32>
        %convert_element_type3A_340 = arith.extui %eq3A_339 : vector<16xi1> to vector<16xi32>
        %add3A_341 = arith.addi %add3A_338, %convert_element_type3A_340 : vector<16xi32>
        %eq3A_342 = arith.cmpi eq, %add3A_247, %add3A_267 : vector<16xi32>
        %convert_element_type3A_343 = arith.extui %eq3A_342 : vector<16xi1> to vector<16xi32>
        %add3A_344 = arith.addi %add3A_341, %convert_element_type3A_343 : vector<16xi32>
        %eq3A_345 = arith.cmpi eq, %add3A_257, %add3A_267 : vector<16xi32>
        %convert_element_type3A_346 = arith.extui %eq3A_345 : vector<16xi1> to vector<16xi32>
        %add3A_347 = arith.addi %add3A_344, %convert_element_type3A_346 : vector<16xi32>
        %eq3A_348 = arith.cmpi eq, %add3A_207, %add3A_277 : vector<16xi32>
        %convert_element_type3A_349 = arith.extui %eq3A_348 : vector<16xi1> to vector<16xi32>
        %add3A_350 = arith.addi %gather3A_284, %convert_element_type3A_349 : vector<16xi32>
        %eq3A_351 = arith.cmpi eq, %add3A_217, %add3A_277 : vector<16xi32>
        %convert_element_type3A_352 = arith.extui %eq3A_351 : vector<16xi1> to vector<16xi32>
        %add3A_353 = arith.addi %add3A_350, %convert_element_type3A_352 : vector<16xi32>
        %eq3A_354 = arith.cmpi eq, %add3A_227, %add3A_277 : vector<16xi32>
        %convert_element_type3A_355 = arith.extui %eq3A_354 : vector<16xi1> to vector<16xi32>
        %add3A_356 = arith.addi %add3A_353, %convert_element_type3A_355 : vector<16xi32>
        %eq3A_357 = arith.cmpi eq, %add3A_237, %add3A_277 : vector<16xi32>
        %convert_element_type3A_358 = arith.extui %eq3A_357 : vector<16xi1> to vector<16xi32>
        %add3A_359 = arith.addi %add3A_356, %convert_element_type3A_358 : vector<16xi32>
        %eq3A_360 = arith.cmpi eq, %add3A_247, %add3A_277 : vector<16xi32>
        %convert_element_type3A_361 = arith.extui %eq3A_360 : vector<16xi1> to vector<16xi32>
        %add3A_362 = arith.addi %add3A_359, %convert_element_type3A_361 : vector<16xi32>
        %eq3A_363 = arith.cmpi eq, %add3A_257, %add3A_277 : vector<16xi32>
        %convert_element_type3A_364 = arith.extui %eq3A_363 : vector<16xi1> to vector<16xi32>
        %add3A_365 = arith.addi %add3A_362, %convert_element_type3A_364 : vector<16xi32>
        %eq3A_366 = arith.cmpi eq, %add3A_267, %add3A_277 : vector<16xi32>
        %convert_element_type3A_367 = arith.extui %eq3A_366 : vector<16xi1> to vector<16xi32>
        %add3A_368 = arith.addi %add3A_365, %convert_element_type3A_367 : vector<16xi32>
        tpu.vector_store_idx %arg9[%add3A_207], %broadcast_in_dim3A_1 {add = true} : memref<4096xi32, #tpu.memory_space<vmem>>[vector<16xi32>], vector<16xi32>,
        tpu.vector_store_idx %arg9[%add3A_217], %broadcast_in_dim3A_1 {add = true} : memref<4096xi32, #tpu.memory_space<vmem>>[vector<16xi32>], vector<16xi32>,
        tpu.vector_store_idx %arg9[%add3A_227], %broadcast_in_dim3A_1 {add = true} : memref<4096xi32, #tpu.memory_space<vmem>>[vector<16xi32>], vector<16xi32>,
        tpu.vector_store_idx %arg9[%add3A_237], %broadcast_in_dim3A_1 {add = true} : memref<4096xi32, #tpu.memory_space<vmem>>[vector<16xi32>], vector<16xi32>,
        tpu.vector_store_idx %arg9[%add3A_247], %broadcast_in_dim3A_1 {add = true} : memref<4096xi32, #tpu.memory_space<vmem>>[vector<16xi32>], vector<16xi32>,
        tpu.vector_store_idx %arg9[%add3A_257], %broadcast_in_dim3A_1 {add = true} : memref<4096xi32, #tpu.memory_space<vmem>>[vector<16xi32>], vector<16xi32>,
        tpu.vector_store_idx %arg9[%add3A_267], %broadcast_in_dim3A_1 {add = true} : memref<4096xi32, #tpu.memory_space<vmem>>[vector<16xi32>], vector<16xi32>,
        tpu.vector_store_idx %arg9[%add3A_277], %broadcast_in_dim3A_1 {add = true} : memref<4096xi32, #tpu.memory_space<vmem>>[vector<16xi32>], vector<16xi32>,
        %broadcast_in_dim3A_369 = arith.constant 2047 : i32
        %broadcast_in_dim3A_370 = vector.broadcast %broadcast_in_dim3A_369 : i32 to vector<16xi32>
        %and3A_371 = arith.andi %gather3A, %broadcast_in_dim3A_370 : vector<16xi32>
        %broadcast_in_dim3A_372 = arith.constant 4 : i32
        %broadcast_in_dim3A_373 = vector.broadcast %broadcast_in_dim3A_372 : i32 to vector<16xi32>
        %shift_left3A = arith.shli %and3A_371, %broadcast_in_dim3A_373 : vector<16xi32>
        %broadcast_in_dim3A_374 = arith.constant 11 : i32
        %broadcast_in_dim3A_375 = vector.broadcast %broadcast_in_dim3A_374 : i32 to vector<16xi32>
        %shift_right_logical3A_376 = arith.shrui %gather3A, %broadcast_in_dim3A_375 : vector<16xi32>
        %or3A = arith.ori %shift_left3A, %shift_right_logical3A_376 : vector<16xi32>
        tpu.vector_store_idx %arg4[%or3A], %get3A_157 : memref<32768xi32, #tpu.memory_space<vmem>>[vector<16xi32>], vector<16xi32>,
        %broadcast_in_dim3A_377 = arith.constant 16 : i32
        %broadcast_in_dim3A_378 = vector.broadcast %broadcast_in_dim3A_377 : i32 to vector<16xi32>
        %shift_right_logical3A_379 = arith.shrui %get3A_157, %broadcast_in_dim3A_378 : vector<16xi32>
        %broadcast_in_dim3A_380 = arith.constant 255 : i32
        %broadcast_in_dim3A_381 = vector.broadcast %broadcast_in_dim3A_380 : i32 to vector<16xi32>
        %and3A_382 = arith.andi %shift_right_logical3A_379, %broadcast_in_dim3A_381 : vector<16xi32>
        %broadcast_in_dim3A_383 = arith.constant 4 : i32
        %broadcast_in_dim3A_384 = vector.broadcast %broadcast_in_dim3A_383 : i32 to vector<16xi32>
        %shift_left3A_385 = arith.shli %and3A_382, %broadcast_in_dim3A_384 : vector<16xi32>
        %broadcast_in_dim3A_386 = arith.constant 11 : i32
        %broadcast_in_dim3A_387 = vector.broadcast %broadcast_in_dim3A_386 : i32 to vector<16xi32>
        %shift_right_logical3A_388 = arith.shrui %gather3A, %broadcast_in_dim3A_387 : vector<16xi32>
        %or3A_389 = arith.ori %shift_left3A_385, %shift_right_logical3A_388 : vector<16xi32>
        tpu.vector_store_idx %arg8[%or3A_389], %broadcast_in_dim3A_1 {add = true} : memref<4096xi32, #tpu.memory_space<vmem>>[vector<16xi32>], vector<16xi32>,
        %broadcast_in_dim3A_390 = arith.constant 2047 : i32
        %broadcast_in_dim3A_391 = vector.broadcast %broadcast_in_dim3A_390 : i32 to vector<16xi32>
        %and3A_392 = arith.andi %add3A_287, %broadcast_in_dim3A_391 : vector<16xi32>
        %broadcast_in_dim3A_393 = arith.constant 4 : i32
        %broadcast_in_dim3A_394 = vector.broadcast %broadcast_in_dim3A_393 : i32 to vector<16xi32>
        %shift_left3A_395 = arith.shli %and3A_392, %broadcast_in_dim3A_394 : vector<16xi32>
        %broadcast_in_dim3A_396 = arith.constant 11 : i32
        %broadcast_in_dim3A_397 = vector.broadcast %broadcast_in_dim3A_396 : i32 to vector<16xi32>
        %shift_right_logical3A_398 = arith.shrui %add3A_287, %broadcast_in_dim3A_397 : vector<16xi32>
        %or3A_399 = arith.ori %shift_left3A_395, %shift_right_logical3A_398 : vector<16xi32>
        tpu.vector_store_idx %arg4[%or3A_399], %get3A_163 : memref<32768xi32, #tpu.memory_space<vmem>>[vector<16xi32>], vector<16xi32>,
        %broadcast_in_dim3A_400 = arith.constant 16 : i32
        %broadcast_in_dim3A_401 = vector.broadcast %broadcast_in_dim3A_400 : i32 to vector<16xi32>
        %shift_right_logical3A_402 = arith.shrui %get3A_163, %broadcast_in_dim3A_401 : vector<16xi32>
        %broadcast_in_dim3A_403 = arith.constant 255 : i32
        %broadcast_in_dim3A_404 = vector.broadcast %broadcast_in_dim3A_403 : i32 to vector<16xi32>
        %and3A_405 = arith.andi %shift_right_logical3A_402, %broadcast_in_dim3A_404 : vector<16xi32>
        %broadcast_in_dim3A_406 = arith.constant 4 : i32
        %broadcast_in_dim3A_407 = vector.broadcast %broadcast_in_dim3A_406 : i32 to vector<16xi32>
        %shift_left3A_408 = arith.shli %and3A_405, %broadcast_in_dim3A_407 : vector<16xi32>
        %broadcast_in_dim3A_409 = arith.constant 11 : i32
        %broadcast_in_dim3A_410 = vector.broadcast %broadcast_in_dim3A_409 : i32 to vector<16xi32>
        %shift_right_logical3A_411 = arith.shrui %add3A_287, %broadcast_in_dim3A_410 : vector<16xi32>
        %or3A_412 = arith.ori %shift_left3A_408, %shift_right_logical3A_411 : vector<16xi32>
        tpu.vector_store_idx %arg8[%or3A_412], %broadcast_in_dim3A_1 {add = true} : memref<4096xi32, #tpu.memory_space<vmem>>[vector<16xi32>], vector<16xi32>,
        %broadcast_in_dim3A_413 = arith.constant 2047 : i32
        %broadcast_in_dim3A_414 = vector.broadcast %broadcast_in_dim3A_413 : i32 to vector<16xi32>
        %and3A_415 = arith.andi %add3A_293, %broadcast_in_dim3A_414 : vector<16xi32>
        %broadcast_in_dim3A_416 = arith.constant 4 : i32
        %broadcast_in_dim3A_417 = vector.broadcast %broadcast_in_dim3A_416 : i32 to vector<16xi32>
        %shift_left3A_418 = arith.shli %and3A_415, %broadcast_in_dim3A_417 : vector<16xi32>
        %broadcast_in_dim3A_419 = arith.constant 11 : i32
        %broadcast_in_dim3A_420 = vector.broadcast %broadcast_in_dim3A_419 : i32 to vector<16xi32>
        %shift_right_logical3A_421 = arith.shrui %add3A_293, %broadcast_in_dim3A_420 : vector<16xi32>
        %or3A_422 = arith.ori %shift_left3A_418, %shift_right_logical3A_421 : vector<16xi32>
        tpu.vector_store_idx %arg4[%or3A_422], %get3A_169 : memref<32768xi32, #tpu.memory_space<vmem>>[vector<16xi32>], vector<16xi32>,
        %broadcast_in_dim3A_423 = arith.constant 16 : i32
        %broadcast_in_dim3A_424 = vector.broadcast %broadcast_in_dim3A_423 : i32 to vector<16xi32>
        %shift_right_logical3A_425 = arith.shrui %get3A_169, %broadcast_in_dim3A_424 : vector<16xi32>
        %broadcast_in_dim3A_426 = arith.constant 255 : i32
        %broadcast_in_dim3A_427 = vector.broadcast %broadcast_in_dim3A_426 : i32 to vector<16xi32>
        %and3A_428 = arith.andi %shift_right_logical3A_425, %broadcast_in_dim3A_427 : vector<16xi32>
        %broadcast_in_dim3A_429 = arith.constant 4 : i32
        %broadcast_in_dim3A_430 = vector.broadcast %broadcast_in_dim3A_429 : i32 to vector<16xi32>
        %shift_left3A_431 = arith.shli %and3A_428, %broadcast_in_dim3A_430 : vector<16xi32>
        %broadcast_in_dim3A_432 = arith.constant 11 : i32
        %broadcast_in_dim3A_433 = vector.broadcast %broadcast_in_dim3A_432 : i32 to vector<16xi32>
        %shift_right_logical3A_434 = arith.shrui %add3A_293, %broadcast_in_dim3A_433 : vector<16xi32>
        %or3A_435 = arith.ori %shift_left3A_431, %shift_right_logical3A_434 : vector<16xi32>
        tpu.vector_store_idx %arg8[%or3A_435], %broadcast_in_dim3A_1 {add = true} : memref<4096xi32, #tpu.memory_space<vmem>>[vector<16xi32>], vector<16xi32>,
        %broadcast_in_dim3A_436 = arith.constant 2047 : i32
        %broadcast_in_dim3A_437 = vector.broadcast %broadcast_in_dim3A_436 : i32 to vector<16xi32>
        %and3A_438 = arith.andi %add3A_302, %broadcast_in_dim3A_437 : vector<16xi32>
        %broadcast_in_dim3A_439 = arith.constant 4 : i32
        %broadcast_in_dim3A_440 = vector.broadcast %broadcast_in_dim3A_439 : i32 to vector<16xi32>
        %shift_left3A_441 = arith.shli %and3A_438, %broadcast_in_dim3A_440 : vector<16xi32>
        %broadcast_in_dim3A_442 = arith.constant 11 : i32
        %broadcast_in_dim3A_443 = vector.broadcast %broadcast_in_dim3A_442 : i32 to vector<16xi32>
        %shift_right_logical3A_444 = arith.shrui %add3A_302, %broadcast_in_dim3A_443 : vector<16xi32>
        %or3A_445 = arith.ori %shift_left3A_441, %shift_right_logical3A_444 : vector<16xi32>
        tpu.vector_store_idx %arg4[%or3A_445], %get3A_175 : memref<32768xi32, #tpu.memory_space<vmem>>[vector<16xi32>], vector<16xi32>,
        %broadcast_in_dim3A_446 = arith.constant 16 : i32
        %broadcast_in_dim3A_447 = vector.broadcast %broadcast_in_dim3A_446 : i32 to vector<16xi32>
        %shift_right_logical3A_448 = arith.shrui %get3A_175, %broadcast_in_dim3A_447 : vector<16xi32>
        %broadcast_in_dim3A_449 = arith.constant 255 : i32
        %broadcast_in_dim3A_450 = vector.broadcast %broadcast_in_dim3A_449 : i32 to vector<16xi32>
        %and3A_451 = arith.andi %shift_right_logical3A_448, %broadcast_in_dim3A_450 : vector<16xi32>
        %broadcast_in_dim3A_452 = arith.constant 4 : i32
        %broadcast_in_dim3A_453 = vector.broadcast %broadcast_in_dim3A_452 : i32 to vector<16xi32>
        %shift_left3A_454 = arith.shli %and3A_451, %broadcast_in_dim3A_453 : vector<16xi32>
        %broadcast_in_dim3A_455 = arith.constant 11 : i32
        %broadcast_in_dim3A_456 = vector.broadcast %broadcast_in_dim3A_455 : i32 to vector<16xi32>
        %shift_right_logical3A_457 = arith.shrui %add3A_302, %broadcast_in_dim3A_456 : vector<16xi32>
        %or3A_458 = arith.ori %shift_left3A_454, %shift_right_logical3A_457 : vector<16xi32>
        tpu.vector_store_idx %arg8[%or3A_458], %broadcast_in_dim3A_1 {add = true} : memref<4096xi32, #tpu.memory_space<vmem>>[vector<16xi32>], vector<16xi32>,
        %broadcast_in_dim3A_459 = arith.constant 2047 : i32
        %broadcast_in_dim3A_460 = vector.broadcast %broadcast_in_dim3A_459 : i32 to vector<16xi32>
        %and3A_461 = arith.andi %add3A_314, %broadcast_in_dim3A_460 : vector<16xi32>
        %broadcast_in_dim3A_462 = arith.constant 4 : i32
        %broadcast_in_dim3A_463 = vector.broadcast %broadcast_in_dim3A_462 : i32 to vector<16xi32>
        %shift_left3A_464 = arith.shli %and3A_461, %broadcast_in_dim3A_463 : vector<16xi32>
        %broadcast_in_dim3A_465 = arith.constant 11 : i32
        %broadcast_in_dim3A_466 = vector.broadcast %broadcast_in_dim3A_465 : i32 to vector<16xi32>
        %shift_right_logical3A_467 = arith.shrui %add3A_314, %broadcast_in_dim3A_466 : vector<16xi32>
        %or3A_468 = arith.ori %shift_left3A_464, %shift_right_logical3A_467 : vector<16xi32>
        tpu.vector_store_idx %arg4[%or3A_468], %get3A_181 : memref<32768xi32, #tpu.memory_space<vmem>>[vector<16xi32>], vector<16xi32>,
        %broadcast_in_dim3A_469 = arith.constant 16 : i32
        %broadcast_in_dim3A_470 = vector.broadcast %broadcast_in_dim3A_469 : i32 to vector<16xi32>
        %shift_right_logical3A_471 = arith.shrui %get3A_181, %broadcast_in_dim3A_470 : vector<16xi32>
        %broadcast_in_dim3A_472 = arith.constant 255 : i32
        %broadcast_in_dim3A_473 = vector.broadcast %broadcast_in_dim3A_472 : i32 to vector<16xi32>
        %and3A_474 = arith.andi %shift_right_logical3A_471, %broadcast_in_dim3A_473 : vector<16xi32>
        %broadcast_in_dim3A_475 = arith.constant 4 : i32
        %broadcast_in_dim3A_476 = vector.broadcast %broadcast_in_dim3A_475 : i32 to vector<16xi32>
        %shift_left3A_477 = arith.shli %and3A_474, %broadcast_in_dim3A_476 : vector<16xi32>
        %broadcast_in_dim3A_478 = arith.constant 11 : i32
        %broadcast_in_dim3A_479 = vector.broadcast %broadcast_in_dim3A_478 : i32 to vector<16xi32>
        %shift_right_logical3A_480 = arith.shrui %add3A_314, %broadcast_in_dim3A_479 : vector<16xi32>
        %or3A_481 = arith.ori %shift_left3A_477, %shift_right_logical3A_480 : vector<16xi32>
        tpu.vector_store_idx %arg8[%or3A_481], %broadcast_in_dim3A_1 {add = true} : memref<4096xi32, #tpu.memory_space<vmem>>[vector<16xi32>], vector<16xi32>,
        %broadcast_in_dim3A_482 = arith.constant 2047 : i32
        %broadcast_in_dim3A_483 = vector.broadcast %broadcast_in_dim3A_482 : i32 to vector<16xi32>
        %and3A_484 = arith.andi %add3A_329, %broadcast_in_dim3A_483 : vector<16xi32>
        %broadcast_in_dim3A_485 = arith.constant 4 : i32
        %broadcast_in_dim3A_486 = vector.broadcast %broadcast_in_dim3A_485 : i32 to vector<16xi32>
        %shift_left3A_487 = arith.shli %and3A_484, %broadcast_in_dim3A_486 : vector<16xi32>
        %broadcast_in_dim3A_488 = arith.constant 11 : i32
        %broadcast_in_dim3A_489 = vector.broadcast %broadcast_in_dim3A_488 : i32 to vector<16xi32>
        %shift_right_logical3A_490 = arith.shrui %add3A_329, %broadcast_in_dim3A_489 : vector<16xi32>
        %or3A_491 = arith.ori %shift_left3A_487, %shift_right_logical3A_490 : vector<16xi32>
        tpu.vector_store_idx %arg4[%or3A_491], %get3A_187 : memref<32768xi32, #tpu.memory_space<vmem>>[vector<16xi32>], vector<16xi32>,
        %broadcast_in_dim3A_492 = arith.constant 16 : i32
        %broadcast_in_dim3A_493 = vector.broadcast %broadcast_in_dim3A_492 : i32 to vector<16xi32>
        %shift_right_logical3A_494 = arith.shrui %get3A_187, %broadcast_in_dim3A_493 : vector<16xi32>
        %broadcast_in_dim3A_495 = arith.constant 255 : i32
        %broadcast_in_dim3A_496 = vector.broadcast %broadcast_in_dim3A_495 : i32 to vector<16xi32>
        %and3A_497 = arith.andi %shift_right_logical3A_494, %broadcast_in_dim3A_496 : vector<16xi32>
        %broadcast_in_dim3A_498 = arith.constant 4 : i32
        %broadcast_in_dim3A_499 = vector.broadcast %broadcast_in_dim3A_498 : i32 to vector<16xi32>
        %shift_left3A_500 = arith.shli %and3A_497, %broadcast_in_dim3A_499 : vector<16xi32>
        %broadcast_in_dim3A_501 = arith.constant 11 : i32
        %broadcast_in_dim3A_502 = vector.broadcast %broadcast_in_dim3A_501 : i32 to vector<16xi32>
        %shift_right_logical3A_503 = arith.shrui %add3A_329, %broadcast_in_dim3A_502 : vector<16xi32>
        %or3A_504 = arith.ori %shift_left3A_500, %shift_right_logical3A_503 : vector<16xi32>
        tpu.vector_store_idx %arg8[%or3A_504], %broadcast_in_dim3A_1 {add = true} : memref<4096xi32, #tpu.memory_space<vmem>>[vector<16xi32>], vector<16xi32>,
        %broadcast_in_dim3A_505 = arith.constant 2047 : i32
        %broadcast_in_dim3A_506 = vector.broadcast %broadcast_in_dim3A_505 : i32 to vector<16xi32>
        %and3A_507 = arith.andi %add3A_347, %broadcast_in_dim3A_506 : vector<16xi32>
        %broadcast_in_dim3A_508 = arith.constant 4 : i32
        %broadcast_in_dim3A_509 = vector.broadcast %broadcast_in_dim3A_508 : i32 to vector<16xi32>
        %shift_left3A_510 = arith.shli %and3A_507, %broadcast_in_dim3A_509 : vector<16xi32>
        %broadcast_in_dim3A_511 = arith.constant 11 : i32
        %broadcast_in_dim3A_512 = vector.broadcast %broadcast_in_dim3A_511 : i32 to vector<16xi32>
        %shift_right_logical3A_513 = arith.shrui %add3A_347, %broadcast_in_dim3A_512 : vector<16xi32>
        %or3A_514 = arith.ori %shift_left3A_510, %shift_right_logical3A_513 : vector<16xi32>
        tpu.vector_store_idx %arg4[%or3A_514], %get3A_193 : memref<32768xi32, #tpu.memory_space<vmem>>[vector<16xi32>], vector<16xi32>,
        %broadcast_in_dim3A_515 = arith.constant 16 : i32
        %broadcast_in_dim3A_516 = vector.broadcast %broadcast_in_dim3A_515 : i32 to vector<16xi32>
        %shift_right_logical3A_517 = arith.shrui %get3A_193, %broadcast_in_dim3A_516 : vector<16xi32>
        %broadcast_in_dim3A_518 = arith.constant 255 : i32
        %broadcast_in_dim3A_519 = vector.broadcast %broadcast_in_dim3A_518 : i32 to vector<16xi32>
        %and3A_520 = arith.andi %shift_right_logical3A_517, %broadcast_in_dim3A_519 : vector<16xi32>
        %broadcast_in_dim3A_521 = arith.constant 4 : i32
        %broadcast_in_dim3A_522 = vector.broadcast %broadcast_in_dim3A_521 : i32 to vector<16xi32>
        %shift_left3A_523 = arith.shli %and3A_520, %broadcast_in_dim3A_522 : vector<16xi32>
        %broadcast_in_dim3A_524 = arith.constant 11 : i32
        %broadcast_in_dim3A_525 = vector.broadcast %broadcast_in_dim3A_524 : i32 to vector<16xi32>
        %shift_right_logical3A_526 = arith.shrui %add3A_347, %broadcast_in_dim3A_525 : vector<16xi32>
        %or3A_527 = arith.ori %shift_left3A_523, %shift_right_logical3A_526 : vector<16xi32>
        tpu.vector_store_idx %arg8[%or3A_527], %broadcast_in_dim3A_1 {add = true} : memref<4096xi32, #tpu.memory_space<vmem>>[vector<16xi32>], vector<16xi32>,
        %broadcast_in_dim3A_528 = arith.constant 2047 : i32
        %broadcast_in_dim3A_529 = vector.broadcast %broadcast_in_dim3A_528 : i32 to vector<16xi32>
        %and3A_530 = arith.andi %add3A_368, %broadcast_in_dim3A_529 : vector<16xi32>
        %broadcast_in_dim3A_531 = arith.constant 4 : i32
        %broadcast_in_dim3A_532 = vector.broadcast %broadcast_in_dim3A_531 : i32 to vector<16xi32>
        %shift_left3A_533 = arith.shli %and3A_530, %broadcast_in_dim3A_532 : vector<16xi32>
        %broadcast_in_dim3A_534 = arith.constant 11 : i32
        %broadcast_in_dim3A_535 = vector.broadcast %broadcast_in_dim3A_534 : i32 to vector<16xi32>
        %shift_right_logical3A_536 = arith.shrui %add3A_368, %broadcast_in_dim3A_535 : vector<16xi32>
        %or3A_537 = arith.ori %shift_left3A_533, %shift_right_logical3A_536 : vector<16xi32>
        tpu.vector_store_idx %arg4[%or3A_537], %get3A_199 : memref<32768xi32, #tpu.memory_space<vmem>>[vector<16xi32>], vector<16xi32>,
        %broadcast_in_dim3A_538 = arith.constant 16 : i32
        %broadcast_in_dim3A_539 = vector.broadcast %broadcast_in_dim3A_538 : i32 to vector<16xi32>
        %shift_right_logical3A_540 = arith.shrui %get3A_199, %broadcast_in_dim3A_539 : vector<16xi32>
        %broadcast_in_dim3A_541 = arith.constant 255 : i32
        %broadcast_in_dim3A_542 = vector.broadcast %broadcast_in_dim3A_541 : i32 to vector<16xi32>
        %and3A_543 = arith.andi %shift_right_logical3A_540, %broadcast_in_dim3A_542 : vector<16xi32>
        %broadcast_in_dim3A_544 = arith.constant 4 : i32
        %broadcast_in_dim3A_545 = vector.broadcast %broadcast_in_dim3A_544 : i32 to vector<16xi32>
        %shift_left3A_546 = arith.shli %and3A_543, %broadcast_in_dim3A_545 : vector<16xi32>
        %broadcast_in_dim3A_547 = arith.constant 11 : i32
        %broadcast_in_dim3A_548 = vector.broadcast %broadcast_in_dim3A_547 : i32 to vector<16xi32>
        %shift_right_logical3A_549 = arith.shrui %add3A_368, %broadcast_in_dim3A_548 : vector<16xi32>
        %or3A_550 = arith.ori %shift_left3A_546, %shift_right_logical3A_549 : vector<16xi32>
        tpu.vector_store_idx %arg8[%or3A_550], %broadcast_in_dim3A_1 {add = true} : memref<4096xi32, #tpu.memory_space<vmem>>[vector<16xi32>], vector<16xi32>,
        %scan3A_551 = arith.constant 0 : i32
        scf.yield %scan3A_551 : i32
      }
      %scan3A_90 = arith.constant 256 : i32
      %parallel_loop3A_91 = arith.constant 0 : i32
      %parallel_loop3A_92 = arith.constant 256 : i32
      %parallel_loop3A_93 = arith.constant 1 : i32
      scf.for %parallel_loop3A_149 = %parallel_loop3A_91 to %parallel_loop3A_92 step %parallel_loop3A_93  : i32 {
        %parallel_loop3A_150 = arith.constant 16 : i32
        %parallel_loop3A_151 = arith.muli %parallel_loop3A_149, %parallel_loop3A_150 : i32
        %parallel_loop3A_152 = arith.index_cast %parallel_loop3A_151 : i32 to index
        %parallel_loop3A_153 = tpu.vector_load %arg8[%parallel_loop3A_152] {strides = array<i32>} : memref<4096xi32, #tpu.memory_space<vmem>>, vector<16xi32>,
        %parallel_loop3A_154 = arith.constant true
        %parallel_loop3A_155 = vector.broadcast %parallel_loop3A_154 : i1 to vector<16xi1>
        %parallel_loop3A_156 = tpu.scan <sum>, %parallel_loop3A_153 masked %parallel_loop3A_155 : vector<16xi32>, vector<16xi1> -> vector<16xi32>
        %parallel_loop3A_157 = arith.subi %parallel_loop3A_156, %parallel_loop3A_153 : vector<16xi32>
        %parallel_loop3A_158 = arith.index_cast %parallel_loop3A_151 : i32 to index
        %parallel_loop3A_159 = tpu.vector_load %arg8[%parallel_loop3A_158] {strides = array<i32>} : memref<4096xi32, #tpu.memory_space<vmem>>, vector<16xi32>,
        tpu.vector_store %arg8[%parallel_loop3A_158], %parallel_loop3A_157 {strides = array<i32>} : memref<4096xi32, #tpu.memory_space<vmem>>, vector<16xi32>,
        %parallel_loop3A_160 = vector.broadcast %parallel_loop3A_149 : i32 to vector<16xi32>
        %parallel_loop3A_161 = vector.extract_strided_slice %parallel_loop3A_156 {offsets = [15], sizes = [1], strides = [1]} : vector<16xi32> to vector<1xi32>
        %parallel_loop3A_162 = vector.extract %parallel_loop3A_161[0] : i32 from vector<1xi32>
        %parallel_loop3A_163 = vector.broadcast %parallel_loop3A_162 : i32 to vector<16xi32>
        tpu.vector_store_idx %arg7[%parallel_loop3A_160], %parallel_loop3A_163 masked %eq3A_5 : memref<256xi32, #tpu.memory_space<vmem>>[vector<16xi32>], vector<16xi32>, vector<16xi1>
      } {sc.loop_unroll_factor = 4 : i64, sc.parallel_access}
      %scan3A_94 = arith.constant 0 : i32
      %scan3A_95 = arith.constant 0 : i32
      %scan3A_96 = arith.constant 16 : i32
      %scan3A_97 = arith.addi %scan3A_95, %scan3A_96 : i32
      %scan3A_98 = arith.constant 1 : i32
      %scan3A_99 = scf.for %scan3A_149 = %scan3A_95 to %scan3A_97 step %scan3A_98 iter_args(%scan3A_150 = %scan3A_94) -> (i32)  : i32 {
        %mul3A_151 = arith.constant 16 : i32
        %mul3A_152 = arith.muli %scan3A_149, %mul3A_151 : i32
        %get3A = arith.index_cast %mul3A_152 : i32 to index
        %get3A_153 = tpu.vector_load %arg7[%get3A] {strides = array<i32>} : memref<256xi32, #tpu.memory_space<vmem>>, vector<16xi32>,
        %broadcast_in_dim3A_154 = arith.constant true
        %broadcast_in_dim3A_155 = vector.broadcast %broadcast_in_dim3A_154 : i1 to vector<16xi1>
        %masked_cumsum3A = tpu.scan <sum>, %get3A_153 masked %broadcast_in_dim3A_155 : vector<16xi32>, vector<16xi1> -> vector<16xi32>
        %sub3A_156 = arith.subi %masked_cumsum3A, %get3A_153 : vector<16xi32>
        %add3A_157 = vector.broadcast %scan3A_150 : i32 to vector<16xi32>
        %add3A_158 = arith.addi %sub3A_156, %add3A_157 : vector<16xi32>
        %swap3A = arith.index_cast %mul3A_152 : i32 to index
        %swap3A_159 = tpu.vector_load %arg7[%swap3A] {strides = array<i32>} : memref<256xi32, #tpu.memory_space<vmem>>, vector<16xi32>,
        tpu.vector_store %arg7[%swap3A], %add3A_158 {strides = array<i32>} : memref<256xi32, #tpu.memory_space<vmem>>, vector<16xi32>,
        %reduce_sum3A = arith.constant true
        %reduce_sum3A_160 = vector.broadcast %reduce_sum3A : i1 to vector<16xi1>
        %reduce_sum3A_161 = tpu.scan <sum>, %get3A_153 masked %reduce_sum3A_160 : vector<16xi32>, vector<16xi1> -> vector<16xi32>
        %reduce_sum3A_162 = vector.extract %reduce_sum3A_161[15] : i32 from vector<16xi32>
        %add3A_163 = arith.addi %scan3A_150, %reduce_sum3A_162 : i32
        scf.yield %add3A_163 : i32
      }
      %scan3A_100 = arith.constant 16 : i32
      %parallel_loop3A_101 = arith.constant 0 : i32
      %parallel_loop3A_102 = arith.constant 256 : i32
      %parallel_loop3A_103 = arith.constant 1 : i32
      scf.for %parallel_loop3A_149 = %parallel_loop3A_101 to %parallel_loop3A_102 step %parallel_loop3A_103  : i32 {
        %parallel_loop3A_150 = arith.constant 16 : i32
        %parallel_loop3A_151 = arith.muli %parallel_loop3A_149, %parallel_loop3A_150 : i32
        %parallel_loop3A_152 = vector.broadcast %parallel_loop3A_149 : i32 to vector<16xi32>
        %parallel_loop3A_153 = tpu.vector_load_idx %arg7[%parallel_loop3A_152] : memref<256xi32, #tpu.memory_space<vmem>>[vector<16xi32>], vector<16xi32>,
        %parallel_loop3A_154 = arith.index_cast %parallel_loop3A_151 : i32 to index
        %parallel_loop3A_155 = tpu.vector_load %arg8[%parallel_loop3A_154] {strides = array<i32>} : memref<4096xi32, #tpu.memory_space<vmem>>, vector<16xi32>,
        %parallel_loop3A_156 = arith.addi %parallel_loop3A_155, %parallel_loop3A_153 : vector<16xi32>
        %parallel_loop3A_157 = arith.index_cast %parallel_loop3A_151 : i32 to index
        %parallel_loop3A_158 = tpu.vector_load %arg8[%parallel_loop3A_157] {strides = array<i32>} : memref<4096xi32, #tpu.memory_space<vmem>>, vector<16xi32>,
        tpu.vector_store %arg8[%parallel_loop3A_157], %parallel_loop3A_156 {strides = array<i32>} : memref<4096xi32, #tpu.memory_space<vmem>>, vector<16xi32>,
      } {sc.loop_unroll_factor = 4 : i64, sc.parallel_access}
      %parallel_loop3A_104 = arith.constant 0 : i32
      %parallel_loop3A_105 = arith.constant 256 : i32
      %parallel_loop3A_106 = arith.constant 1 : i32
      scf.for %parallel_loop3A_149 = %parallel_loop3A_104 to %parallel_loop3A_105 step %parallel_loop3A_106  : i32 {
        %parallel_loop3A_150 = arith.constant 16 : i32
        %parallel_loop3A_151 = arith.muli %parallel_loop3A_149, %parallel_loop3A_150 : i32
        %parallel_loop3A_152 = arith.index_cast %parallel_loop3A_151 : i32 to index
        %parallel_loop3A_153 = tpu.vector_load %arg9[%parallel_loop3A_152] {strides = array<i32>} : memref<4096xi32, #tpu.memory_space<vmem>>, vector<16xi32>,
        tpu.vector_store %arg9[%parallel_loop3A_152], %broadcast_in_dim3A_3 {strides = array<i32>} : memref<4096xi32, #tpu.memory_space<vmem>>, vector<16xi32>,
      } {sc.loop_unroll_factor = 4 : i64, sc.parallel_access}
      %scan3A_107 = arith.constant 0 : i32
      %scan3A_108 = arith.constant 0 : i32
      %scan3A_109 = arith.constant 256 : i32
      %scan3A_110 = arith.addi %scan3A_108, %scan3A_109 : i32
      %scan3A_111 = arith.constant 1 : i32
      %scan3A_112 = scf.for %scan3A_149 = %scan3A_108 to %scan3A_110 step %scan3A_111 iter_args(%scan3A_150 = %scan3A_107) -> (i32)  : i32 {
        %mul3A_151 = arith.constant 8 : i32
        %mul3A_152 = arith.muli %scan3A_149, %mul3A_151 : i32
        %add3A_153 = arith.constant 0 : i32
        %add3A_154 = arith.addi %mul3A_152, %add3A_153 : i32
        %mul3A_155 = arith.constant 16 : i32
        %mul3A_156 = arith.muli %add3A_154, %mul3A_155 : i32
        %get3A = arith.index_cast %mul3A_156 : i32 to index
        %get3A_157 = tpu.vector_load %arg4[%get3A] {strides = array<i32>} : memref<32768xi32, #tpu.memory_space<vmem>>, vector<16xi32>,
        %add3A_158 = arith.constant 1 : i32
        %add3A_159 = arith.addi %mul3A_152, %add3A_158 : i32
        %mul3A_160 = arith.constant 16 : i32
        %mul3A_161 = arith.muli %add3A_159, %mul3A_160 : i32
        %get3A_162 = arith.index_cast %mul3A_161 : i32 to index
        %get3A_163 = tpu.vector_load %arg4[%get3A_162] {strides = array<i32>} : memref<32768xi32, #tpu.memory_space<vmem>>, vector<16xi32>,
        %add3A_164 = arith.constant 2 : i32
        %add3A_165 = arith.addi %mul3A_152, %add3A_164 : i32
        %mul3A_166 = arith.constant 16 : i32
        %mul3A_167 = arith.muli %add3A_165, %mul3A_166 : i32
        %get3A_168 = arith.index_cast %mul3A_167 : i32 to index
        %get3A_169 = tpu.vector_load %arg4[%get3A_168] {strides = array<i32>} : memref<32768xi32, #tpu.memory_space<vmem>>, vector<16xi32>,
        %add3A_170 = arith.constant 3 : i32
        %add3A_171 = arith.addi %mul3A_152, %add3A_170 : i32
        %mul3A_172 = arith.constant 16 : i32
        %mul3A_173 = arith.muli %add3A_171, %mul3A_172 : i32
        %get3A_174 = arith.index_cast %mul3A_173 : i32 to index
        %get3A_175 = tpu.vector_load %arg4[%get3A_174] {strides = array<i32>} : memref<32768xi32, #tpu.memory_space<vmem>>, vector<16xi32>,
        %add3A_176 = arith.constant 4 : i32
        %add3A_177 = arith.addi %mul3A_152, %add3A_176 : i32
        %mul3A_178 = arith.constant 16 : i32
        %mul3A_179 = arith.muli %add3A_177, %mul3A_178 : i32
        %get3A_180 = arith.index_cast %mul3A_179 : i32 to index
        %get3A_181 = tpu.vector_load %arg4[%get3A_180] {strides = array<i32>} : memref<32768xi32, #tpu.memory_space<vmem>>, vector<16xi32>,
        %add3A_182 = arith.constant 5 : i32
        %add3A_183 = arith.addi %mul3A_152, %add3A_182 : i32
        %mul3A_184 = arith.constant 16 : i32
        %mul3A_185 = arith.muli %add3A_183, %mul3A_184 : i32
        %get3A_186 = arith.index_cast %mul3A_185 : i32 to index
        %get3A_187 = tpu.vector_load %arg4[%get3A_186] {strides = array<i32>} : memref<32768xi32, #tpu.memory_space<vmem>>, vector<16xi32>,
        %add3A_188 = arith.constant 6 : i32
        %add3A_189 = arith.addi %mul3A_152, %add3A_188 : i32
        %mul3A_190 = arith.constant 16 : i32
        %mul3A_191 = arith.muli %add3A_189, %mul3A_190 : i32
        %get3A_192 = arith.index_cast %mul3A_191 : i32 to index
        %get3A_193 = tpu.vector_load %arg4[%get3A_192] {strides = array<i32>} : memref<32768xi32, #tpu.memory_space<vmem>>, vector<16xi32>,
        %add3A_194 = arith.constant 7 : i32
        %add3A_195 = arith.addi %mul3A_152, %add3A_194 : i32
        %mul3A_196 = arith.constant 16 : i32
        %mul3A_197 = arith.muli %add3A_195, %mul3A_196 : i32
        %get3A_198 = arith.index_cast %mul3A_197 : i32 to index
        %get3A_199 = tpu.vector_load %arg4[%get3A_198] {strides = array<i32>} : memref<32768xi32, #tpu.memory_space<vmem>>, vector<16xi32>,
        %broadcast_in_dim3A_200 = arith.constant 16 : i32
        %broadcast_in_dim3A_201 = vector.broadcast %broadcast_in_dim3A_200 : i32 to vector<16xi32>
        %shift_right_logical3A = arith.shrui %get3A_157, %broadcast_in_dim3A_201 : vector<16xi32>
        %broadcast_in_dim3A_202 = arith.constant 255 : i32
        %broadcast_in_dim3A_203 = vector.broadcast %broadcast_in_dim3A_202 : i32 to vector<16xi32>
        %and3A = arith.andi %shift_right_logical3A, %broadcast_in_dim3A_203 : vector<16xi32>
        %mul3A_204 = arith.constant 16 : i32
        %mul3A_205 = vector.broadcast %mul3A_204 : i32 to vector<16xi32>
        %mul3A_206 = arith.muli %and3A, %mul3A_205 : vector<16xi32>
        %add3A_207 = arith.addi %mul3A_206, %iota3A : vector<16xi32>
        %broadcast_in_dim3A_208 = arith.constant 16 : i32
        %broadcast_in_dim3A_209 = vector.broadcast %broadcast_in_dim3A_208 : i32 to vector<16xi32>
        %shift_right_logical3A_210 = arith.shrui %get3A_163, %broadcast_in_dim3A_209 : vector<16xi32>
        %broadcast_in_dim3A_211 = arith.constant 255 : i32
        %broadcast_in_dim3A_212 = vector.broadcast %broadcast_in_dim3A_211 : i32 to vector<16xi32>
        %and3A_213 = arith.andi %shift_right_logical3A_210, %broadcast_in_dim3A_212 : vector<16xi32>
        %mul3A_214 = arith.constant 16 : i32
        %mul3A_215 = vector.broadcast %mul3A_214 : i32 to vector<16xi32>
        %mul3A_216 = arith.muli %and3A_213, %mul3A_215 : vector<16xi32>
        %add3A_217 = arith.addi %mul3A_216, %iota3A : vector<16xi32>
        %broadcast_in_dim3A_218 = arith.constant 16 : i32
        %broadcast_in_dim3A_219 = vector.broadcast %broadcast_in_dim3A_218 : i32 to vector<16xi32>
        %shift_right_logical3A_220 = arith.shrui %get3A_169, %broadcast_in_dim3A_219 : vector<16xi32>
        %broadcast_in_dim3A_221 = arith.constant 255 : i32
        %broadcast_in_dim3A_222 = vector.broadcast %broadcast_in_dim3A_221 : i32 to vector<16xi32>
        %and3A_223 = arith.andi %shift_right_logical3A_220, %broadcast_in_dim3A_222 : vector<16xi32>
        %mul3A_224 = arith.constant 16 : i32
        %mul3A_225 = vector.broadcast %mul3A_224 : i32 to vector<16xi32>
        %mul3A_226 = arith.muli %and3A_223, %mul3A_225 : vector<16xi32>
        %add3A_227 = arith.addi %mul3A_226, %iota3A : vector<16xi32>
        %broadcast_in_dim3A_228 = arith.constant 16 : i32
        %broadcast_in_dim3A_229 = vector.broadcast %broadcast_in_dim3A_228 : i32 to vector<16xi32>
        %shift_right_logical3A_230 = arith.shrui %get3A_175, %broadcast_in_dim3A_229 : vector<16xi32>
        %broadcast_in_dim3A_231 = arith.constant 255 : i32
        %broadcast_in_dim3A_232 = vector.broadcast %broadcast_in_dim3A_231 : i32 to vector<16xi32>
        %and3A_233 = arith.andi %shift_right_logical3A_230, %broadcast_in_dim3A_232 : vector<16xi32>
        %mul3A_234 = arith.constant 16 : i32
        %mul3A_235 = vector.broadcast %mul3A_234 : i32 to vector<16xi32>
        %mul3A_236 = arith.muli %and3A_233, %mul3A_235 : vector<16xi32>
        %add3A_237 = arith.addi %mul3A_236, %iota3A : vector<16xi32>
        %broadcast_in_dim3A_238 = arith.constant 16 : i32
        %broadcast_in_dim3A_239 = vector.broadcast %broadcast_in_dim3A_238 : i32 to vector<16xi32>
        %shift_right_logical3A_240 = arith.shrui %get3A_181, %broadcast_in_dim3A_239 : vector<16xi32>
        %broadcast_in_dim3A_241 = arith.constant 255 : i32
        %broadcast_in_dim3A_242 = vector.broadcast %broadcast_in_dim3A_241 : i32 to vector<16xi32>
        %and3A_243 = arith.andi %shift_right_logical3A_240, %broadcast_in_dim3A_242 : vector<16xi32>
        %mul3A_244 = arith.constant 16 : i32
        %mul3A_245 = vector.broadcast %mul3A_244 : i32 to vector<16xi32>
        %mul3A_246 = arith.muli %and3A_243, %mul3A_245 : vector<16xi32>
        %add3A_247 = arith.addi %mul3A_246, %iota3A : vector<16xi32>
        %broadcast_in_dim3A_248 = arith.constant 16 : i32
        %broadcast_in_dim3A_249 = vector.broadcast %broadcast_in_dim3A_248 : i32 to vector<16xi32>
        %shift_right_logical3A_250 = arith.shrui %get3A_187, %broadcast_in_dim3A_249 : vector<16xi32>
        %broadcast_in_dim3A_251 = arith.constant 255 : i32
        %broadcast_in_dim3A_252 = vector.broadcast %broadcast_in_dim3A_251 : i32 to vector<16xi32>
        %and3A_253 = arith.andi %shift_right_logical3A_250, %broadcast_in_dim3A_252 : vector<16xi32>
        %mul3A_254 = arith.constant 16 : i32
        %mul3A_255 = vector.broadcast %mul3A_254 : i32 to vector<16xi32>
        %mul3A_256 = arith.muli %and3A_253, %mul3A_255 : vector<16xi32>
        %add3A_257 = arith.addi %mul3A_256, %iota3A : vector<16xi32>
        %broadcast_in_dim3A_258 = arith.constant 16 : i32
        %broadcast_in_dim3A_259 = vector.broadcast %broadcast_in_dim3A_258 : i32 to vector<16xi32>
        %shift_right_logical3A_260 = arith.shrui %get3A_193, %broadcast_in_dim3A_259 : vector<16xi32>
        %broadcast_in_dim3A_261 = arith.constant 255 : i32
        %broadcast_in_dim3A_262 = vector.broadcast %broadcast_in_dim3A_261 : i32 to vector<16xi32>
        %and3A_263 = arith.andi %shift_right_logical3A_260, %broadcast_in_dim3A_262 : vector<16xi32>
        %mul3A_264 = arith.constant 16 : i32
        %mul3A_265 = vector.broadcast %mul3A_264 : i32 to vector<16xi32>
        %mul3A_266 = arith.muli %and3A_263, %mul3A_265 : vector<16xi32>
        %add3A_267 = arith.addi %mul3A_266, %iota3A : vector<16xi32>
        %broadcast_in_dim3A_268 = arith.constant 16 : i32
        %broadcast_in_dim3A_269 = vector.broadcast %broadcast_in_dim3A_268 : i32 to vector<16xi32>
        %shift_right_logical3A_270 = arith.shrui %get3A_199, %broadcast_in_dim3A_269 : vector<16xi32>
        %broadcast_in_dim3A_271 = arith.constant 255 : i32
        %broadcast_in_dim3A_272 = vector.broadcast %broadcast_in_dim3A_271 : i32 to vector<16xi32>
        %and3A_273 = arith.andi %shift_right_logical3A_270, %broadcast_in_dim3A_272 : vector<16xi32>
        %mul3A_274 = arith.constant 16 : i32
        %mul3A_275 = vector.broadcast %mul3A_274 : i32 to vector<16xi32>
        %mul3A_276 = arith.muli %and3A_273, %mul3A_275 : vector<16xi32>
        %add3A_277 = arith.addi %mul3A_276, %iota3A : vector<16xi32>
        %gather3A = tpu.vector_load_idx %arg8[%add3A_207] : memref<4096xi32, #tpu.memory_space<vmem>>[vector<16xi32>], vector<16xi32>,
        %gather3A_278 = tpu.vector_load_idx %arg8[%add3A_217] : memref<4096xi32, #tpu.memory_space<vmem>>[vector<16xi32>], vector<16xi32>,
        %gather3A_279 = tpu.vector_load_idx %arg8[%add3A_227] : memref<4096xi32, #tpu.memory_space<vmem>>[vector<16xi32>], vector<16xi32>,
        %gather3A_280 = tpu.vector_load_idx %arg8[%add3A_237] : memref<4096xi32, #tpu.memory_space<vmem>>[vector<16xi32>], vector<16xi32>,
        %gather3A_281 = tpu.vector_load_idx %arg8[%add3A_247] : memref<4096xi32, #tpu.memory_space<vmem>>[vector<16xi32>], vector<16xi32>,
        %gather3A_282 = tpu.vector_load_idx %arg8[%add3A_257] : memref<4096xi32, #tpu.memory_space<vmem>>[vector<16xi32>], vector<16xi32>,
        %gather3A_283 = tpu.vector_load_idx %arg8[%add3A_267] : memref<4096xi32, #tpu.memory_space<vmem>>[vector<16xi32>], vector<16xi32>,
        %gather3A_284 = tpu.vector_load_idx %arg8[%add3A_277] : memref<4096xi32, #tpu.memory_space<vmem>>[vector<16xi32>], vector<16xi32>,
        %eq3A_285 = arith.cmpi eq, %add3A_207, %add3A_217 : vector<16xi32>
        %convert_element_type3A_286 = arith.extui %eq3A_285 : vector<16xi1> to vector<16xi32>
        %add3A_287 = arith.addi %gather3A_278, %convert_element_type3A_286 : vector<16xi32>
        %eq3A_288 = arith.cmpi eq, %add3A_207, %add3A_227 : vector<16xi32>
        %convert_element_type3A_289 = arith.extui %eq3A_288 : vector<16xi1> to vector<16xi32>
        %add3A_290 = arith.addi %gather3A_279, %convert_element_type3A_289 : vector<16xi32>
        %eq3A_291 = arith.cmpi eq, %add3A_217, %add3A_227 : vector<16xi32>
        %convert_element_type3A_292 = arith.extui %eq3A_291 : vector<16xi1> to vector<16xi32>
        %add3A_293 = arith.addi %add3A_290, %convert_element_type3A_292 : vector<16xi32>
        %eq3A_294 = arith.cmpi eq, %add3A_207, %add3A_237 : vector<16xi32>
        %convert_element_type3A_295 = arith.extui %eq3A_294 : vector<16xi1> to vector<16xi32>
        %add3A_296 = arith.addi %gather3A_280, %convert_element_type3A_295 : vector<16xi32>
        %eq3A_297 = arith.cmpi eq, %add3A_217, %add3A_237 : vector<16xi32>
        %convert_element_type3A_298 = arith.extui %eq3A_297 : vector<16xi1> to vector<16xi32>
        %add3A_299 = arith.addi %add3A_296, %convert_element_type3A_298 : vector<16xi32>
        %eq3A_300 = arith.cmpi eq, %add3A_227, %add3A_237 : vector<16xi32>
        %convert_element_type3A_301 = arith.extui %eq3A_300 : vector<16xi1> to vector<16xi32>
        %add3A_302 = arith.addi %add3A_299, %convert_element_type3A_301 : vector<16xi32>
        %eq3A_303 = arith.cmpi eq, %add3A_207, %add3A_247 : vector<16xi32>
        %convert_element_type3A_304 = arith.extui %eq3A_303 : vector<16xi1> to vector<16xi32>
        %add3A_305 = arith.addi %gather3A_281, %convert_element_type3A_304 : vector<16xi32>
        %eq3A_306 = arith.cmpi eq, %add3A_217, %add3A_247 : vector<16xi32>
        %convert_element_type3A_307 = arith.extui %eq3A_306 : vector<16xi1> to vector<16xi32>
        %add3A_308 = arith.addi %add3A_305, %convert_element_type3A_307 : vector<16xi32>
        %eq3A_309 = arith.cmpi eq, %add3A_227, %add3A_247 : vector<16xi32>
        %convert_element_type3A_310 = arith.extui %eq3A_309 : vector<16xi1> to vector<16xi32>
        %add3A_311 = arith.addi %add3A_308, %convert_element_type3A_310 : vector<16xi32>
        %eq3A_312 = arith.cmpi eq, %add3A_237, %add3A_247 : vector<16xi32>
        %convert_element_type3A_313 = arith.extui %eq3A_312 : vector<16xi1> to vector<16xi32>
        %add3A_314 = arith.addi %add3A_311, %convert_element_type3A_313 : vector<16xi32>
        %eq3A_315 = arith.cmpi eq, %add3A_207, %add3A_257 : vector<16xi32>
        %convert_element_type3A_316 = arith.extui %eq3A_315 : vector<16xi1> to vector<16xi32>
        %add3A_317 = arith.addi %gather3A_282, %convert_element_type3A_316 : vector<16xi32>
        %eq3A_318 = arith.cmpi eq, %add3A_217, %add3A_257 : vector<16xi32>
        %convert_element_type3A_319 = arith.extui %eq3A_318 : vector<16xi1> to vector<16xi32>
        %add3A_320 = arith.addi %add3A_317, %convert_element_type3A_319 : vector<16xi32>
        %eq3A_321 = arith.cmpi eq, %add3A_227, %add3A_257 : vector<16xi32>
        %convert_element_type3A_322 = arith.extui %eq3A_321 : vector<16xi1> to vector<16xi32>
        %add3A_323 = arith.addi %add3A_320, %convert_element_type3A_322 : vector<16xi32>
        %eq3A_324 = arith.cmpi eq, %add3A_237, %add3A_257 : vector<16xi32>
        %convert_element_type3A_325 = arith.extui %eq3A_324 : vector<16xi1> to vector<16xi32>
        %add3A_326 = arith.addi %add3A_323, %convert_element_type3A_325 : vector<16xi32>
        %eq3A_327 = arith.cmpi eq, %add3A_247, %add3A_257 : vector<16xi32>
        %convert_element_type3A_328 = arith.extui %eq3A_327 : vector<16xi1> to vector<16xi32>
        %add3A_329 = arith.addi %add3A_326, %convert_element_type3A_328 : vector<16xi32>
        %eq3A_330 = arith.cmpi eq, %add3A_207, %add3A_267 : vector<16xi32>
        %convert_element_type3A_331 = arith.extui %eq3A_330 : vector<16xi1> to vector<16xi32>
        %add3A_332 = arith.addi %gather3A_283, %convert_element_type3A_331 : vector<16xi32>
        %eq3A_333 = arith.cmpi eq, %add3A_217, %add3A_267 : vector<16xi32>
        %convert_element_type3A_334 = arith.extui %eq3A_333 : vector<16xi1> to vector<16xi32>
        %add3A_335 = arith.addi %add3A_332, %convert_element_type3A_334 : vector<16xi32>
        %eq3A_336 = arith.cmpi eq, %add3A_227, %add3A_267 : vector<16xi32>
        %convert_element_type3A_337 = arith.extui %eq3A_336 : vector<16xi1> to vector<16xi32>
        %add3A_338 = arith.addi %add3A_335, %convert_element_type3A_337 : vector<16xi32>
        %eq3A_339 = arith.cmpi eq, %add3A_237, %add3A_267 : vector<16xi32>
        %convert_element_type3A_340 = arith.extui %eq3A_339 : vector<16xi1> to vector<16xi32>
        %add3A_341 = arith.addi %add3A_338, %convert_element_type3A_340 : vector<16xi32>
        %eq3A_342 = arith.cmpi eq, %add3A_247, %add3A_267 : vector<16xi32>
        %convert_element_type3A_343 = arith.extui %eq3A_342 : vector<16xi1> to vector<16xi32>
        %add3A_344 = arith.addi %add3A_341, %convert_element_type3A_343 : vector<16xi32>
        %eq3A_345 = arith.cmpi eq, %add3A_257, %add3A_267 : vector<16xi32>
        %convert_element_type3A_346 = arith.extui %eq3A_345 : vector<16xi1> to vector<16xi32>
        %add3A_347 = arith.addi %add3A_344, %convert_element_type3A_346 : vector<16xi32>
        %eq3A_348 = arith.cmpi eq, %add3A_207, %add3A_277 : vector<16xi32>
        %convert_element_type3A_349 = arith.extui %eq3A_348 : vector<16xi1> to vector<16xi32>
        %add3A_350 = arith.addi %gather3A_284, %convert_element_type3A_349 : vector<16xi32>
        %eq3A_351 = arith.cmpi eq, %add3A_217, %add3A_277 : vector<16xi32>
        %convert_element_type3A_352 = arith.extui %eq3A_351 : vector<16xi1> to vector<16xi32>
        %add3A_353 = arith.addi %add3A_350, %convert_element_type3A_352 : vector<16xi32>
        %eq3A_354 = arith.cmpi eq, %add3A_227, %add3A_277 : vector<16xi32>
        %convert_element_type3A_355 = arith.extui %eq3A_354 : vector<16xi1> to vector<16xi32>
        %add3A_356 = arith.addi %add3A_353, %convert_element_type3A_355 : vector<16xi32>
        %eq3A_357 = arith.cmpi eq, %add3A_237, %add3A_277 : vector<16xi32>
        %convert_element_type3A_358 = arith.extui %eq3A_357 : vector<16xi1> to vector<16xi32>
        %add3A_359 = arith.addi %add3A_356, %convert_element_type3A_358 : vector<16xi32>
        %eq3A_360 = arith.cmpi eq, %add3A_247, %add3A_277 : vector<16xi32>
        %convert_element_type3A_361 = arith.extui %eq3A_360 : vector<16xi1> to vector<16xi32>
        %add3A_362 = arith.addi %add3A_359, %convert_element_type3A_361 : vector<16xi32>
        %eq3A_363 = arith.cmpi eq, %add3A_257, %add3A_277 : vector<16xi32>
        %convert_element_type3A_364 = arith.extui %eq3A_363 : vector<16xi1> to vector<16xi32>
        %add3A_365 = arith.addi %add3A_362, %convert_element_type3A_364 : vector<16xi32>
        %eq3A_366 = arith.cmpi eq, %add3A_267, %add3A_277 : vector<16xi32>
        %convert_element_type3A_367 = arith.extui %eq3A_366 : vector<16xi1> to vector<16xi32>
        %add3A_368 = arith.addi %add3A_365, %convert_element_type3A_367 : vector<16xi32>
        tpu.vector_store_idx %arg8[%add3A_207], %broadcast_in_dim3A_1 {add = true} : memref<4096xi32, #tpu.memory_space<vmem>>[vector<16xi32>], vector<16xi32>,
        tpu.vector_store_idx %arg8[%add3A_217], %broadcast_in_dim3A_1 {add = true} : memref<4096xi32, #tpu.memory_space<vmem>>[vector<16xi32>], vector<16xi32>,
        tpu.vector_store_idx %arg8[%add3A_227], %broadcast_in_dim3A_1 {add = true} : memref<4096xi32, #tpu.memory_space<vmem>>[vector<16xi32>], vector<16xi32>,
        tpu.vector_store_idx %arg8[%add3A_237], %broadcast_in_dim3A_1 {add = true} : memref<4096xi32, #tpu.memory_space<vmem>>[vector<16xi32>], vector<16xi32>,
        tpu.vector_store_idx %arg8[%add3A_247], %broadcast_in_dim3A_1 {add = true} : memref<4096xi32, #tpu.memory_space<vmem>>[vector<16xi32>], vector<16xi32>,
        tpu.vector_store_idx %arg8[%add3A_257], %broadcast_in_dim3A_1 {add = true} : memref<4096xi32, #tpu.memory_space<vmem>>[vector<16xi32>], vector<16xi32>,
        tpu.vector_store_idx %arg8[%add3A_267], %broadcast_in_dim3A_1 {add = true} : memref<4096xi32, #tpu.memory_space<vmem>>[vector<16xi32>], vector<16xi32>,
        tpu.vector_store_idx %arg8[%add3A_277], %broadcast_in_dim3A_1 {add = true} : memref<4096xi32, #tpu.memory_space<vmem>>[vector<16xi32>], vector<16xi32>,
        %broadcast_in_dim3A_369 = arith.constant 2047 : i32
        %broadcast_in_dim3A_370 = vector.broadcast %broadcast_in_dim3A_369 : i32 to vector<16xi32>
        %and3A_371 = arith.andi %gather3A, %broadcast_in_dim3A_370 : vector<16xi32>
        %broadcast_in_dim3A_372 = arith.constant 4 : i32
        %broadcast_in_dim3A_373 = vector.broadcast %broadcast_in_dim3A_372 : i32 to vector<16xi32>
        %shift_left3A = arith.shli %and3A_371, %broadcast_in_dim3A_373 : vector<16xi32>
        %broadcast_in_dim3A_374 = arith.constant 11 : i32
        %broadcast_in_dim3A_375 = vector.broadcast %broadcast_in_dim3A_374 : i32 to vector<16xi32>
        %shift_right_logical3A_376 = arith.shrui %gather3A, %broadcast_in_dim3A_375 : vector<16xi32>
        %or3A = arith.ori %shift_left3A, %shift_right_logical3A_376 : vector<16xi32>
        tpu.vector_store_idx %arg5[%or3A], %get3A_157 : memref<32768xi32, #tpu.memory_space<vmem>>[vector<16xi32>], vector<16xi32>,
        %broadcast_in_dim3A_377 = arith.constant 24 : i32
        %broadcast_in_dim3A_378 = vector.broadcast %broadcast_in_dim3A_377 : i32 to vector<16xi32>
        %shift_right_logical3A_379 = arith.shrui %get3A_157, %broadcast_in_dim3A_378 : vector<16xi32>
        %broadcast_in_dim3A_380 = arith.constant 4 : i32
        %broadcast_in_dim3A_381 = vector.broadcast %broadcast_in_dim3A_380 : i32 to vector<16xi32>
        %shift_left3A_382 = arith.shli %shift_right_logical3A_379, %broadcast_in_dim3A_381 : vector<16xi32>
        %broadcast_in_dim3A_383 = arith.constant 11 : i32
        %broadcast_in_dim3A_384 = vector.broadcast %broadcast_in_dim3A_383 : i32 to vector<16xi32>
        %shift_right_logical3A_385 = arith.shrui %gather3A, %broadcast_in_dim3A_384 : vector<16xi32>
        %or3A_386 = arith.ori %shift_left3A_382, %shift_right_logical3A_385 : vector<16xi32>
        tpu.vector_store_idx %arg9[%or3A_386], %broadcast_in_dim3A_1 {add = true} : memref<4096xi32, #tpu.memory_space<vmem>>[vector<16xi32>], vector<16xi32>,
        %broadcast_in_dim3A_387 = arith.constant 2047 : i32
        %broadcast_in_dim3A_388 = vector.broadcast %broadcast_in_dim3A_387 : i32 to vector<16xi32>
        %and3A_389 = arith.andi %add3A_287, %broadcast_in_dim3A_388 : vector<16xi32>
        %broadcast_in_dim3A_390 = arith.constant 4 : i32
        %broadcast_in_dim3A_391 = vector.broadcast %broadcast_in_dim3A_390 : i32 to vector<16xi32>
        %shift_left3A_392 = arith.shli %and3A_389, %broadcast_in_dim3A_391 : vector<16xi32>
        %broadcast_in_dim3A_393 = arith.constant 11 : i32
        %broadcast_in_dim3A_394 = vector.broadcast %broadcast_in_dim3A_393 : i32 to vector<16xi32>
        %shift_right_logical3A_395 = arith.shrui %add3A_287, %broadcast_in_dim3A_394 : vector<16xi32>
        %or3A_396 = arith.ori %shift_left3A_392, %shift_right_logical3A_395 : vector<16xi32>
        tpu.vector_store_idx %arg5[%or3A_396], %get3A_163 : memref<32768xi32, #tpu.memory_space<vmem>>[vector<16xi32>], vector<16xi32>,
        %broadcast_in_dim3A_397 = arith.constant 24 : i32
        %broadcast_in_dim3A_398 = vector.broadcast %broadcast_in_dim3A_397 : i32 to vector<16xi32>
        %shift_right_logical3A_399 = arith.shrui %get3A_163, %broadcast_in_dim3A_398 : vector<16xi32>
        %broadcast_in_dim3A_400 = arith.constant 4 : i32
        %broadcast_in_dim3A_401 = vector.broadcast %broadcast_in_dim3A_400 : i32 to vector<16xi32>
        %shift_left3A_402 = arith.shli %shift_right_logical3A_399, %broadcast_in_dim3A_401 : vector<16xi32>
        %broadcast_in_dim3A_403 = arith.constant 11 : i32
        %broadcast_in_dim3A_404 = vector.broadcast %broadcast_in_dim3A_403 : i32 to vector<16xi32>
        %shift_right_logical3A_405 = arith.shrui %add3A_287, %broadcast_in_dim3A_404 : vector<16xi32>
        %or3A_406 = arith.ori %shift_left3A_402, %shift_right_logical3A_405 : vector<16xi32>
        tpu.vector_store_idx %arg9[%or3A_406], %broadcast_in_dim3A_1 {add = true} : memref<4096xi32, #tpu.memory_space<vmem>>[vector<16xi32>], vector<16xi32>,
        %broadcast_in_dim3A_407 = arith.constant 2047 : i32
        %broadcast_in_dim3A_408 = vector.broadcast %broadcast_in_dim3A_407 : i32 to vector<16xi32>
        %and3A_409 = arith.andi %add3A_293, %broadcast_in_dim3A_408 : vector<16xi32>
        %broadcast_in_dim3A_410 = arith.constant 4 : i32
        %broadcast_in_dim3A_411 = vector.broadcast %broadcast_in_dim3A_410 : i32 to vector<16xi32>
        %shift_left3A_412 = arith.shli %and3A_409, %broadcast_in_dim3A_411 : vector<16xi32>
        %broadcast_in_dim3A_413 = arith.constant 11 : i32
        %broadcast_in_dim3A_414 = vector.broadcast %broadcast_in_dim3A_413 : i32 to vector<16xi32>
        %shift_right_logical3A_415 = arith.shrui %add3A_293, %broadcast_in_dim3A_414 : vector<16xi32>
        %or3A_416 = arith.ori %shift_left3A_412, %shift_right_logical3A_415 : vector<16xi32>
        tpu.vector_store_idx %arg5[%or3A_416], %get3A_169 : memref<32768xi32, #tpu.memory_space<vmem>>[vector<16xi32>], vector<16xi32>,
        %broadcast_in_dim3A_417 = arith.constant 24 : i32
        %broadcast_in_dim3A_418 = vector.broadcast %broadcast_in_dim3A_417 : i32 to vector<16xi32>
        %shift_right_logical3A_419 = arith.shrui %get3A_169, %broadcast_in_dim3A_418 : vector<16xi32>
        %broadcast_in_dim3A_420 = arith.constant 4 : i32
        %broadcast_in_dim3A_421 = vector.broadcast %broadcast_in_dim3A_420 : i32 to vector<16xi32>
        %shift_left3A_422 = arith.shli %shift_right_logical3A_419, %broadcast_in_dim3A_421 : vector<16xi32>
        %broadcast_in_dim3A_423 = arith.constant 11 : i32
        %broadcast_in_dim3A_424 = vector.broadcast %broadcast_in_dim3A_423 : i32 to vector<16xi32>
        %shift_right_logical3A_425 = arith.shrui %add3A_293, %broadcast_in_dim3A_424 : vector<16xi32>
        %or3A_426 = arith.ori %shift_left3A_422, %shift_right_logical3A_425 : vector<16xi32>
        tpu.vector_store_idx %arg9[%or3A_426], %broadcast_in_dim3A_1 {add = true} : memref<4096xi32, #tpu.memory_space<vmem>>[vector<16xi32>], vector<16xi32>,
        %broadcast_in_dim3A_427 = arith.constant 2047 : i32
        %broadcast_in_dim3A_428 = vector.broadcast %broadcast_in_dim3A_427 : i32 to vector<16xi32>
        %and3A_429 = arith.andi %add3A_302, %broadcast_in_dim3A_428 : vector<16xi32>
        %broadcast_in_dim3A_430 = arith.constant 4 : i32
        %broadcast_in_dim3A_431 = vector.broadcast %broadcast_in_dim3A_430 : i32 to vector<16xi32>
        %shift_left3A_432 = arith.shli %and3A_429, %broadcast_in_dim3A_431 : vector<16xi32>
        %broadcast_in_dim3A_433 = arith.constant 11 : i32
        %broadcast_in_dim3A_434 = vector.broadcast %broadcast_in_dim3A_433 : i32 to vector<16xi32>
        %shift_right_logical3A_435 = arith.shrui %add3A_302, %broadcast_in_dim3A_434 : vector<16xi32>
        %or3A_436 = arith.ori %shift_left3A_432, %shift_right_logical3A_435 : vector<16xi32>
        tpu.vector_store_idx %arg5[%or3A_436], %get3A_175 : memref<32768xi32, #tpu.memory_space<vmem>>[vector<16xi32>], vector<16xi32>,
        %broadcast_in_dim3A_437 = arith.constant 24 : i32
        %broadcast_in_dim3A_438 = vector.broadcast %broadcast_in_dim3A_437 : i32 to vector<16xi32>
        %shift_right_logical3A_439 = arith.shrui %get3A_175, %broadcast_in_dim3A_438 : vector<16xi32>
        %broadcast_in_dim3A_440 = arith.constant 4 : i32
        %broadcast_in_dim3A_441 = vector.broadcast %broadcast_in_dim3A_440 : i32 to vector<16xi32>
        %shift_left3A_442 = arith.shli %shift_right_logical3A_439, %broadcast_in_dim3A_441 : vector<16xi32>
        %broadcast_in_dim3A_443 = arith.constant 11 : i32
        %broadcast_in_dim3A_444 = vector.broadcast %broadcast_in_dim3A_443 : i32 to vector<16xi32>
        %shift_right_logical3A_445 = arith.shrui %add3A_302, %broadcast_in_dim3A_444 : vector<16xi32>
        %or3A_446 = arith.ori %shift_left3A_442, %shift_right_logical3A_445 : vector<16xi32>
        tpu.vector_store_idx %arg9[%or3A_446], %broadcast_in_dim3A_1 {add = true} : memref<4096xi32, #tpu.memory_space<vmem>>[vector<16xi32>], vector<16xi32>,
        %broadcast_in_dim3A_447 = arith.constant 2047 : i32
        %broadcast_in_dim3A_448 = vector.broadcast %broadcast_in_dim3A_447 : i32 to vector<16xi32>
        %and3A_449 = arith.andi %add3A_314, %broadcast_in_dim3A_448 : vector<16xi32>
        %broadcast_in_dim3A_450 = arith.constant 4 : i32
        %broadcast_in_dim3A_451 = vector.broadcast %broadcast_in_dim3A_450 : i32 to vector<16xi32>
        %shift_left3A_452 = arith.shli %and3A_449, %broadcast_in_dim3A_451 : vector<16xi32>
        %broadcast_in_dim3A_453 = arith.constant 11 : i32
        %broadcast_in_dim3A_454 = vector.broadcast %broadcast_in_dim3A_453 : i32 to vector<16xi32>
        %shift_right_logical3A_455 = arith.shrui %add3A_314, %broadcast_in_dim3A_454 : vector<16xi32>
        %or3A_456 = arith.ori %shift_left3A_452, %shift_right_logical3A_455 : vector<16xi32>
        tpu.vector_store_idx %arg5[%or3A_456], %get3A_181 : memref<32768xi32, #tpu.memory_space<vmem>>[vector<16xi32>], vector<16xi32>,
        %broadcast_in_dim3A_457 = arith.constant 24 : i32
        %broadcast_in_dim3A_458 = vector.broadcast %broadcast_in_dim3A_457 : i32 to vector<16xi32>
        %shift_right_logical3A_459 = arith.shrui %get3A_181, %broadcast_in_dim3A_458 : vector<16xi32>
        %broadcast_in_dim3A_460 = arith.constant 4 : i32
        %broadcast_in_dim3A_461 = vector.broadcast %broadcast_in_dim3A_460 : i32 to vector<16xi32>
        %shift_left3A_462 = arith.shli %shift_right_logical3A_459, %broadcast_in_dim3A_461 : vector<16xi32>
        %broadcast_in_dim3A_463 = arith.constant 11 : i32
        %broadcast_in_dim3A_464 = vector.broadcast %broadcast_in_dim3A_463 : i32 to vector<16xi32>
        %shift_right_logical3A_465 = arith.shrui %add3A_314, %broadcast_in_dim3A_464 : vector<16xi32>
        %or3A_466 = arith.ori %shift_left3A_462, %shift_right_logical3A_465 : vector<16xi32>
        tpu.vector_store_idx %arg9[%or3A_466], %broadcast_in_dim3A_1 {add = true} : memref<4096xi32, #tpu.memory_space<vmem>>[vector<16xi32>], vector<16xi32>,
        %broadcast_in_dim3A_467 = arith.constant 2047 : i32
        %broadcast_in_dim3A_468 = vector.broadcast %broadcast_in_dim3A_467 : i32 to vector<16xi32>
        %and3A_469 = arith.andi %add3A_329, %broadcast_in_dim3A_468 : vector<16xi32>
        %broadcast_in_dim3A_470 = arith.constant 4 : i32
        %broadcast_in_dim3A_471 = vector.broadcast %broadcast_in_dim3A_470 : i32 to vector<16xi32>
        %shift_left3A_472 = arith.shli %and3A_469, %broadcast_in_dim3A_471 : vector<16xi32>
        %broadcast_in_dim3A_473 = arith.constant 11 : i32
        %broadcast_in_dim3A_474 = vector.broadcast %broadcast_in_dim3A_473 : i32 to vector<16xi32>
        %shift_right_logical3A_475 = arith.shrui %add3A_329, %broadcast_in_dim3A_474 : vector<16xi32>
        %or3A_476 = arith.ori %shift_left3A_472, %shift_right_logical3A_475 : vector<16xi32>
        tpu.vector_store_idx %arg5[%or3A_476], %get3A_187 : memref<32768xi32, #tpu.memory_space<vmem>>[vector<16xi32>], vector<16xi32>,
        %broadcast_in_dim3A_477 = arith.constant 24 : i32
        %broadcast_in_dim3A_478 = vector.broadcast %broadcast_in_dim3A_477 : i32 to vector<16xi32>
        %shift_right_logical3A_479 = arith.shrui %get3A_187, %broadcast_in_dim3A_478 : vector<16xi32>
        %broadcast_in_dim3A_480 = arith.constant 4 : i32
        %broadcast_in_dim3A_481 = vector.broadcast %broadcast_in_dim3A_480 : i32 to vector<16xi32>
        %shift_left3A_482 = arith.shli %shift_right_logical3A_479, %broadcast_in_dim3A_481 : vector<16xi32>
        %broadcast_in_dim3A_483 = arith.constant 11 : i32
        %broadcast_in_dim3A_484 = vector.broadcast %broadcast_in_dim3A_483 : i32 to vector<16xi32>
        %shift_right_logical3A_485 = arith.shrui %add3A_329, %broadcast_in_dim3A_484 : vector<16xi32>
        %or3A_486 = arith.ori %shift_left3A_482, %shift_right_logical3A_485 : vector<16xi32>
        tpu.vector_store_idx %arg9[%or3A_486], %broadcast_in_dim3A_1 {add = true} : memref<4096xi32, #tpu.memory_space<vmem>>[vector<16xi32>], vector<16xi32>,
        %broadcast_in_dim3A_487 = arith.constant 2047 : i32
        %broadcast_in_dim3A_488 = vector.broadcast %broadcast_in_dim3A_487 : i32 to vector<16xi32>
        %and3A_489 = arith.andi %add3A_347, %broadcast_in_dim3A_488 : vector<16xi32>
        %broadcast_in_dim3A_490 = arith.constant 4 : i32
        %broadcast_in_dim3A_491 = vector.broadcast %broadcast_in_dim3A_490 : i32 to vector<16xi32>
        %shift_left3A_492 = arith.shli %and3A_489, %broadcast_in_dim3A_491 : vector<16xi32>
        %broadcast_in_dim3A_493 = arith.constant 11 : i32
        %broadcast_in_dim3A_494 = vector.broadcast %broadcast_in_dim3A_493 : i32 to vector<16xi32>
        %shift_right_logical3A_495 = arith.shrui %add3A_347, %broadcast_in_dim3A_494 : vector<16xi32>
        %or3A_496 = arith.ori %shift_left3A_492, %shift_right_logical3A_495 : vector<16xi32>
        tpu.vector_store_idx %arg5[%or3A_496], %get3A_193 : memref<32768xi32, #tpu.memory_space<vmem>>[vector<16xi32>], vector<16xi32>,
        %broadcast_in_dim3A_497 = arith.constant 24 : i32
        %broadcast_in_dim3A_498 = vector.broadcast %broadcast_in_dim3A_497 : i32 to vector<16xi32>
        %shift_right_logical3A_499 = arith.shrui %get3A_193, %broadcast_in_dim3A_498 : vector<16xi32>
        %broadcast_in_dim3A_500 = arith.constant 4 : i32
        %broadcast_in_dim3A_501 = vector.broadcast %broadcast_in_dim3A_500 : i32 to vector<16xi32>
        %shift_left3A_502 = arith.shli %shift_right_logical3A_499, %broadcast_in_dim3A_501 : vector<16xi32>
        %broadcast_in_dim3A_503 = arith.constant 11 : i32
        %broadcast_in_dim3A_504 = vector.broadcast %broadcast_in_dim3A_503 : i32 to vector<16xi32>
        %shift_right_logical3A_505 = arith.shrui %add3A_347, %broadcast_in_dim3A_504 : vector<16xi32>
        %or3A_506 = arith.ori %shift_left3A_502, %shift_right_logical3A_505 : vector<16xi32>
        tpu.vector_store_idx %arg9[%or3A_506], %broadcast_in_dim3A_1 {add = true} : memref<4096xi32, #tpu.memory_space<vmem>>[vector<16xi32>], vector<16xi32>,
        %broadcast_in_dim3A_507 = arith.constant 2047 : i32
        %broadcast_in_dim3A_508 = vector.broadcast %broadcast_in_dim3A_507 : i32 to vector<16xi32>
        %and3A_509 = arith.andi %add3A_368, %broadcast_in_dim3A_508 : vector<16xi32>
        %broadcast_in_dim3A_510 = arith.constant 4 : i32
        %broadcast_in_dim3A_511 = vector.broadcast %broadcast_in_dim3A_510 : i32 to vector<16xi32>
        %shift_left3A_512 = arith.shli %and3A_509, %broadcast_in_dim3A_511 : vector<16xi32>
        %broadcast_in_dim3A_513 = arith.constant 11 : i32
        %broadcast_in_dim3A_514 = vector.broadcast %broadcast_in_dim3A_513 : i32 to vector<16xi32>
        %shift_right_logical3A_515 = arith.shrui %add3A_368, %broadcast_in_dim3A_514 : vector<16xi32>
        %or3A_516 = arith.ori %shift_left3A_512, %shift_right_logical3A_515 : vector<16xi32>
        tpu.vector_store_idx %arg5[%or3A_516], %get3A_199 : memref<32768xi32, #tpu.memory_space<vmem>>[vector<16xi32>], vector<16xi32>,
        %broadcast_in_dim3A_517 = arith.constant 24 : i32
        %broadcast_in_dim3A_518 = vector.broadcast %broadcast_in_dim3A_517 : i32 to vector<16xi32>
        %shift_right_logical3A_519 = arith.shrui %get3A_199, %broadcast_in_dim3A_518 : vector<16xi32>
        %broadcast_in_dim3A_520 = arith.constant 4 : i32
        %broadcast_in_dim3A_521 = vector.broadcast %broadcast_in_dim3A_520 : i32 to vector<16xi32>
        %shift_left3A_522 = arith.shli %shift_right_logical3A_519, %broadcast_in_dim3A_521 : vector<16xi32>
        %broadcast_in_dim3A_523 = arith.constant 11 : i32
        %broadcast_in_dim3A_524 = vector.broadcast %broadcast_in_dim3A_523 : i32 to vector<16xi32>
        %shift_right_logical3A_525 = arith.shrui %add3A_368, %broadcast_in_dim3A_524 : vector<16xi32>
        %or3A_526 = arith.ori %shift_left3A_522, %shift_right_logical3A_525 : vector<16xi32>
        tpu.vector_store_idx %arg9[%or3A_526], %broadcast_in_dim3A_1 {add = true} : memref<4096xi32, #tpu.memory_space<vmem>>[vector<16xi32>], vector<16xi32>,
        %scan3A_527 = arith.constant 0 : i32
        scf.yield %scan3A_527 : i32
      }
      %scan3A_113 = arith.constant 256 : i32
      %parallel_loop3A_114 = arith.constant 0 : i32
      %parallel_loop3A_115 = arith.constant 256 : i32
      %parallel_loop3A_116 = arith.constant 1 : i32
      scf.for %parallel_loop3A_149 = %parallel_loop3A_114 to %parallel_loop3A_115 step %parallel_loop3A_116  : i32 {
        %parallel_loop3A_150 = arith.constant 16 : i32
        %parallel_loop3A_151 = arith.muli %parallel_loop3A_149, %parallel_loop3A_150 : i32
        %parallel_loop3A_152 = arith.index_cast %parallel_loop3A_151 : i32 to index
        %parallel_loop3A_153 = tpu.vector_load %arg9[%parallel_loop3A_152] {strides = array<i32>} : memref<4096xi32, #tpu.memory_space<vmem>>, vector<16xi32>,
        %parallel_loop3A_154 = arith.constant true
        %parallel_loop3A_155 = vector.broadcast %parallel_loop3A_154 : i1 to vector<16xi1>
        %parallel_loop3A_156 = tpu.scan <sum>, %parallel_loop3A_153 masked %parallel_loop3A_155 : vector<16xi32>, vector<16xi1> -> vector<16xi32>
        %parallel_loop3A_157 = arith.subi %parallel_loop3A_156, %parallel_loop3A_153 : vector<16xi32>
        %parallel_loop3A_158 = arith.index_cast %parallel_loop3A_151 : i32 to index
        %parallel_loop3A_159 = tpu.vector_load %arg9[%parallel_loop3A_158] {strides = array<i32>} : memref<4096xi32, #tpu.memory_space<vmem>>, vector<16xi32>,
        tpu.vector_store %arg9[%parallel_loop3A_158], %parallel_loop3A_157 {strides = array<i32>} : memref<4096xi32, #tpu.memory_space<vmem>>, vector<16xi32>,
        %parallel_loop3A_160 = vector.broadcast %parallel_loop3A_149 : i32 to vector<16xi32>
        %parallel_loop3A_161 = vector.extract_strided_slice %parallel_loop3A_156 {offsets = [15], sizes = [1], strides = [1]} : vector<16xi32> to vector<1xi32>
        %parallel_loop3A_162 = vector.extract %parallel_loop3A_161[0] : i32 from vector<1xi32>
        %parallel_loop3A_163 = vector.broadcast %parallel_loop3A_162 : i32 to vector<16xi32>
        tpu.vector_store_idx %arg7[%parallel_loop3A_160], %parallel_loop3A_163 masked %eq3A_5 : memref<256xi32, #tpu.memory_space<vmem>>[vector<16xi32>], vector<16xi32>, vector<16xi1>
      } {sc.loop_unroll_factor = 4 : i64, sc.parallel_access}
      %scan3A_117 = arith.constant 0 : i32
      %scan3A_118 = arith.constant 0 : i32
      %scan3A_119 = arith.constant 16 : i32
      %scan3A_120 = arith.addi %scan3A_118, %scan3A_119 : i32
      %scan3A_121 = arith.constant 1 : i32
      %scan3A_122 = scf.for %scan3A_149 = %scan3A_118 to %scan3A_120 step %scan3A_121 iter_args(%scan3A_150 = %scan3A_117) -> (i32)  : i32 {
        %mul3A_151 = arith.constant 16 : i32
        %mul3A_152 = arith.muli %scan3A_149, %mul3A_151 : i32
        %get3A = arith.index_cast %mul3A_152 : i32 to index
        %get3A_153 = tpu.vector_load %arg7[%get3A] {strides = array<i32>} : memref<256xi32, #tpu.memory_space<vmem>>, vector<16xi32>,
        %broadcast_in_dim3A_154 = arith.constant true
        %broadcast_in_dim3A_155 = vector.broadcast %broadcast_in_dim3A_154 : i1 to vector<16xi1>
        %masked_cumsum3A = tpu.scan <sum>, %get3A_153 masked %broadcast_in_dim3A_155 : vector<16xi32>, vector<16xi1> -> vector<16xi32>
        %sub3A_156 = arith.subi %masked_cumsum3A, %get3A_153 : vector<16xi32>
        %add3A_157 = vector.broadcast %scan3A_150 : i32 to vector<16xi32>
        %add3A_158 = arith.addi %sub3A_156, %add3A_157 : vector<16xi32>
        %swap3A = arith.index_cast %mul3A_152 : i32 to index
        %swap3A_159 = tpu.vector_load %arg7[%swap3A] {strides = array<i32>} : memref<256xi32, #tpu.memory_space<vmem>>, vector<16xi32>,
        tpu.vector_store %arg7[%swap3A], %add3A_158 {strides = array<i32>} : memref<256xi32, #tpu.memory_space<vmem>>, vector<16xi32>,
        %reduce_sum3A = arith.constant true
        %reduce_sum3A_160 = vector.broadcast %reduce_sum3A : i1 to vector<16xi1>
        %reduce_sum3A_161 = tpu.scan <sum>, %get3A_153 masked %reduce_sum3A_160 : vector<16xi32>, vector<16xi1> -> vector<16xi32>
        %reduce_sum3A_162 = vector.extract %reduce_sum3A_161[15] : i32 from vector<16xi32>
        %add3A_163 = arith.addi %scan3A_150, %reduce_sum3A_162 : i32
        scf.yield %add3A_163 : i32
      }
      %scan3A_123 = arith.constant 16 : i32
      %parallel_loop3A_124 = arith.constant 0 : i32
      %parallel_loop3A_125 = arith.constant 256 : i32
      %parallel_loop3A_126 = arith.constant 1 : i32
      scf.for %parallel_loop3A_149 = %parallel_loop3A_124 to %parallel_loop3A_125 step %parallel_loop3A_126  : i32 {
        %parallel_loop3A_150 = arith.constant 16 : i32
        %parallel_loop3A_151 = arith.muli %parallel_loop3A_149, %parallel_loop3A_150 : i32
        %parallel_loop3A_152 = vector.broadcast %parallel_loop3A_149 : i32 to vector<16xi32>
        %parallel_loop3A_153 = tpu.vector_load_idx %arg7[%parallel_loop3A_152] : memref<256xi32, #tpu.memory_space<vmem>>[vector<16xi32>], vector<16xi32>,
        %parallel_loop3A_154 = arith.index_cast %parallel_loop3A_151 : i32 to index
        %parallel_loop3A_155 = tpu.vector_load %arg9[%parallel_loop3A_154] {strides = array<i32>} : memref<4096xi32, #tpu.memory_space<vmem>>, vector<16xi32>,
        %parallel_loop3A_156 = arith.addi %parallel_loop3A_155, %parallel_loop3A_153 : vector<16xi32>
        %parallel_loop3A_157 = arith.index_cast %parallel_loop3A_151 : i32 to index
        %parallel_loop3A_158 = tpu.vector_load %arg9[%parallel_loop3A_157] {strides = array<i32>} : memref<4096xi32, #tpu.memory_space<vmem>>, vector<16xi32>,
        tpu.vector_store %arg9[%parallel_loop3A_157], %parallel_loop3A_156 {strides = array<i32>} : memref<4096xi32, #tpu.memory_space<vmem>>, vector<16xi32>,
      } {sc.loop_unroll_factor = 4 : i64, sc.parallel_access}
      %add3A_127 = arith.constant 1 : i32
      %add3A_128 = arith.addi %scan3A_29, %add3A_127 : i32
      %lt3A = arith.constant 4 : i32
      %lt3A_129 = arith.cmpi slt, %add3A_128, %lt3A : i32
      %convert_element_type3A = arith.extui %lt3A_129 : i1 to i32
      %cond3A = arith.constant 0 : i32
      %cond3A_130 = arith.cmpi ne, %convert_element_type3A, %cond3A : i32
      scf.if %cond3A_130 {
        %add3A_149 = arith.constant 1 : i32
        %add3A_150 = arith.addi %add3A_33, %add3A_149 : i32
        %dma_start3A_151 = arith.constant 0 : i32
        %dma_start3A_152 = tpu.memref_slice %arg2[%add3A_150, %dma_start3A_151] : memref<128x32768xi32, #tpu.memory_space<hbm>> -> memref<1x32768xi32, #tpu.memory_space<hbm>>
        %dma_start3A_153 = tpu.memref_squeeze %dma_start3A_152 : memref<1x32768xi32, #tpu.memory_space<hbm>> -> memref<32768xi32, #tpu.memory_space<hbm>>
        %dma_start3A_154 = arith.constant 0 : i32
        %dma_start3A_155 = tpu.memref_slice %arg2[%add3A_150, %dma_start3A_154] : memref<128x32768xi32, #tpu.memory_space<hbm>> -> memref<1x32768xi32, #tpu.memory_space<hbm>>
        %dma_start3A_156 = tpu.memref_squeeze %dma_start3A_155 : memref<1x32768xi32, #tpu.memory_space<hbm>> -> memref<32768xi32, #tpu.memory_space<hbm>>
        tpu.enqueue_dma source(%dma_start3A_156 : memref<32768xi32, #tpu.memory_space<hbm>>) target(%arg4 : memref<32768xi32, #tpu.memory_space<vmem>>) target_semaphore(%arg10 : memref<!tpu.dma_semaphore, #tpu.memory_space<semaphore_mem>>)
      } else {
      }
      %gt3A = arith.constant 0 : i32
      %gt3A_131 = arith.cmpi sgt, %scan3A_29, %gt3A : i32
      %convert_element_type3A_132 = arith.extui %gt3A_131 : i1 to i32
      %cond3A_133 = arith.constant 0 : i32
      %cond3A_134 = arith.cmpi ne, %convert_element_type3A_132, %cond3A_133 : i32
      scf.if %cond3A_134 {
        %sub3A_149 = arith.constant 1 : i32
        %sub3A_150 = arith.subi %add3A_33, %sub3A_149 : i32
        %dma_wait3A_151 = arith.constant 0 : i32
        %dma_wait3A_152 = tpu.memref_slice %arg3[%sub3A_150, %dma_wait3A_151] : memref<128x32768xi32, #tpu.memory_space<hbm>> -> memref<1x32768xi32, #tpu.memory_space<hbm>>
        %dma_wait3A_153 = tpu.memref_squeeze %dma_wait3A_152 : memref<1x32768xi32, #tpu.memory_space<hbm>> -> memref<32768xi32, #tpu.memory_space<hbm>>
        %dma_wait3A_154 = arith.constant 0 : i32
        %dma_wait3A_155 = tpu.memref_slice %arg3[%sub3A_150, %dma_wait3A_154] : memref<128x32768xi32, #tpu.memory_space<hbm>> -> memref<1x32768xi32, #tpu.memory_space<hbm>>
        %dma_wait3A_156 = tpu.memref_squeeze %dma_wait3A_155 : memref<1x32768xi32, #tpu.memory_space<hbm>> -> memref<32768xi32, #tpu.memory_space<hbm>>
        tpu.wait_dma2 semaphore(%arg11 : memref<!tpu.dma_semaphore, #tpu.memory_space<semaphore_mem>>) src(%arg6 : memref<32768xi32, #tpu.memory_space<vmem>>) dst(%dma_wait3A_156 : memref<32768xi32, #tpu.memory_space<hbm>>)
      } else {
      }
      %scan3A_135 = arith.constant 0 : i32
      %scan3A_136 = arith.constant 0 : i32
      %scan3A_137 = arith.constant 256 : i32
      %scan3A_138 = arith.addi %scan3A_136, %scan3A_137 : i32
      %scan3A_139 = arith.constant 1 : i32
      %scan3A_140 = scf.for %scan3A_149 = %scan3A_136 to %scan3A_138 step %scan3A_139 iter_args(%scan3A_150 = %scan3A_135) -> (i32)  : i32 {
        %mul3A_151 = arith.constant 8 : i32
        %mul3A_152 = arith.muli %scan3A_149, %mul3A_151 : i32
        %add3A_153 = arith.constant 0 : i32
        %add3A_154 = arith.addi %mul3A_152, %add3A_153 : i32
        %mul3A_155 = arith.constant 16 : i32
        %mul3A_156 = arith.muli %add3A_154, %mul3A_155 : i32
        %get3A = arith.index_cast %mul3A_156 : i32 to index
        %get3A_157 = tpu.vector_load %arg5[%get3A] {strides = array<i32>} : memref<32768xi32, #tpu.memory_space<vmem>>, vector<16xi32>,
        %add3A_158 = arith.constant 1 : i32
        %add3A_159 = arith.addi %mul3A_152, %add3A_158 : i32
        %mul3A_160 = arith.constant 16 : i32
        %mul3A_161 = arith.muli %add3A_159, %mul3A_160 : i32
        %get3A_162 = arith.index_cast %mul3A_161 : i32 to index
        %get3A_163 = tpu.vector_load %arg5[%get3A_162] {strides = array<i32>} : memref<32768xi32, #tpu.memory_space<vmem>>, vector<16xi32>,
        %add3A_164 = arith.constant 2 : i32
        %add3A_165 = arith.addi %mul3A_152, %add3A_164 : i32
        %mul3A_166 = arith.constant 16 : i32
        %mul3A_167 = arith.muli %add3A_165, %mul3A_166 : i32
        %get3A_168 = arith.index_cast %mul3A_167 : i32 to index
        %get3A_169 = tpu.vector_load %arg5[%get3A_168] {strides = array<i32>} : memref<32768xi32, #tpu.memory_space<vmem>>, vector<16xi32>,
        %add3A_170 = arith.constant 3 : i32
        %add3A_171 = arith.addi %mul3A_152, %add3A_170 : i32
        %mul3A_172 = arith.constant 16 : i32
        %mul3A_173 = arith.muli %add3A_171, %mul3A_172 : i32
        %get3A_174 = arith.index_cast %mul3A_173 : i32 to index
        %get3A_175 = tpu.vector_load %arg5[%get3A_174] {strides = array<i32>} : memref<32768xi32, #tpu.memory_space<vmem>>, vector<16xi32>,
        %add3A_176 = arith.constant 4 : i32
        %add3A_177 = arith.addi %mul3A_152, %add3A_176 : i32
        %mul3A_178 = arith.constant 16 : i32
        %mul3A_179 = arith.muli %add3A_177, %mul3A_178 : i32
        %get3A_180 = arith.index_cast %mul3A_179 : i32 to index
        %get3A_181 = tpu.vector_load %arg5[%get3A_180] {strides = array<i32>} : memref<32768xi32, #tpu.memory_space<vmem>>, vector<16xi32>,
        %add3A_182 = arith.constant 5 : i32
        %add3A_183 = arith.addi %mul3A_152, %add3A_182 : i32
        %mul3A_184 = arith.constant 16 : i32
        %mul3A_185 = arith.muli %add3A_183, %mul3A_184 : i32
        %get3A_186 = arith.index_cast %mul3A_185 : i32 to index
        %get3A_187 = tpu.vector_load %arg5[%get3A_186] {strides = array<i32>} : memref<32768xi32, #tpu.memory_space<vmem>>, vector<16xi32>,
        %add3A_188 = arith.constant 6 : i32
        %add3A_189 = arith.addi %mul3A_152, %add3A_188 : i32
        %mul3A_190 = arith.constant 16 : i32
        %mul3A_191 = arith.muli %add3A_189, %mul3A_190 : i32
        %get3A_192 = arith.index_cast %mul3A_191 : i32 to index
        %get3A_193 = tpu.vector_load %arg5[%get3A_192] {strides = array<i32>} : memref<32768xi32, #tpu.memory_space<vmem>>, vector<16xi32>,
        %add3A_194 = arith.constant 7 : i32
        %add3A_195 = arith.addi %mul3A_152, %add3A_194 : i32
        %mul3A_196 = arith.constant 16 : i32
        %mul3A_197 = arith.muli %add3A_195, %mul3A_196 : i32
        %get3A_198 = arith.index_cast %mul3A_197 : i32 to index
        %get3A_199 = tpu.vector_load %arg5[%get3A_198] {strides = array<i32>} : memref<32768xi32, #tpu.memory_space<vmem>>, vector<16xi32>,
        %broadcast_in_dim3A_200 = arith.constant 24 : i32
        %broadcast_in_dim3A_201 = vector.broadcast %broadcast_in_dim3A_200 : i32 to vector<16xi32>
        %shift_right_logical3A = arith.shrui %get3A_157, %broadcast_in_dim3A_201 : vector<16xi32>
        %mul3A_202 = arith.constant 16 : i32
        %mul3A_203 = vector.broadcast %mul3A_202 : i32 to vector<16xi32>
        %mul3A_204 = arith.muli %shift_right_logical3A, %mul3A_203 : vector<16xi32>
        %add3A_205 = arith.addi %mul3A_204, %iota3A : vector<16xi32>
        %broadcast_in_dim3A_206 = arith.constant 24 : i32
        %broadcast_in_dim3A_207 = vector.broadcast %broadcast_in_dim3A_206 : i32 to vector<16xi32>
        %shift_right_logical3A_208 = arith.shrui %get3A_163, %broadcast_in_dim3A_207 : vector<16xi32>
        %mul3A_209 = arith.constant 16 : i32
        %mul3A_210 = vector.broadcast %mul3A_209 : i32 to vector<16xi32>
        %mul3A_211 = arith.muli %shift_right_logical3A_208, %mul3A_210 : vector<16xi32>
        %add3A_212 = arith.addi %mul3A_211, %iota3A : vector<16xi32>
        %broadcast_in_dim3A_213 = arith.constant 24 : i32
        %broadcast_in_dim3A_214 = vector.broadcast %broadcast_in_dim3A_213 : i32 to vector<16xi32>
        %shift_right_logical3A_215 = arith.shrui %get3A_169, %broadcast_in_dim3A_214 : vector<16xi32>
        %mul3A_216 = arith.constant 16 : i32
        %mul3A_217 = vector.broadcast %mul3A_216 : i32 to vector<16xi32>
        %mul3A_218 = arith.muli %shift_right_logical3A_215, %mul3A_217 : vector<16xi32>
        %add3A_219 = arith.addi %mul3A_218, %iota3A : vector<16xi32>
        %broadcast_in_dim3A_220 = arith.constant 24 : i32
        %broadcast_in_dim3A_221 = vector.broadcast %broadcast_in_dim3A_220 : i32 to vector<16xi32>
        %shift_right_logical3A_222 = arith.shrui %get3A_175, %broadcast_in_dim3A_221 : vector<16xi32>
        %mul3A_223 = arith.constant 16 : i32
        %mul3A_224 = vector.broadcast %mul3A_223 : i32 to vector<16xi32>
        %mul3A_225 = arith.muli %shift_right_logical3A_222, %mul3A_224 : vector<16xi32>
        %add3A_226 = arith.addi %mul3A_225, %iota3A : vector<16xi32>
        %broadcast_in_dim3A_227 = arith.constant 24 : i32
        %broadcast_in_dim3A_228 = vector.broadcast %broadcast_in_dim3A_227 : i32 to vector<16xi32>
        %shift_right_logical3A_229 = arith.shrui %get3A_181, %broadcast_in_dim3A_228 : vector<16xi32>
        %mul3A_230 = arith.constant 16 : i32
        %mul3A_231 = vector.broadcast %mul3A_230 : i32 to vector<16xi32>
        %mul3A_232 = arith.muli %shift_right_logical3A_229, %mul3A_231 : vector<16xi32>
        %add3A_233 = arith.addi %mul3A_232, %iota3A : vector<16xi32>
        %broadcast_in_dim3A_234 = arith.constant 24 : i32
        %broadcast_in_dim3A_235 = vector.broadcast %broadcast_in_dim3A_234 : i32 to vector<16xi32>
        %shift_right_logical3A_236 = arith.shrui %get3A_187, %broadcast_in_dim3A_235 : vector<16xi32>
        %mul3A_237 = arith.constant 16 : i32
        %mul3A_238 = vector.broadcast %mul3A_237 : i32 to vector<16xi32>
        %mul3A_239 = arith.muli %shift_right_logical3A_236, %mul3A_238 : vector<16xi32>
        %add3A_240 = arith.addi %mul3A_239, %iota3A : vector<16xi32>
        %broadcast_in_dim3A_241 = arith.constant 24 : i32
        %broadcast_in_dim3A_242 = vector.broadcast %broadcast_in_dim3A_241 : i32 to vector<16xi32>
        %shift_right_logical3A_243 = arith.shrui %get3A_193, %broadcast_in_dim3A_242 : vector<16xi32>
        %mul3A_244 = arith.constant 16 : i32
        %mul3A_245 = vector.broadcast %mul3A_244 : i32 to vector<16xi32>
        %mul3A_246 = arith.muli %shift_right_logical3A_243, %mul3A_245 : vector<16xi32>
        %add3A_247 = arith.addi %mul3A_246, %iota3A : vector<16xi32>
        %broadcast_in_dim3A_248 = arith.constant 24 : i32
        %broadcast_in_dim3A_249 = vector.broadcast %broadcast_in_dim3A_248 : i32 to vector<16xi32>
        %shift_right_logical3A_250 = arith.shrui %get3A_199, %broadcast_in_dim3A_249 : vector<16xi32>
        %mul3A_251 = arith.constant 16 : i32
        %mul3A_252 = vector.broadcast %mul3A_251 : i32 to vector<16xi32>
        %mul3A_253 = arith.muli %shift_right_logical3A_250, %mul3A_252 : vector<16xi32>
        %add3A_254 = arith.addi %mul3A_253, %iota3A : vector<16xi32>
        %gather3A = tpu.vector_load_idx %arg9[%add3A_205] : memref<4096xi32, #tpu.memory_space<vmem>>[vector<16xi32>], vector<16xi32>,
        %gather3A_255 = tpu.vector_load_idx %arg9[%add3A_212] : memref<4096xi32, #tpu.memory_space<vmem>>[vector<16xi32>], vector<16xi32>,
        %gather3A_256 = tpu.vector_load_idx %arg9[%add3A_219] : memref<4096xi32, #tpu.memory_space<vmem>>[vector<16xi32>], vector<16xi32>,
        %gather3A_257 = tpu.vector_load_idx %arg9[%add3A_226] : memref<4096xi32, #tpu.memory_space<vmem>>[vector<16xi32>], vector<16xi32>,
        %gather3A_258 = tpu.vector_load_idx %arg9[%add3A_233] : memref<4096xi32, #tpu.memory_space<vmem>>[vector<16xi32>], vector<16xi32>,
        %gather3A_259 = tpu.vector_load_idx %arg9[%add3A_240] : memref<4096xi32, #tpu.memory_space<vmem>>[vector<16xi32>], vector<16xi32>,
        %gather3A_260 = tpu.vector_load_idx %arg9[%add3A_247] : memref<4096xi32, #tpu.memory_space<vmem>>[vector<16xi32>], vector<16xi32>,
        %gather3A_261 = tpu.vector_load_idx %arg9[%add3A_254] : memref<4096xi32, #tpu.memory_space<vmem>>[vector<16xi32>], vector<16xi32>,
        %eq3A_262 = arith.cmpi eq, %add3A_205, %add3A_212 : vector<16xi32>
        %convert_element_type3A_263 = arith.extui %eq3A_262 : vector<16xi1> to vector<16xi32>
        %add3A_264 = arith.addi %gather3A_255, %convert_element_type3A_263 : vector<16xi32>
        %eq3A_265 = arith.cmpi eq, %add3A_205, %add3A_219 : vector<16xi32>
        %convert_element_type3A_266 = arith.extui %eq3A_265 : vector<16xi1> to vector<16xi32>
        %add3A_267 = arith.addi %gather3A_256, %convert_element_type3A_266 : vector<16xi32>
        %eq3A_268 = arith.cmpi eq, %add3A_212, %add3A_219 : vector<16xi32>
        %convert_element_type3A_269 = arith.extui %eq3A_268 : vector<16xi1> to vector<16xi32>
        %add3A_270 = arith.addi %add3A_267, %convert_element_type3A_269 : vector<16xi32>
        %eq3A_271 = arith.cmpi eq, %add3A_205, %add3A_226 : vector<16xi32>
        %convert_element_type3A_272 = arith.extui %eq3A_271 : vector<16xi1> to vector<16xi32>
        %add3A_273 = arith.addi %gather3A_257, %convert_element_type3A_272 : vector<16xi32>
        %eq3A_274 = arith.cmpi eq, %add3A_212, %add3A_226 : vector<16xi32>
        %convert_element_type3A_275 = arith.extui %eq3A_274 : vector<16xi1> to vector<16xi32>
        %add3A_276 = arith.addi %add3A_273, %convert_element_type3A_275 : vector<16xi32>
        %eq3A_277 = arith.cmpi eq, %add3A_219, %add3A_226 : vector<16xi32>
        %convert_element_type3A_278 = arith.extui %eq3A_277 : vector<16xi1> to vector<16xi32>
        %add3A_279 = arith.addi %add3A_276, %convert_element_type3A_278 : vector<16xi32>
        %eq3A_280 = arith.cmpi eq, %add3A_205, %add3A_233 : vector<16xi32>
        %convert_element_type3A_281 = arith.extui %eq3A_280 : vector<16xi1> to vector<16xi32>
        %add3A_282 = arith.addi %gather3A_258, %convert_element_type3A_281 : vector<16xi32>
        %eq3A_283 = arith.cmpi eq, %add3A_212, %add3A_233 : vector<16xi32>
        %convert_element_type3A_284 = arith.extui %eq3A_283 : vector<16xi1> to vector<16xi32>
        %add3A_285 = arith.addi %add3A_282, %convert_element_type3A_284 : vector<16xi32>
        %eq3A_286 = arith.cmpi eq, %add3A_219, %add3A_233 : vector<16xi32>
        %convert_element_type3A_287 = arith.extui %eq3A_286 : vector<16xi1> to vector<16xi32>
        %add3A_288 = arith.addi %add3A_285, %convert_element_type3A_287 : vector<16xi32>
        %eq3A_289 = arith.cmpi eq, %add3A_226, %add3A_233 : vector<16xi32>
        %convert_element_type3A_290 = arith.extui %eq3A_289 : vector<16xi1> to vector<16xi32>
        %add3A_291 = arith.addi %add3A_288, %convert_element_type3A_290 : vector<16xi32>
        %eq3A_292 = arith.cmpi eq, %add3A_205, %add3A_240 : vector<16xi32>
        %convert_element_type3A_293 = arith.extui %eq3A_292 : vector<16xi1> to vector<16xi32>
        %add3A_294 = arith.addi %gather3A_259, %convert_element_type3A_293 : vector<16xi32>
        %eq3A_295 = arith.cmpi eq, %add3A_212, %add3A_240 : vector<16xi32>
        %convert_element_type3A_296 = arith.extui %eq3A_295 : vector<16xi1> to vector<16xi32>
        %add3A_297 = arith.addi %add3A_294, %convert_element_type3A_296 : vector<16xi32>
        %eq3A_298 = arith.cmpi eq, %add3A_219, %add3A_240 : vector<16xi32>
        %convert_element_type3A_299 = arith.extui %eq3A_298 : vector<16xi1> to vector<16xi32>
        %add3A_300 = arith.addi %add3A_297, %convert_element_type3A_299 : vector<16xi32>
        %eq3A_301 = arith.cmpi eq, %add3A_226, %add3A_240 : vector<16xi32>
        %convert_element_type3A_302 = arith.extui %eq3A_301 : vector<16xi1> to vector<16xi32>
        %add3A_303 = arith.addi %add3A_300, %convert_element_type3A_302 : vector<16xi32>
        %eq3A_304 = arith.cmpi eq, %add3A_233, %add3A_240 : vector<16xi32>
        %convert_element_type3A_305 = arith.extui %eq3A_304 : vector<16xi1> to vector<16xi32>
        %add3A_306 = arith.addi %add3A_303, %convert_element_type3A_305 : vector<16xi32>
        %eq3A_307 = arith.cmpi eq, %add3A_205, %add3A_247 : vector<16xi32>
        %convert_element_type3A_308 = arith.extui %eq3A_307 : vector<16xi1> to vector<16xi32>
        %add3A_309 = arith.addi %gather3A_260, %convert_element_type3A_308 : vector<16xi32>
        %eq3A_310 = arith.cmpi eq, %add3A_212, %add3A_247 : vector<16xi32>
        %convert_element_type3A_311 = arith.extui %eq3A_310 : vector<16xi1> to vector<16xi32>
        %add3A_312 = arith.addi %add3A_309, %convert_element_type3A_311 : vector<16xi32>
        %eq3A_313 = arith.cmpi eq, %add3A_219, %add3A_247 : vector<16xi32>
        %convert_element_type3A_314 = arith.extui %eq3A_313 : vector<16xi1> to vector<16xi32>
        %add3A_315 = arith.addi %add3A_312, %convert_element_type3A_314 : vector<16xi32>
        %eq3A_316 = arith.cmpi eq, %add3A_226, %add3A_247 : vector<16xi32>
        %convert_element_type3A_317 = arith.extui %eq3A_316 : vector<16xi1> to vector<16xi32>
        %add3A_318 = arith.addi %add3A_315, %convert_element_type3A_317 : vector<16xi32>
        %eq3A_319 = arith.cmpi eq, %add3A_233, %add3A_247 : vector<16xi32>
        %convert_element_type3A_320 = arith.extui %eq3A_319 : vector<16xi1> to vector<16xi32>
        %add3A_321 = arith.addi %add3A_318, %convert_element_type3A_320 : vector<16xi32>
        %eq3A_322 = arith.cmpi eq, %add3A_240, %add3A_247 : vector<16xi32>
        %convert_element_type3A_323 = arith.extui %eq3A_322 : vector<16xi1> to vector<16xi32>
        %add3A_324 = arith.addi %add3A_321, %convert_element_type3A_323 : vector<16xi32>
        %eq3A_325 = arith.cmpi eq, %add3A_205, %add3A_254 : vector<16xi32>
        %convert_element_type3A_326 = arith.extui %eq3A_325 : vector<16xi1> to vector<16xi32>
        %add3A_327 = arith.addi %gather3A_261, %convert_element_type3A_326 : vector<16xi32>
        %eq3A_328 = arith.cmpi eq, %add3A_212, %add3A_254 : vector<16xi32>
        %convert_element_type3A_329 = arith.extui %eq3A_328 : vector<16xi1> to vector<16xi32>
        %add3A_330 = arith.addi %add3A_327, %convert_element_type3A_329 : vector<16xi32>
        %eq3A_331 = arith.cmpi eq, %add3A_219, %add3A_254 : vector<16xi32>
        %convert_element_type3A_332 = arith.extui %eq3A_331 : vector<16xi1> to vector<16xi32>
        %add3A_333 = arith.addi %add3A_330, %convert_element_type3A_332 : vector<16xi32>
        %eq3A_334 = arith.cmpi eq, %add3A_226, %add3A_254 : vector<16xi32>
        %convert_element_type3A_335 = arith.extui %eq3A_334 : vector<16xi1> to vector<16xi32>
        %add3A_336 = arith.addi %add3A_333, %convert_element_type3A_335 : vector<16xi32>
        %eq3A_337 = arith.cmpi eq, %add3A_233, %add3A_254 : vector<16xi32>
        %convert_element_type3A_338 = arith.extui %eq3A_337 : vector<16xi1> to vector<16xi32>
        %add3A_339 = arith.addi %add3A_336, %convert_element_type3A_338 : vector<16xi32>
        %eq3A_340 = arith.cmpi eq, %add3A_240, %add3A_254 : vector<16xi32>
        %convert_element_type3A_341 = arith.extui %eq3A_340 : vector<16xi1> to vector<16xi32>
        %add3A_342 = arith.addi %add3A_339, %convert_element_type3A_341 : vector<16xi32>
        %eq3A_343 = arith.cmpi eq, %add3A_247, %add3A_254 : vector<16xi32>
        %convert_element_type3A_344 = arith.extui %eq3A_343 : vector<16xi1> to vector<16xi32>
        %add3A_345 = arith.addi %add3A_342, %convert_element_type3A_344 : vector<16xi32>
        tpu.vector_store_idx %arg9[%add3A_205], %broadcast_in_dim3A_1 {add = true} : memref<4096xi32, #tpu.memory_space<vmem>>[vector<16xi32>], vector<16xi32>,
        tpu.vector_store_idx %arg9[%add3A_212], %broadcast_in_dim3A_1 {add = true} : memref<4096xi32, #tpu.memory_space<vmem>>[vector<16xi32>], vector<16xi32>,
        tpu.vector_store_idx %arg9[%add3A_219], %broadcast_in_dim3A_1 {add = true} : memref<4096xi32, #tpu.memory_space<vmem>>[vector<16xi32>], vector<16xi32>,
        tpu.vector_store_idx %arg9[%add3A_226], %broadcast_in_dim3A_1 {add = true} : memref<4096xi32, #tpu.memory_space<vmem>>[vector<16xi32>], vector<16xi32>,
        tpu.vector_store_idx %arg9[%add3A_233], %broadcast_in_dim3A_1 {add = true} : memref<4096xi32, #tpu.memory_space<vmem>>[vector<16xi32>], vector<16xi32>,
        tpu.vector_store_idx %arg9[%add3A_240], %broadcast_in_dim3A_1 {add = true} : memref<4096xi32, #tpu.memory_space<vmem>>[vector<16xi32>], vector<16xi32>,
        tpu.vector_store_idx %arg9[%add3A_247], %broadcast_in_dim3A_1 {add = true} : memref<4096xi32, #tpu.memory_space<vmem>>[vector<16xi32>], vector<16xi32>,
        tpu.vector_store_idx %arg9[%add3A_254], %broadcast_in_dim3A_1 {add = true} : memref<4096xi32, #tpu.memory_space<vmem>>[vector<16xi32>], vector<16xi32>,
        %lt3A_346 = arith.constant 0 : i32
        %lt3A_347 = vector.broadcast %lt3A_346 : i32 to vector<16xi32>
        %lt3A_348 = arith.cmpi slt, %get3A_157, %lt3A_347 : vector<16xi32>
        %xor3A = arith.constant -2147483648 : i32
        %xor3A_349 = vector.broadcast %xor3A : i32 to vector<16xi32>
        %xor3A_350 = arith.xori %get3A_157, %xor3A_349 : vector<16xi32>
        %xor3A_351 = arith.constant -1 : i32
        %xor3A_352 = vector.broadcast %xor3A_351 : i32 to vector<16xi32>
        %xor3A_353 = arith.xori %get3A_157, %xor3A_352 : vector<16xi32>
        %select_n3A = arith.select %lt3A_348, %xor3A_350, %xor3A_353 : vector<16xi1>, vector<16xi32>
        tpu.vector_store_idx %arg6[%gather3A], %select_n3A : memref<32768xi32, #tpu.memory_space<vmem>>[vector<16xi32>], vector<16xi32>,
        %lt3A_354 = arith.constant 0 : i32
        %lt3A_355 = vector.broadcast %lt3A_354 : i32 to vector<16xi32>
        %lt3A_356 = arith.cmpi slt, %get3A_163, %lt3A_355 : vector<16xi32>
        %xor3A_357 = arith.constant -2147483648 : i32
        %xor3A_358 = vector.broadcast %xor3A_357 : i32 to vector<16xi32>
        %xor3A_359 = arith.xori %get3A_163, %xor3A_358 : vector<16xi32>
        %xor3A_360 = arith.constant -1 : i32
        %xor3A_361 = vector.broadcast %xor3A_360 : i32 to vector<16xi32>
        %xor3A_362 = arith.xori %get3A_163, %xor3A_361 : vector<16xi32>
        %select_n3A_363 = arith.select %lt3A_356, %xor3A_359, %xor3A_362 : vector<16xi1>, vector<16xi32>
        tpu.vector_store_idx %arg6[%add3A_264], %select_n3A_363 : memref<32768xi32, #tpu.memory_space<vmem>>[vector<16xi32>], vector<16xi32>,
        %lt3A_364 = arith.constant 0 : i32
        %lt3A_365 = vector.broadcast %lt3A_364 : i32 to vector<16xi32>
        %lt3A_366 = arith.cmpi slt, %get3A_169, %lt3A_365 : vector<16xi32>
        %xor3A_367 = arith.constant -2147483648 : i32
        %xor3A_368 = vector.broadcast %xor3A_367 : i32 to vector<16xi32>
        %xor3A_369 = arith.xori %get3A_169, %xor3A_368 : vector<16xi32>
        %xor3A_370 = arith.constant -1 : i32
        %xor3A_371 = vector.broadcast %xor3A_370 : i32 to vector<16xi32>
        %xor3A_372 = arith.xori %get3A_169, %xor3A_371 : vector<16xi32>
        %select_n3A_373 = arith.select %lt3A_366, %xor3A_369, %xor3A_372 : vector<16xi1>, vector<16xi32>
        tpu.vector_store_idx %arg6[%add3A_270], %select_n3A_373 : memref<32768xi32, #tpu.memory_space<vmem>>[vector<16xi32>], vector<16xi32>,
        %lt3A_374 = arith.constant 0 : i32
        %lt3A_375 = vector.broadcast %lt3A_374 : i32 to vector<16xi32>
        %lt3A_376 = arith.cmpi slt, %get3A_175, %lt3A_375 : vector<16xi32>
        %xor3A_377 = arith.constant -2147483648 : i32
        %xor3A_378 = vector.broadcast %xor3A_377 : i32 to vector<16xi32>
        %xor3A_379 = arith.xori %get3A_175, %xor3A_378 : vector<16xi32>
        %xor3A_380 = arith.constant -1 : i32
        %xor3A_381 = vector.broadcast %xor3A_380 : i32 to vector<16xi32>
        %xor3A_382 = arith.xori %get3A_175, %xor3A_381 : vector<16xi32>
        %select_n3A_383 = arith.select %lt3A_376, %xor3A_379, %xor3A_382 : vector<16xi1>, vector<16xi32>
        tpu.vector_store_idx %arg6[%add3A_279], %select_n3A_383 : memref<32768xi32, #tpu.memory_space<vmem>>[vector<16xi32>], vector<16xi32>,
        %lt3A_384 = arith.constant 0 : i32
        %lt3A_385 = vector.broadcast %lt3A_384 : i32 to vector<16xi32>
        %lt3A_386 = arith.cmpi slt, %get3A_181, %lt3A_385 : vector<16xi32>
        %xor3A_387 = arith.constant -2147483648 : i32
        %xor3A_388 = vector.broadcast %xor3A_387 : i32 to vector<16xi32>
        %xor3A_389 = arith.xori %get3A_181, %xor3A_388 : vector<16xi32>
        %xor3A_390 = arith.constant -1 : i32
        %xor3A_391 = vector.broadcast %xor3A_390 : i32 to vector<16xi32>
        %xor3A_392 = arith.xori %get3A_181, %xor3A_391 : vector<16xi32>
        %select_n3A_393 = arith.select %lt3A_386, %xor3A_389, %xor3A_392 : vector<16xi1>, vector<16xi32>
        tpu.vector_store_idx %arg6[%add3A_291], %select_n3A_393 : memref<32768xi32, #tpu.memory_space<vmem>>[vector<16xi32>], vector<16xi32>,
        %lt3A_394 = arith.constant 0 : i32
        %lt3A_395 = vector.broadcast %lt3A_394 : i32 to vector<16xi32>
        %lt3A_396 = arith.cmpi slt, %get3A_187, %lt3A_395 : vector<16xi32>
        %xor3A_397 = arith.constant -2147483648 : i32
        %xor3A_398 = vector.broadcast %xor3A_397 : i32 to vector<16xi32>
        %xor3A_399 = arith.xori %get3A_187, %xor3A_398 : vector<16xi32>
        %xor3A_400 = arith.constant -1 : i32
        %xor3A_401 = vector.broadcast %xor3A_400 : i32 to vector<16xi32>
        %xor3A_402 = arith.xori %get3A_187, %xor3A_401 : vector<16xi32>
        %select_n3A_403 = arith.select %lt3A_396, %xor3A_399, %xor3A_402 : vector<16xi1>, vector<16xi32>
        tpu.vector_store_idx %arg6[%add3A_306], %select_n3A_403 : memref<32768xi32, #tpu.memory_space<vmem>>[vector<16xi32>], vector<16xi32>,
        %lt3A_404 = arith.constant 0 : i32
        %lt3A_405 = vector.broadcast %lt3A_404 : i32 to vector<16xi32>
        %lt3A_406 = arith.cmpi slt, %get3A_193, %lt3A_405 : vector<16xi32>
        %xor3A_407 = arith.constant -2147483648 : i32
        %xor3A_408 = vector.broadcast %xor3A_407 : i32 to vector<16xi32>
        %xor3A_409 = arith.xori %get3A_193, %xor3A_408 : vector<16xi32>
        %xor3A_410 = arith.constant -1 : i32
        %xor3A_411 = vector.broadcast %xor3A_410 : i32 to vector<16xi32>
        %xor3A_412 = arith.xori %get3A_193, %xor3A_411 : vector<16xi32>
        %select_n3A_413 = arith.select %lt3A_406, %xor3A_409, %xor3A_412 : vector<16xi1>, vector<16xi32>
        tpu.vector_store_idx %arg6[%add3A_324], %select_n3A_413 : memref<32768xi32, #tpu.memory_space<vmem>>[vector<16xi32>], vector<16xi32>,
        %lt3A_414 = arith.constant 0 : i32
        %lt3A_415 = vector.broadcast %lt3A_414 : i32 to vector<16xi32>
        %lt3A_416 = arith.cmpi slt, %get3A_199, %lt3A_415 : vector<16xi32>
        %xor3A_417 = arith.constant -2147483648 : i32
        %xor3A_418 = vector.broadcast %xor3A_417 : i32 to vector<16xi32>
        %xor3A_419 = arith.xori %get3A_199, %xor3A_418 : vector<16xi32>
        %xor3A_420 = arith.constant -1 : i32
        %xor3A_421 = vector.broadcast %xor3A_420 : i32 to vector<16xi32>
        %xor3A_422 = arith.xori %get3A_199, %xor3A_421 : vector<16xi32>
        %select_n3A_423 = arith.select %lt3A_416, %xor3A_419, %xor3A_422 : vector<16xi1>, vector<16xi32>
        tpu.vector_store_idx %arg6[%add3A_345], %select_n3A_423 : memref<32768xi32, #tpu.memory_space<vmem>>[vector<16xi32>], vector<16xi32>,
        %scan3A_424 = arith.constant 0 : i32
        scf.yield %scan3A_424 : i32
      }
      %scan3A_141 = arith.constant 256 : i32
      %dma_start3A_142 = arith.constant 0 : i32
      %dma_start3A_143 = tpu.memref_slice %arg3[%add3A_33, %dma_start3A_142] : memref<128x32768xi32, #tpu.memory_space<hbm>> -> memref<1x32768xi32, #tpu.memory_space<hbm>>
      %dma_start3A_144 = tpu.memref_squeeze %dma_start3A_143 : memref<1x32768xi32, #tpu.memory_space<hbm>> -> memref<32768xi32, #tpu.memory_space<hbm>>
      %dma_start3A_145 = arith.constant 0 : i32
      %dma_start3A_146 = tpu.memref_slice %arg3[%add3A_33, %dma_start3A_145] : memref<128x32768xi32, #tpu.memory_space<hbm>> -> memref<1x32768xi32, #tpu.memory_space<hbm>>
      %dma_start3A_147 = tpu.memref_squeeze %dma_start3A_146 : memref<1x32768xi32, #tpu.memory_space<hbm>> -> memref<32768xi32, #tpu.memory_space<hbm>>
      tpu.enqueue_dma source(%arg6 : memref<32768xi32, #tpu.memory_space<vmem>>) target(%dma_start3A_147 : memref<32768xi32, #tpu.memory_space<hbm>>) target_semaphore(%arg11 : memref<!tpu.dma_semaphore, #tpu.memory_space<semaphore_mem>>)
      %scan3A_148 = arith.constant 0 : i32
      scf.yield %scan3A_148 : i32
    }
    %scan3A_18 = arith.constant 4 : i32
    %mul3A_19 = arith.constant 4 : i32
    %mul3A_20 = arith.muli %add3A, %mul3A_19 : i32
    %add3A_21 = arith.constant 4 : i32
    %add3A_22 = arith.addi %mul3A_20, %add3A_21 : i32
    %sub3A = arith.constant 1 : i32
    %sub3A_23 = arith.subi %add3A_22, %sub3A : i32
    %dma_wait3A = arith.constant 0 : i32
    %dma_wait3A_24 = tpu.memref_slice %arg3[%sub3A_23, %dma_wait3A] : memref<128x32768xi32, #tpu.memory_space<hbm>> -> memref<1x32768xi32, #tpu.memory_space<hbm>>
    %dma_wait3A_25 = tpu.memref_squeeze %dma_wait3A_24 : memref<1x32768xi32, #tpu.memory_space<hbm>> -> memref<32768xi32, #tpu.memory_space<hbm>>
    %dma_wait3A_26 = arith.constant 0 : i32
    %dma_wait3A_27 = tpu.memref_slice %arg3[%sub3A_23, %dma_wait3A_26] : memref<128x32768xi32, #tpu.memory_space<hbm>> -> memref<1x32768xi32, #tpu.memory_space<hbm>>
    %dma_wait3A_28 = tpu.memref_squeeze %dma_wait3A_27 : memref<1x32768xi32, #tpu.memory_space<hbm>> -> memref<32768xi32, #tpu.memory_space<hbm>>
    tpu.wait_dma2 semaphore(%arg11 : memref<!tpu.dma_semaphore, #tpu.memory_space<semaphore_mem>>) src(%arg6 : memref<32768xi32, #tpu.memory_space<vmem>>) dst(%dma_wait3A_28 : memref<32768xi32, #tpu.memory_space<hbm>>)
    return
  }
}

</mosaic_0001>

<sc_bundles>
// kernel: kernel.3.cloned.1.call-start
scs
__scs_entry_jumppad:
0x0: {  	(pc) =	sbr.rel $0x88, $3  }
0x1: {  	(tag) =	ssettag $0x0;
	lr =	simm.s32 $0x1  }
0x2: {  	[smem:$0x3FA0] =	sst lr;
	_ =	strace $0xD0000000  }
0x3: {  	_ = 	snop  }
0x4: {  	_ = 	snop  }
0x5: {  	_ = 	snop  }
0x6: {  	_ = 	snop  }
0x7: {  	_ = 	snop  }
__scs_overlays_trampoline_lowered:
0x8: {  	[smem:$0x3FAF] =	sst s0  }
0x9: {  	[smem:$0x3FB0] =	sst s1  }
0xa: {  	[smem:$0x3FB1] =	sst s2  }
0xb: {  	[smem:$0x3FB2] =	sst s3  }
0xc: {  	[smem:$0x3FB3] =	sst s4  }
0xd: {  	[smem:$0x3FB4] =	sst s5  }
0xe: {  	[smem:$0x3FB5] =	sst s6  }
0xf: {  	[smem:$0x3FB6] =	sst s7  }
0x10: {  	[smem:$0x3FB7] =	sst s8  }
0x11: {  	[smem:$0x3FB8] =	sst s9;
	s0 =	simm.s32 @!p0 $0x0  }
0x12: {  	s1 =	sld [smem:$0x3F9E];
	s0 =	simm.s32 @p0 $0x1  }
0x13: {  	[smem:$0x3FB9] =	sst s0;
	s0 =	simm.s32 @!p1 $0x0  }
0x14: {  	s2 =	sld [smem:$0x3F9D];
	s0 =	simm.s32 @p1 $0x1  }
0x15: {  	[smem:$0x3FBA] =	sst s0;
	s0 =	simm.s32 @!p2 $0x0  }
0x16: {  	s3 =	sld [smem:$0x3FDB];
	s0 =	simm.s32 @p2 $0x1  }
0x17: {  	s4 =	simm.s32 $0x1BF5;
	[smem:$0x3FBC] =	sst s0  }
0x18: {  	s0 =	sld [smem:$0x3F9F];
	_ =	swait.ge [sflag:s4], $0x0  }
0x19: {  	s7 =	sld [smem:$0x3FA0]  }
0x1a: {  	s8 =	sadd.s32 $0xFFFFE003, lr  }
0x1b: {  	s9 =	sadd.s32 $0xFFFFFEF7, lr;
	s5 =	simm.s32 $0xFFFFFFFF;
	p2 =	slt.u32 s8, $0xFFFFF086  }
0x1c: {  	p1 =	slt.u32 s9, $0xF7A;
	s5 =	simm.s32 @!p2 $0x0  }
0x1d: {  	s5 =	simm.s32 @p1 $0x1;
	p0 =	seq.s32 s7, s2  }
0x1e: {  	s7 =	smul.u32 @!p0 $0xF7A, s2;
	p2 =	seq.s32 @!p0 s5, $0x0  }
0x1f: {  	s9 =	smul.u32 $0xF7A, s1;
	s8 =	simm.s32 @!p0 $0x1BF5;
	p2 =	por !p2, p0  }
0x20: {  	[sflag:s8] =	ssyncset.s32 @!p0 $0xFFFFF086;
	s6 =	sadd.s32 @!p0 s3, s7;
	s7 =	simm.s32 @!p0 $0x108  }
0x21: {  	s3 =	sadd.s32 s3, s9;
	s6 =	sadd.s32 @!p0 $0x88, s6;
	s7 =	simm.s32 @p2 $0x1082  }
0x22: {  	[simem:s7], [sflag:s8] =	dma.local @!p0 [hbm:s6], $0xF7A  }
0x23: {  	s9 =	sor.u32 $0xD0000000, s2;
	s6 =	simm.s32 $0x108;
	_ =	swait.ge @!p0 [sflag:s8], $0x0  }
0x24: {  	s3 =	sadd.s32 $0x88, s3;
	s6 =	simm.s32 @!p1 $0x1082;
	[sflag:s4] =	ssyncset.s32 $0xFFFFF086  }
0x25: {  	[simem:s6], [sflag:s4] =	dma.local [hbm:s3], $0xF7A  }
0x26: {  	[smem:$0x3FA0] =	sst s1;
	(tag) =	ssettag s2;
	_ =	strace s9  }
0x27: {  	s1 =	sld [smem:$0x3FB0]  }
0x28: {  	s2 =	sld [smem:$0x3FB1]  }
0x29: {  	s4 =	sld [smem:$0x3FB3]  }
0x2a: {  	p0 =	seq.s32 s5, $0x0;
	s5 =	sld [smem:$0x3FB4]  }
0x2b: {  	s6 =	sld [smem:$0x3FB5]  }
0x2c: {  	s7 =	sld [smem:$0x3FB6]  }
0x2d: {  	s3 =	simm.s32 $0x108;
	s8 =	sld [smem:$0x3FB7]  }
0x2e: {  	s3 =	simm.s32 @!p0 $0x1082;
	s9 =	sld [smem:$0x3FB8]  }
0x2f: {  	lr =	sadd.s32 s0, s3;
	s0 =	sld [smem:$0x3FAF]  }
0x30: {  	s3 =	sld [smem:$0x3FB2]  }
0x31: {  	[smem:$0x3FBB] =	sst s10  }
0x32: {  	s10 =	sld [smem:$0x3FB9];
	_ =	sdelay $0x3  }
0x33: {  	p0 =	seq.s32 s10, $0x1;
	s10 =	sld [smem:$0x3FBB];
	_ =	sdelay $0x3  }
0x34: {  	[smem:$0x3FBB] =	sst s10  }
0x35: {  	s10 =	sld [smem:$0x3FBA];
	_ =	sdelay $0x3  }
0x36: {  	p1 =	seq.s32 s10, $0x1;
	s10 =	sld [smem:$0x3FBB];
	_ =	sdelay $0x3  }
0x37: {  	[smem:$0x3FBB] =	sst s10  }
0x38: {  	s10 =	sld [smem:$0x3FBC]  }
0x39: {  	_ = 	snop;
	(pc) =	sbr.ind lr, $3  }
0x3a: {  	_ = 	snop  }
0x3b: {  	_ = 	snop  }
0x3c: {  	p2 =	seq.s32 s10, $0x1;
	s10 =	sld [smem:$0x3FBB]  }
0x3d: {  	_ =	shalt  }
0x3e: {  	_ =	shalt  }
0x3f: {  	_ =	shalt  }
0x40: {  	_ =	shalt  }
0x41: {  	_ =	shalt  }
0x42: {  	_ =	shalt  }
0x43: {  	_ =	shalt  }
0x44: {  	_ =	shalt  }
0x45: {  	_ =	shalt  }
0x46: {  	_ =	shalt  }
0x47: {  	_ =	shalt  }
0x48: {  	_ =	shalt  }
0x49: {  	_ =	shalt  }
0x4a: {  	_ =	shalt  }
0x4b: {  	_ =	shalt  }
0x4c: {  	_ =	shalt  }
0x4d: {  	_ =	shalt  }
0x4e: {  	_ =	shalt  }
0x4f: {  	_ =	shalt  }
0x50: {  	_ =	shalt  }
0x51: {  	_ =	shalt  }
0x52: {  	_ =	shalt  }
0x53: {  	_ =	shalt  }
0x54: {  	_ =	shalt  }
0x55: {  	_ =	shalt  }
0x56: {  	_ =	shalt  }
0x57: {  	_ =	shalt  }
0x58: {  	_ =	shalt  }
0x59: {  	_ =	shalt  }
0x5a: {  	_ =	shalt  }
0x5b: {  	_ =	shalt  }
0x5c: {  	_ =	shalt  }
0x5d: {  	_ =	shalt  }
0x5e: {  	_ =	shalt  }
0x5f: {  	_ =	shalt  }
0x60: {  	_ =	shalt  }
0x61: {  	_ =	shalt  }
0x62: {  	_ =	shalt  }
0x63: {  	_ =	shalt  }
0x64: {  	_ =	shalt  }
0x65: {  	_ =	shalt  }
0x66: {  	_ =	shalt  }
0x67: {  	_ =	shalt  }
0x68: {  	_ =	shalt  }
0x69: {  	_ =	shalt  }
0x6a: {  	_ =	shalt  }
0x6b: {  	_ =	shalt  }
0x6c: {  	_ =	shalt  }
0x6d: {  	_ =	shalt  }
0x6e: {  	_ =	shalt  }
0x6f: {  	_ =	shalt  }
0x70: {  	_ =	shalt  }
0x71: {  	_ =	shalt  }
0x72: {  	_ =	shalt  }
0x73: {  	_ =	shalt  }
0x74: {  	_ =	shalt  }
0x75: {  	_ =	shalt  }
0x76: {  	_ =	shalt  }
0x77: {  	_ =	shalt  }
0x78: {  	_ =	shalt  }
0x79: {  	_ =	shalt  }
0x7a: {  	_ =	shalt  }
0x7b: {  	_ =	shalt  }
0x7c: {  	_ =	shalt  }
0x7d: {  	_ =	shalt  }
0x7e: {  	_ =	shalt  }
0x7f: {  	_ =	shalt  }
0x80: {  	_ =	shalt  }
0x81: {  	_ =	shalt  }
0x82: {  	_ =	shalt  }
0x83: {  	_ =	shalt  }
0x84: {  	_ =	shalt  }
0x85: {  	_ =	shalt  }
0x86: {  	_ =	shalt  }
0x87: {  	_ =	shalt  }
.Lfunc_end0:
.L_simem_size_0:
called_computation_lowered:
.L_overlay_start_0:
0x88: {  	s2 =	sld [smem:$0x3FD9]  }
0x89: {  	s3 =	sld [smem:$0x3FFE];
	_ =	sdelay $0x1  }
0x8a: {  	s1 =	srdreg.scid  }
0x8b: {  	s0 =	sand.u32 $0x1, s1  }
0x8c: {  	s17 =	sshll.u32 s0, $0xA;
	s2 =	sadd.s32 s3, s2  }
0x8d: {  	s2 =	sadd.s32 s2, s17  }
0x8e: {  	[smem:$0x3FC7] =	sst s2  }
0x8f: {  	_ = 	snop  }
0x90: {  	s2 =	sld [smem:$0x3FD0];
	(tm) =	ssettm $0x1  }
0x91: {  	s18 =	sld [smem:$0x3FFB];
	_ =	sdelay $0x3  }
0x92: {  	_ =	strace s18  }
0x93: {  	s3 =	sld [smem:$0x3FFC];
	_ =	sdelay $0x3  }
0x94: {  	_ =	strace s3  }
0x95: {  	s3 =	sld [smem:$0x3FFD];
	_ =	sdelay $0x3  }
0x96: {  	_ =	strace s3  }
0x97: {  	_ =	strace $0x8FFFFFFF  }
0x98: {  	s19 =	sld [smem:$0x3FDB];
	_ =	sdelay $0x1  }
0x99: {  	s4 =	simm.s32 $_scs_section_size  }
0x9a: {  	s5 =	simm.s32 $_size__tile_overlayer_lowered;
	s6 =	simm.s32 $_tile_overlayer_lowered  }
0x9b: {  	s22 =	simm.s32 $0x1BFF;
	s21 =	sshll.u32 s6, $0x1;
	s3 =	sadd.s32 s4, s19  }
0x9c: {  	s7 =	simm.s32 $0x0;
	s20 =	sshll.u32 s5, $0x1;
	s5 =	sadd.s32 s21, s3  }
0x9d: {  	[timem:s7], [sflag:s22] =	dma.local [hbm:s5], s20  }
0x9e: {  	_ =	swait.ge [sflag:s22], s20  }
0x9f: {  	s4 =	ssub.s32 $0x0, s20;
	[sflag:s22] =	ssyncset.done $0x0  }
0xa0: {  	[sflag:s22] =	ssyncadd.s32 s4;
	_ =	sdelay $0x1  }
0xa1: {  	s23 =	simm.s32 $0x1B8B  }
0xa2: {  	_ =	swait.ge [sflag:s23], $0x1  }
0xa3: {  	[sflag:s23] =	ssyncset.done $0x0  }
0xa4: {  	s25 =	simm.s32 $0x1B8E;
	s24 =	sld [smem:$0x3FFE];
	[sflag:s23] =	ssyncadd.s32 $0xFFFFFFFF  }
0xa5: {  	s26 =	simm.s32 $execute0_lowered;
	[smem:$0x3FD2] =	sst s25  }
0xa6: {  	s5 =	sshll.u32 s26, $0x1;
	_ =	strace $0x80000046;
	[dreg:$0x1] =	wrdreg $0xFFFFFFFF  }
0xa7: {  	s28 =	simm.s32 $_size_execute0_lowered;
	s3 =	sadd.s32 s3, s5;
	[dreg:$0x0] =	wrdreg $0x0  }
0xa8: {  	s5 =	sshll.u32 s28, $0x1;
	[dreg:$0x2] =	wrdreg s3  }
0xa9: {  	[dreg:$0x3] =	wrdreg s5  }
0xaa: {  	[dreg:$0x4] =	wrdreg $0xC0  }
0xab: {  	_ =	task [dreg:s7], $0x5FFFF  }
0xac: {  	[dreg:$0x1] =	wrdreg $0xFFFFFFFF  }
0xad: {  	[dreg:$0x0] =	wrdreg $0x60  }
0xae: {  	[dreg:$0x2] =	wrdreg s2  }
0xaf: {  	[dreg:$0x3] =	wrdreg s24  }
0xb0: {  	[dreg:$0x4] =	wrdreg $0x9  }
0xb1: {  	_ =	task.clear_ibuf [dreg:s7], $0x5FFFF;
	_ =	strace $0x90000046  }
0xb2: {  	s29 =	simm.s32 $0x9;
	_ =	strace $0x80000048  }
0xb3: {  	_ =	swait.ge [sflag:s29], $0x1  }
0xb4: {  	[sflag:s29] =	ssyncadd.s32 $0xFFFFFFFF  }
0xb5: {  	_ =	strace $0x90000048  }
0xb6: {  	_ =	sfence  }
0xb7: {  	s30 =	sld [smem:$0x0];
	_ =	sdelay $0x2  }
0xb8: {  	s31 =	sshll.u32 s1, $0xD;
	s1 =	sshrl.u32 s1, $0x2  }
0xb9: {  	s3 =	sand.u32 $0x4000, s31;
	s1 =	sadd.s32 s1, s30  }
0xba: {  	s0 =	sor.u32 s3, s0;
	s1 =	sshll.u32 s1, $0x11  }
0xbb: {  	s0 =	sor.u32 s1, s0  }
0xbc: {  	s0 =	sadd.s32 $0x8F2B, s0  }
0xbd: {  	[sflag:s0] =	ssyncadd.remote.s32 $0x1  }
0xbe: {  	_ =	sfence.sel $0xFFFF  }
0xbf: {  	[dreg:$0x0] =	wrdreg $0xFFFFFFFF;
	(pc) =	sbr.abs _section_cstart, $3  }
0xc0: {  	[dreg:$0x1] =	wrdreg $0xFFFFFFFF  }
0xc1: {  	_ =	task.clear_ibuf [dreg:s7], $0x2FFFF;
	_ =	strace $0x9FFFFFFF  }
0xc2: {  	(tm) =	ssettm $0x7FFFFFFF  }
0xc3: {  	_ =	shalt  }
tec
execute0_lowered:
.L_overlay_start_1:
0x0: {  	(tag) =	ssettag $0x1  }
0x1: {  	s1 =	rddreg [dreg:$0x0]  }
0x2: {  	s4 =	rddreg [dreg:$0x1]  }
0x3: {  	s0 =	rddreg [dreg:$0x2];
	s3 =	simm.s32 $0x0;
	s5 =	srdreg.scid  }
0x4: {  	s2 =	stileid.u32;
	s11 =	simm.s32 $0x18100;
	s12 =	simm.s32 $0x18000  }
0x5: {  	s13 =	simm.s32 $0x8000;
	s14 =	simm.s32 $0x19100;
	s15 =	simm.s32 $0x10000  }
0x6: {  	s16 =	simm.s32 $0x2;
	s17 =	simm.s32 $0x0;
	[smem:$0x7FF] =	sst s3  }
0x7: {  	s5 =	sand.u32 $0x1, s5;
	s6 =	sshll.u32 s2, $0xF;
	s10 =	sshll.u32 s2, $0x3  }
0x8: {  	_ =	strace $0x80000047;
	s7 =	ssub.s32 $0x2, s5;
	s8 =	sadd.s32 s6, s4  }
0x9: {  	s9 =	sshll.u32 s5, $0x6;
	s5 =	sshll.u32 s5, $0x2;
	s31 =	sshrl.u32 s7, $0x1  }
0xa: {  	s9 =	sadd.s32 s1, s9;
	s4 =	sor.u32 s5, s10;
	s10 =	simm.s32 $0x1  }
0xb: {  	v0 =	vimm.s32 $0x0;
	s7 =	ssub.s32 s7, s31;
	s5 =	sadd.s32 s6, s9;
	s6 =	sadd.s32 $0x400, s8  }
0xc: {  	v1 =	vlaneseq.u32;
	v2 =	vimm.s32 $0x1;
	v3 =	vimm.s32 $0x80000000;
	s8 =	simm.s32 $0x80;
	s9 =	simm.s32 $0x400;
	s7 =	smax.u32 s7, $0x1  }
.LBB2_1:
0xd: {  	[tilespmem:s3], [sflag:$0x1] =	stream.strided.gather [hbm4b:s5+s8], $0x8000, s9, s8, $0x38;
	[tilespmem:$0x1A100] =	vst v63  }
0xe: {  	s18 =	simm.s32 $0x0  }
.LBB2_2:
0xf: {  	_ =	swait.ge [sflag:s10], $0x8000  }
0x10: {  	[sflag:s10] =	ssyncset.done $0x0  }
0x11: {  	s20 =	simm.s32 $0x18120;
	[sflag:s10] =	ssyncadd.s32 $0xFFFF8000  }
0x12: {  	[tilespmem:s20+$0xFFFFFFE0] =	vst v0  }
0x13: {  	[tilespmem:s20+$0x10] =	vst v0  }
0x14: {  	s21 =	simm.s32 $0x0;
	s19 =	simm.s32 $0x40;
	[tilespmem:s20+$0x0] =	vst v0  }
.LBB2_3:
0x15: {  	s21 =	sadd.s32 $0x4, s21  }
0x16: {  	[tilespmem:s20+$0xFFFFFFF0] =	vst v0;
	s20 =	sadd.s32 $0x40, s20;
	p0 =	slt.u32 s21, $0xFC  }
.Ltmp0:
0x17: {  	[tilespmem:s20+$0xFFFFFFE0] =	vst v0;
	(pc) =	sbr.rel @p0 .LBB2_3-.Ltmp0, $3  }
0x18: {  	_ =	sdelay $0x1  }
0x19: {  	[tilespmem:s20+$0x10] =	vst v0  }
0x1a: {  	[tilespmem:s20+$0x0] =	vst v0  }
0x1b: {  	[tilespmem:s20+$0xFFFFFFF0] =	vst v0  }
0x1c: {  	v4 =	vld [tilespmem:s19+$0xFFFFFFC0];
	_ =	sdelay $0x2  }
0x1d: {  	v6 =	vld [tilespmem:s19+$0xFFFFFFD0]  }
0x1e: {  	v7 =	vld [tilespmem:s19+$0xFFFFFFF0]  }
0x1f: {  	v9 =	vld [tilespmem:s19+$0xFFFFFFE0];
	v5 =	vshra.s32 v4, $0x1F  }
0x20: {  	v8 =	vld [tilespmem:s19+$0x30];
	v4 =	vxor.u32 v4, v5  }
0x21: {  	v4 =	vshll.u32 v4, $0x4  }
0x22: {  	v4 =	vor.u32 v1, v4  }
0x23: {  	v10 =	vshra.s32 v6, $0x1F;
	v11 =	vshra.s32 v7, $0x1F;
	v5 =	vld [tilespmem:s19+$0x0];
	v12 =	vand.u32 $0xFFF, v4  }
0x24: {  	v7 =	vxor.u32 v7, v11;
	v4 =	vxor.u32 v6, v10;
	v6 =	vshra.s32 v9, $0x1F  }
0x25: {  	v7 =	vshll.u32 v7, $0x4;
	v10 =	vshra.s32 v8, $0x1F;
	v9 =	vxor.u32 v9, v6;
	v6 =	vld [tilespmem:s19+$0x20]  }
0x26: {  	v7 =	vor.u32 v1, v7;
	v4 =	vshll.u32 v4, $0x4;
	v11 =	vxor.u32 v8, v10;
	v8 =	vld [tilespmem:s19+$0x10]  }
0x27: {  	v7 =	vand.u32 $0xFFF, v7;
	v9 =	vshll.u32 v9, $0x4;
	v4 =	vor.u32 v1, v4  }
0x28: {  	s20 =	simm.s32 $0xC0;
	s19 =	simm.s32 $0x0;
	v10 =	vshra.s32 v5, $0x1F;
	v11 =	vshll.u32 v11, $0x4;
	v9 =	vor.u32 v1, v9;
	[tilespmem:v12+s11+$0x0] =	vst.idx.add.s32.msk $0xffff, v2  }
.LBB2_5:
0x29: {  	v12 =	vld [tilespmem:s20+$0xFFFFFFC0];
	s19 =	sadd.s32 $0x8, s19;
	v9 =	vand.u32 $0xFFF, v9;
	v11 =	vor.u32 v1, v11  }
0x2a: {  	v5 =	vxor.u32 v5, v10;
	v13 =	vld [tilespmem:s20+$0xFFFFFFD0];
	p0 =	slt.u32 s19, $0x7F8;
	v10 =	vand.u32 $0xFFF, v11  }
0x2b: {  	v15 =	vshra.s32 v6, $0x1F;
	v5 =	vshll.u32 v5, $0x4;
	v11 =	vld [tilespmem:s20+$0xFFFFFFF0];
	v14 =	vshra.s32 v8, $0x1F  }
0x2c: {  	v6 =	vxor.u32 v6, v15;
	v5 =	vor.u32 v1, v5;
	v16 =	vld [tilespmem:s20+$0x30];
	v8 =	vxor.u32 v8, v14  }
0x2d: {  	v6 =	vshll.u32 v6, $0x4;
	v15 =	vand.u32 $0xFFF, v5;
	v14 =	vld [tilespmem:s20+$0xFFFFFFE0];
	v8 =	vshll.u32 v8, $0x4  }
0x2e: {  	v6 =	vor.u32 v1, v6;
	v5 =	vld [tilespmem:s20+$0x0];
	v8 =	vor.u32 v1, v8  }
0x2f: {  	v18 =	vand.u32 $0xFFF, v6;
	v17 =	vshra.s32 v12, $0x1F;
	[tilespmem:v7+s11+$0x0] =	vst.idx.add.s32.msk $0xffff, v2;
	v7 =	vand.u32 $0xFFF, v8  }
0x30: {  	v6 =	vxor.u32 v12, v17;
	v8 =	vand.u32 $0xFFF, v4;
	[tilespmem:v9+s11+$0x0] =	vst.idx.add.s32.msk $0xffff, v2  }
0x31: {  	v4 =	vshll.u32 v6, $0x4;
	v6 =	vshra.s32 v13, $0x1F;
	v9 =	vshra.s32 v11, $0x1F;
	[tilespmem:v10+s11+$0x0] =	vst.idx.add.s32.msk $0xffff, v2  }
0x32: {  	v4 =	vor.u32 v1, v4;
	v6 =	vxor.u32 v13, v6;
	v10 =	vshra.s32 v16, $0x1F;
	[tilespmem:v15+s11+$0x0] =	vst.idx.add.s32.msk $0xffff, v2  }
0x33: {  	v12 =	vand.u32 $0xFFF, v4;
	v4 =	vshll.u32 v6, $0x4;
	v13 =	vxor.u32 v16, v10;
	v6 =	vld [tilespmem:s20+$0x20]  }
.Ltmp1:
0x34: {  	v9 =	vxor.u32 v11, v9;
	v10 =	vshra.s32 v14, $0x1F;
	v4 =	vor.u32 v1, v4;
	[tilespmem:v7+s11+$0x0] =	vst.idx.add.s32.msk $0xffff, v2;
	(pc) =	sbr.rel @p0 .LBB2_5-.Ltmp1, $4  }
0x35: {  	v9 =	vshll.u32 v9, $0x4;
	v7 =	vxor.u32 v14, v10;
	[tilespmem:v8+s11+$0x0] =	vst.idx.add.s32.msk $0xffff, v2  }
0x36: {  	v10 =	vor.u32 v1, v9;
	v7 =	vshll.u32 v7, $0x4;
	v8 =	vld [tilespmem:s20+$0x10]  }
0x37: {  	v9 =	vor.u32 v1, v7;
	v7 =	vand.u32 $0xFFF, v10;
	[tilespmem:v18+s11+$0x0] =	vst.idx.add.s32.msk $0xffff, v2  }
0x38: {  	v11 =	vshll.u32 v13, $0x4;
	v10 =	vshra.s32 v5, $0x1F;
	s20 =	sadd.s32 $0x80, s20;
	[tilespmem:v12+s11+$0x0] =	vst.idx.add.s32.msk $0xffff, v2  }
0x39: {  	_ = 	snop  }
0x3a: {  	v9 =	vand.u32 $0xFFF, v9;
	v11 =	vor.u32 v1, v11;
	v5 =	vxor.u32 v5, v10  }
0x3b: {  	v4 =	vand.u32 $0xFFF, v4;
	v11 =	vand.u32 $0xFFF, v11;
	v10 =	vshra.s32 v8, $0x1F  }
0x3c: {  	v5 =	vshll.u32 v5, $0x4;
	v8 =	vxor.u32 v8, v10;
	v10 =	vshra.s32 v6, $0x1F  }
0x3d: {  	v5 =	vor.u32 v1, v5;
	v8 =	vshll.u32 v8, $0x4;
	v6 =	vxor.u32 v6, v10  }
0x3e: {  	v5 =	vand.u32 $0xFFF, v5;
	v8 =	vor.u32 v1, v8;
	v6 =	vshll.u32 v6, $0x4  }
0x3f: {  	[tilespmem:v7+s11+$0x0] =	vst.idx.add.s32.msk $0xffff, v2;
	v8 =	vand.u32 $0xFFF, v8;
	v6 =	vor.u32 v1, v6  }
0x40: {  	[tilespmem:v9+s11+$0x0] =	vst.idx.add.s32.msk $0xffff, v2;
	v6 =	vand.u32 $0xFFF, v6  }
0x41: {  	[tilespmem:v4+s11+$0x0] =	vst.idx.add.s32.msk $0xffff, v2  }
0x42: {  	[tilespmem:v11+s11+$0x0] =	vst.idx.add.s32.msk $0xffff, v2  }
0x43: {  	[tilespmem:v5+s11+$0x0] =	vst.idx.add.s32.msk $0xffff, v2  }
0x44: {  	[tilespmem:v8+s11+$0x0] =	vst.idx.add.s32.msk $0xffff, v2  }
0x45: {  	s21 =	simm.s32 $0x18120;
	[tilespmem:v6+s11+$0x0] =	vst.idx.add.s32.msk $0xffff, v2  }
0x46: {  	v7 =	vld [tilespmem:s21+$0x10]  }
0x47: {  	v10 =	vld [tilespmem:s21+$0x0];
	_ =	sdelay $0x3  }
0x48: {  	v15 =	vld [tilespmem:s21+$0xFFFFFFE0];
	(xrf0) =	vadd.scan.msk.s32 $0xffff, v7  }
0x49: {  	v4 =	vld [tilespmem:s21+$0xFFFFFFF0];
	(xrf0) =	vadd.scan.msk.s32 $0xffff, v10;
	_ =	sdelay $0x1  }
0x4a: {  	s19 =	simm.s32 $0x1  }
0x4b: {  	s20 =	simm.s32 $0x18160;
	s22 =	simm.s32 $0x2;
	s23 =	simm.s32 $0x3  }
0x4c: {  	v16 =	vmov s23;
	v5 =	vmov s19;
	s19 =	simm.s32 $0x0;
	v6 =	vmov s22;
	v8 =	vld [tilespmem:s20+$0x10];
	(xrf0) =	vadd.scan.msk.s32 $0xffff, v15  }
0x4d: {  	v11 =	vand.u32 $0xFFFFFFFD, v5;
	v13 =	vand.u32 $0xFFFFFFFE, v6;
	v6 =	vmov s19;
	v5 =	vld [tilespmem:s20+$0x0];
	(xrf0) =	vadd.scan.msk.s32 $0xffff, v4;
	v17, _, _ =	vpop (xrf0)  }
0x4e: {  	v14 =	vand.u32 $0xFFFFFFFC, v6;
	v18, _, _ =	vpop (xrf0)  }
0x4f: {  	s31 =	simm.s32 $0x6;
	v14 =	vbroadcast v14, $0x0;
	v7 =	vsub.s32 v17, v7;
	v19 =	vsub.s32 v18, v10;
	v10 =	vld [tilespmem:s20+$0xFFFFFFE0]  }
0x50: {  	s30 =	simm.s32 $0x5;
	v12 =	vmov s31;
	v17 =	vbroadcast v17, $0xF;
	[tilespmem:s21+$0x10] =	vst v7;
	v7 =	vld [tilespmem:s20+$0xFFFFFFF0]  }
0x51: {  	v9 =	vmov s30;
	v6 =	vand.u32 $0xFFFFFFFE, v12;
	v12 =	vbroadcast v11, $0x0;
	(xrf0) =	vadd.scan.msk.s32 $0xffff, v8  }
0x52: {  	s25 =	simm.s32 $0x7;
	v9 =	vand.u32 $0xFFFFFFFD, v9;
	v11 =	vbroadcast v13, $0x0;
	(xrf0) =	vadd.scan.msk.s32 $0xffff, v5;
	[tilespmem:v16+s12+$0x0] =	vst.idx.msk $0x1, v17;
	v16, _, _ =	vpop (xrf0)  }
0x53: {  	s24 =	simm.s32 $0x181A0;
	s23 =	simm.s32 $0x8;
	s22 =	simm.s32 $0x4;
	v13 =	vbroadcast v18, $0xF;
	[tilespmem:s21+$0x0] =	vst v19;
	v17 =	vsub.s32 v16, v15;
	v15 =	vbroadcast v16, $0xF;
	v16, _, _ =	vpop (xrf0)  }
.LBB2_7:
0x54: {  	v18 =	vld [tilespmem:s24+$0x10];
	p0 =	slt.u32 s23, $0xFC;
	v19 =	vmov s22;
	v20 =	vmov s25;
	(xrf0) =	vadd.scan.msk.s32 $0xffff, v10;
	[tilespmem:s21+$0xFFFFFFE0] =	vst v17;
	v17 =	vmovc v5;
	s22 =	smov.u32 s23;
	s23 =	sadd.s32 $0x4, s23  }
0x55: {  	s25 =	sadd.s32 $0x1, s22;
	v5 =	vld [tilespmem:s24+$0x0];
	s26 =	sadd.s32 $0x2, s22;
	(xrf0) =	vadd.scan.msk.s32 $0xffff, v7;
	[tilespmem:v14+s12+$0x0] =	vst.idx.msk $0x1, v15;
	v14 =	vsub.s32 v16, v4;
	v15 =	vbroadcast v16, $0xF;
	v4 =	vmovc v7  }
0x56: {  	v22 =	vmovc v10;
	v23 =	vmovc v9;
	v24 =	vand.u32 $0xFFFFFFFC, v19;
	v7 =	vld [tilespmem:s24+$0xFFFFFFF0];
	v16 =	vmov s25;
	v21 =	vmov s26;
	[tilespmem:s21+$0xFFFFFFF0] =	vst v14;
	s21 =	smov.u32 s20;
	s20 =	smov.u32 s24  }
.Ltmp2:
0x57: {  	v14 =	vbroadcast v24, $0x0;
	v10 =	vld [tilespmem:s24+$0xFFFFFFE0];
	v9 =	vand.u32 $0xFFFFFFFD, v16;
	v16 =	vand.u32 $0xFFFFFFFE, v21;
	v19, _, _ =	vpop (xrf0);
	[tilespmem:v12+s12+$0x0] =	vst.idx.msk $0x1, v15;
	(pc) =	sbr.rel @p0 .LBB2_7-.Ltmp2, $4  }
0x58: {  	v21 =	vsub.s32 v19, v8;
	v19 =	vbroadcast v19, $0xF;
	[tilespmem:v11+s12+$0x0] =	vst.idx.msk $0x1, v13;
	v11 =	vmovc v6;
	v6 =	vmov v16  }
0x59: {  	v12 =	vbroadcast v23, $0x0;
	(xrf0) =	vadd.scan.msk.s32 $0xffff, v18;
	v11 =	vbroadcast v11, $0x0;
	[tilespmem:s21+$0x10] =	vst v21;
	v8, _, _ =	vpop (xrf0)  }
0x5a: {  	v21 =	vsub.s32 v8, v17;
	v13 =	vbroadcast v8, $0xF;
	[tilespmem:v20+s12+$0x0] =	vst.idx.msk $0x1, v19;
	v15, _, _ =	vpop (xrf0);
	v8 =	vmov v18  }
0x5b: {  	s25 =	sadd.s32 $0x3, s22;
	s24 =	sadd.s32 $0x40, s24;
	(xrf0) =	vadd.scan.msk.s32 $0xffff, v5;
	v17 =	vsub.s32 v15, v22;
	v15 =	vbroadcast v15, $0xF;
	[tilespmem:s21+$0x0] =	vst v21;
	v16, _, _ =	vpop (xrf0)  }
0x5c: {  	_ =	sdelay $0x2  }
0x5d: {  	(xrf0) =	vadd.scan.msk.s32 $0xffff, v10;
	[tilespmem:s21+$0xFFFFFFE0] =	vst v17  }
0x5e: {  	v55 =	vmov s25;
	[tilespmem:v11+s12+$0x0] =	vst.idx.msk $0x1, v13  }
0x5f: {  	v18 =	vmov s22;
	v4 =	vsub.s32 v16, v4;
	v56 =	vbroadcast v16, $0xF;
	[tilespmem:v14+s12+$0x0] =	vst.idx.msk $0x1, v15  }
0x60: {  	v6 =	vbroadcast v6, $0x0;
	(xrf0) =	vadd.scan.msk.s32 $0xffff, v7;
	v57 =	vand.u32 $0xFFFFFFFC, v18;
	[tilespmem:s21+$0xFFFFFFF0] =	vst v4;
	v58, _, _ =	vpop (xrf0)  }
0x61: {  	v4 =	vbroadcast v57, $0x0;
	[tilespmem:v12+s12+$0x0] =	vst.idx.msk $0x1, v56;
	v8 =	vsub.s32 v58, v8;
	v59 =	vbroadcast v58, $0xF  }
0x62: {  	[tilespmem:s20+$0x10] =	vst v8;
	v60, _, _ =	vpop (xrf0)  }
0x63: {  	v9 =	vbroadcast v9, $0x0;
	v5 =	vsub.s32 v60, v5;
	[tilespmem:v55+s12+$0x0] =	vst.idx.msk $0x1, v59;
	v61, _, _ =	vpop (xrf0)  }
0x64: {  	v63 =	vbroadcast v60, $0xF;
	v62 =	vsub.s32 v61, v10;
	[tilespmem:s20+$0x0] =	vst v5  }
0x65: {  	v11 =	vbroadcast v61, $0xF;
	[tilespmem:s20+$0xFFFFFFE0] =	vst v62  }
0x66: {  	[tilespmem:v6+s12+$0x0] =	vst.idx.msk $0x1, v63;
	v5, _, _ =	vpop (xrf0)  }
0x67: {  	[tilespmem:v4+s12+$0x0] =	vst.idx.msk $0x1, v11;
	v4 =	vsub.s32 v5, v7;
	v5 =	vbroadcast v5, $0xF  }
0x68: {  	[tilespmem:s20+$0xFFFFFFF0] =	vst v4  }
0x69: {  	s31 =	simm.s32 $0x0;
	[tilespmem:v9+s12+$0x0] =	vst.idx.msk $0x1, v5  }
0x6a: {  	v4 =	vld [tilespmem:s31+$0x18000];
	_ =	sdelay $0x4  }
0x6b: {  	(xrf0) =	vadd.scan.msk.s32 $0xffff, v4;
	_ =	sdelay $0x5  }
0x6c: {  	v5, _, _ =	vpop (xrf0)  }
0x6d: {  	(v2sf) =	vpush v5, $0xF  }
0x6e: {  	v4 =	vsub.s32 s19, v4  }
0x6f: {  	v4 =	vadd.s32 v5, v4  }
0x70: {  	s21 =	simm.s32 $0x80;
	s20 =	simm.s32 $0x10;
	[tilespmem:s31+$0x18000] =	vst v4  }
.LBB2_9:
0x71: {  	p0 =	sne.s32 s21, $0x3C0;
	v4 =	vld [tilespmem:s20+$0x18000];
	_ =	sdelay $0x4  }
0x72: {  	(xrf0) =	vadd.scan.msk.s32 $0xffff, v4;
	_ =	sdelay $0x5  }
.Ltmp3:
0x73: {  	v5, _, _ =	vpop (xrf0);
	s22 =	spop (v2sf);
	(pc) =	sbr.rel @p0 .LBB2_9-.Ltmp3, $4  }
0x74: {  	(v2sf) =	vpush v5, $0xF;
	s19 =	sadd.s32 s19, s22  }
0x75: {  	v4 =	vsub.s32 s19, v4  }
0x76: {  	v4 =	vadd.s32 v5, v4  }
0x77: {  	[tilespmem:s20+$0x18000] =	vst v4;
	s20 =	sshra.s32 s21, $0x2;
	s21 =	sadd.s32 $0x40, s21  }
0x78: {  	v4 =	vld [tilespmem:s20+$0x18000];
	_ =	sdelay $0x4  }
0x79: {  	(xrf0) =	vadd.scan.msk.s32 $0xffff, v4;
	_ =	sdelay $0x3  }
0x7a: {  	s21 =	simm.s32 $0x0;
	s22 =	simm.s32 $0x1  }
0x7b: {  	s31 =	simm.s32 $0x3;
	v6 =	vmov s21;
	v8 =	vmov s22  }
0x7c: {  	v7 =	vmov s31;
	s22 =	simm.s32 $0x2;
	v6 =	vand.u32 $0xFFFFFFFC, v6;
	v8 =	vand.u32 $0xFFFFFFFD, v8;
	v5, _, _ =	vpop (xrf0)  }
0x7d: {  	v9 =	vmov s22;
	v6 =	vbroadcast v6, $0x0;
	s23 =	spop (v2sf);
	(v2sf) =	vpush v5, $0xF  }
0x7e: {  	v8 =	vbroadcast v8, $0x0;
	v9 =	vand.u32 $0xFFFFFFFE, v9;
	s19 =	sadd.s32 s19, s23  }
0x7f: {  	v9 =	vbroadcast v9, $0x0;
	v4 =	vsub.s32 s19, v4  }
0x80: {  	v4 =	vadd.s32 v5, v4  }
0x81: {  	s24 =	simm.s32 $0x4;
	[tilespmem:s20+$0x18000] =	vst v4  }
0x82: {  	s25 =	simm.s32 $0x5;
	v5 =	vmov s24;
	v4 =	vld.idx.msk [tilespmem:v7+s12+$0x0], $0xffff  }
0x83: {  	v5 =	vand.u32 $0xFFFFFFFC, v5;
	v14 =	vld.idx.msk [tilespmem:v6+s12+$0x0], $0xffff;
	v6 =	vmov s25  }
0x84: {  	s26 =	simm.s32 $0x7;
	s28 =	simm.s32 $0x6;
	v7 =	vld.idx.msk [tilespmem:v8+s12+$0x0], $0xffff;
	v10 =	vbroadcast v5, $0x0;
	v5 =	vand.u32 $0xFFFFFFFD, v6  }
0x85: {  	s19 =	simm.s32 $0x18120;
	v8 =	vmov s26;
	v12 =	vld.idx.msk [tilespmem:v9+s12+$0x0], $0xffff;
	v16 =	vbroadcast v5, $0x0;
	v5 =	vmov s28  }
0x86: {  	v15 =	vld [tilespmem:s19+$0x0];
	v5 =	vand.u32 $0xFFFFFFFE, v5  }
0x87: {  	v17 =	vld [tilespmem:s19+$0xFFFFFFE0];
	v13 =	vbroadcast v5, $0x0  }
0x88: {  	v9 =	vld [tilespmem:s19+$0xFFFFFFF0]  }
0x89: {  	s29 =	simm.s32 $0x8;
	v6 =	vld [tilespmem:s19+$0x10]  }
0x8a: {  	s30 =	simm.s32 $0xB;
	v11 =	vmov s29;
	v5 =	vld.idx.msk [tilespmem:v8+s12+$0x0], $0xffff  }
0x8b: {  	s21 =	simm.s32 $0x9;
	v18 =	vand.u32 $0xFFFFFFFC, v11;
	v11 =	vmov s30;
	s22 =	simm.s32 $0xA;
	v19 =	vadd.s32 v12, v15;
	v8 =	vld.idx.msk [tilespmem:v10+s12+$0x0], $0xffff  }
0x8c: {  	s20 =	simm.s32 $0x18120;
	v12 =	vbroadcast v18, $0x0;
	v15 =	vmov s21;
	s21 =	simm.s32 $0xC;
	v14 =	vadd.s32 v14, v17;
	[tilespmem:s19+$0x0] =	vst v19;
	v10 =	vld.idx.msk [tilespmem:v16+s12+$0x0], $0xffff;
	s31 =	spop (v2sf)  }
.LBB2_11:
0x8d: {  	p0 =	slt.u32 s21, $0xFC;
	v15 =	vand.u32 $0xFFFFFFFD, v15;
	v16 =	vmov s22;
	v17 =	vld.idx.msk [tilespmem:v13+s12+$0x0], $0xffff;
	[tilespmem:s19+$0xFFFFFFE0] =	vst v14;
	v7 =	vadd.s32 v7, v9;
	s20 =	sadd.s32 $0x40, s20  }
0x8e: {  	v14 =	vbroadcast v15, $0x0;
	v9 =	vand.u32 $0xFFFFFFFE, v16;
	v15 =	vld [tilespmem:s20+$0x0];
	[tilespmem:s19+$0xFFFFFFF0] =	vst v7;
	v6 =	vadd.s32 v4, v6  }
0x8f: {  	v13 =	vbroadcast v9, $0x0;
	v16 =	vld [tilespmem:s20+$0xFFFFFFE0];
	[tilespmem:s19+$0x10] =	vst v6;
	s19 =	smov.u32 s20  }
.Ltmp4:
0x90: {  	v4 =	vmov v5;
	v9 =	vld [tilespmem:s20+$0xFFFFFFF0];
	(pc) =	sbr.rel @p0 .LBB2_11-.Ltmp4, $4  }
0x91: {  	v18 =	vmov v8;
	v6 =	vld [tilespmem:s20+$0x10]  }
0x92: {  	s22 =	sadd.s32 $0x3, s21;
	v8 =	vmov s21;
	v7 =	vmov v10;
	v5 =	vld.idx.msk [tilespmem:v11+s12+$0x0], $0xffff  }
0x93: {  	s23 =	sadd.s32 $0x1, s21;
	v10 =	vand.u32 $0xFFFFFFFC, v8;
	v11 =	vmov s22;
	v8 =	vld.idx.msk [tilespmem:v12+s12+$0x0], $0xffff;
	v17 =	vadd.s32 v17, v15  }
0x94: {  	s22 =	sadd.s32 $0x2, s21;
	s21 =	sadd.s32 $0x4, s21;
	v12 =	vbroadcast v10, $0x0;
	v15 =	vmov s23;
	v10 =	vld.idx.msk [tilespmem:v14+s12+$0x0], $0xffff;
	v14 =	vadd.s32 v18, v16;
	[tilespmem:s20+$0x0] =	vst v17  }
0x95: {  	_ =	sdelay $0x3  }
0x96: {  	v13 =	vld.idx.msk [tilespmem:v13+s12+$0x0], $0xffff  }
0x97: {  	s20 =	sadd.s32 $0x40, s20;
	v11 =	vld.idx.msk [tilespmem:v11+s12+$0x0], $0xffff  }
0x98: {  	v15 =	vand.u32 $0xFFFFFFFD, v15;
	v17 =	vld [tilespmem:s20+$0x0]  }
0x99: {  	v16 =	vmov s22;
	v15 =	vbroadcast v15, $0x0;
	v18 =	vld [tilespmem:s20+$0xFFFFFFE0]  }
0x9a: {  	v16 =	vand.u32 $0xFFFFFFFE, v16;
	v19 =	vld [tilespmem:s20+$0xFFFFFFF0]  }
0x9b: {  	v20 =	vld [tilespmem:s20+$0x10];
	v16 =	vbroadcast v16, $0x0  }
0x9c: {  	v12 =	vld.idx.msk [tilespmem:v12+s12+$0x0], $0xffff;
	s21 =	sadd.s32 $0x40, s20  }
0x9d: {  	v59 =	vld [tilespmem:s21+$0x0]  }
0x9e: {  	[tilespmem:s19+$0xFFFFFFE0] =	vst v14;
	v4 =	vadd.s32 v4, v6;
	v60 =	vld [tilespmem:s21+$0xFFFFFFE0]  }
0x9f: {  	[tilespmem:s19+$0x10] =	vst v4;
	v4 =	vadd.s32 v13, v17;
	v15 =	vld.idx.msk [tilespmem:v15+s12+$0x0], $0xffff  }
0xa0: {  	v7 =	vadd.s32 v7, v9;
	[tilespmem:s20+$0x0] =	vst v4;
	v4 =	vld [tilespmem:s21+$0xFFFFFFF0]  }
0xa1: {  	[tilespmem:s19+$0xFFFFFFF0] =	vst v7;
	v8 =	vadd.s32 v8, v18;
	v58 =	vld.idx.msk [tilespmem:v16+s12+$0x0], $0xffff  }
0xa2: {  	v62 =	vld [tilespmem:s21+$0x10];
	v61 =	vadd.s32 v10, v19;
	[tilespmem:s20+$0xFFFFFFE0] =	vst v8  }
0xa3: {  	v5 =	vadd.s32 v5, v20;
	[tilespmem:s20+$0xFFFFFFF0] =	vst v61  }
0xa4: {  	[tilespmem:s20+$0x10] =	vst v5;
	v63 =	vadd.s32 v12, v60  }
0xa5: {  	[tilespmem:s21+$0xFFFFFFE0] =	vst v63;
	v4 =	vadd.s32 v15, v4  }
0xa6: {  	p0 =	por $0x1, $0x1;
	v5 =	vadd.s32 v58, v59;
	[tilespmem:s21+$0xFFFFFFF0] =	vst v4  }
.Ltmp5:
0xa7: {  	v4 =	vadd.s32 v11, v62;
	[tilespmem:s21+$0x0] =	vst v5;
	(pc) =	sbr.rel @!p0 .LBB2_14-.Ltmp5, $4  }
0xa8: {  	s19 =	simm.s32 $0x19120;
	[tilespmem:s21+$0x10] =	vst v4  }
0xa9: {  	[tilespmem:s19+$0xFFFFFFE0] =	vst v0  }
0xaa: {  	[tilespmem:s19+$0x10] =	vst v0  }
0xab: {  	s20 =	simm.s32 $0x0;
	[tilespmem:s19+$0x0] =	vst v0  }
.LBB2_13:
0xac: {  	s20 =	sadd.s32 $0x4, s20  }
0xad: {  	[tilespmem:s19+$0xFFFFFFF0] =	vst v0;
	s19 =	sadd.s32 $0x40, s19;
	p0 =	slt.u32 s20, $0xFC  }
.Ltmp6:
0xae: {  	[tilespmem:s19+$0xFFFFFFE0] =	vst v0;
	(pc) =	sbr.rel @p0 .LBB2_13-.Ltmp6, $3  }
0xaf: {  	_ =	sdelay $0x1  }
0xb0: {  	[tilespmem:s19+$0x10] =	vst v0  }
0xb1: {  	[tilespmem:s19+$0x0] =	vst v0  }
.LBB2_14:
0xb2: {  	[tilespmem:s19+$0xFFFFFFF0] =	vst v0;
	s19 =	simm.s32 $0x0;
	s20 =	simm.s32 $0x0  }
.LBB2_15:
0xb3: {  	s21 =	sshra.s32 s20, $0x2  }
0xb4: {  	v4 =	vld [tilespmem:s21+$0x0]  }
0xb5: {  	v5 =	vld [tilespmem:s21+$0x10]  }
0xb6: {  	v12 =	vld [tilespmem:s21+$0x40]  }
0xb7: {  	v14 =	vld [tilespmem:s21+$0x60]  }
0xb8: {  	v15 =	vld [tilespmem:s21+$0x70]  }
0xb9: {  	v6 =	vld [tilespmem:s21+$0x20]  }
0xba: {  	v7 =	vld [tilespmem:s21+$0x30]  }
0xbb: {  	v8 =	vshra.s32 v4, $0x1F  }
0xbc: {  	v9 =	vshra.s32 v5, $0x1F;
	v53 =	vshra.s32 v12, $0x1F;
	v54 =	vshra.s32 v14, $0x1F  }
0xbd: {  	v13 =	vld [tilespmem:s21+$0x50];
	v55 =	vshra.s32 v15, $0x1F;
	v8 =	vor.u32 $0x80000000, v8;
	v9 =	vor.u32 $0x80000000, v9  }
0xbe: {  	v11 =	vxor.u32 v4, v8;
	v10 =	vxor.u32 v5, v9;
	v4 =	vshra.s32 v6, $0x1F  }
0xbf: {  	v5 =	vshra.s32 v7, $0x1F;
	v4 =	vor.u32 $0x80000000, v4;
	v56 =	vshll.u32 v11, $0x4  }
0xc0: {  	v58 =	vshll.u32 v10, $0x4;
	v9 =	vxor.u32 v6, v4;
	v4 =	vor.u32 $0x80000000, v5  }
0xc1: {  	v5 =	vor.u32 $0x80000000, v53;
	v57 =	vand.u32 $0xFF0, v56;
	v59 =	vand.u32 $0xFF0, v58  }
0xc2: {  	v8 =	vxor.u32 v7, v4;
	v7 =	vxor.u32 v12, v5;
	v4 =	vshra.s32 v13, $0x1F  }
0xc3: {  	v12 =	vor.u32 $0x80000000, v55;
	v16 =	vshll.u32 v9, $0x4;
	vm0 =	veq.s32 v57, v59  }
0xc4: {  	v4 =	vor.u32 $0x80000000, v4;
	v17 =	vand.u32 $0xFF0, v16;
	v16 =	vor.u32 v1, v16  }
0xc5: {  	v18 =	vshll.u32 v8, $0x4;
	v20 =	vshll.u32 v7, $0x4;
	v29 =	vsel vm0, $0x1, v0  }
0xc6: {  	v5 =	vxor.u32 v13, v4;
	v4 =	vor.u32 $0x80000000, v54;
	v19 =	vand.u32 $0xFF0, v18  }
0xc7: {  	v18 =	vor.u32 v1, v18;
	v21 =	vand.u32 $0xFF0, v20;
	v20 =	vor.u32 v1, v20  }
0xc8: {  	v16 =	vand.u32 $0xFFF, v16;
	vm13 =	veq.s32 v57, v17;
	vm14 =	veq.s32 v59, v17  }
0xc9: {  	v6 =	vxor.u32 v14, v4;
	v4 =	vxor.u32 v15, v12;
	v12 =	vor.u32 v1, v56  }
0xca: {  	v14 =	vor.u32 v1, v58;
	v22 =	vshll.u32 v5, $0x4;
	v18 =	vand.u32 $0xFFF, v18  }
0xcb: {  	v20 =	vand.u32 $0xFFF, v20;
	v30 =	vsel vm13, $0x1, v0;
	v32 =	vsel vm14, $0x1, v0  }
0xcc: {  	vm15 =	veq.s32 v57, v19;
	vm4 =	veq.s32 v59, v19;
	vm5 =	veq.s32 v17, v19  }
0xcd: {  	vm6 =	veq.s32 v57, v21;
	vm7 =	veq.s32 v59, v21;
	vm8 =	veq.s32 v17, v21  }
0xce: {  	vm9 =	veq.s32 v19, v21;
	v14 =	vand.u32 $0xFFF, v14;
	v23 =	vand.u32 $0xFF0, v22  }
0xcf: {  	v22 =	vor.u32 v1, v22;
	v24 =	vshll.u32 v6, $0x4;
	v25 =	vshll.u32 v4, $0x4  }
0xd0: {  	v12 =	vand.u32 $0xFFF, v12;
	v33 =	vsel vm15, $0x1, v0;
	v34 =	vsel vm4, $0x1, v0  }
0xd1: {  	v60 =	vsel vm5, $0x1, v0;
	v30 =	vadd.s32 v30, v32;
	v61 =	vsel vm6, $0x1, v0  }
0xd2: {  	v62 =	vsel vm7, $0x1, v0;
	v63 =	vsel vm8, $0x1, v0;
	v39 =	vsel vm9, $0x1, v0  }
0xd3: {  	v26 =	vand.u32 $0xFF0, v24;
	v24 =	vor.u32 v1, v24;
	v27 =	vand.u32 $0xFF0, v25  }
0xd4: {  	v25 =	vor.u32 v1, v25;
	v22 =	vand.u32 $0xFFF, v22;
	v33 =	vadd.s32 v33, v34  }
0xd5: {  	vm10 =	veq.s32 v57, v23;
	vm11 =	veq.s32 v59, v23;
	vm12 =	veq.s32 v17, v23  }
0xd6: {  	vm13 =	veq.s32 v19, v23;
	vm14 =	veq.s32 v21, v23;
	v24 =	vand.u32 $0xFFF, v24  }
0xd7: {  	v25 =	vand.u32 $0xFFF, v25;
	v40 =	vsel vm10, $0x1, v0;
	v41 =	vsel vm11, $0x1, v0  }
0xd8: {  	v42 =	vsel vm12, $0x1, v0;
	v43 =	vsel vm13, $0x1, v0;
	v44 =	vsel vm14, $0x1, v0  }
0xd9: {  	vm15 =	veq.s32 v57, v26;
	vm4 =	veq.s32 v59, v26;
	vm5 =	veq.s32 v17, v26  }
0xda: {  	vm6 =	veq.s32 v19, v26;
	vm7 =	veq.s32 v21, v26;
	vm8 =	veq.s32 v23, v26  }
0xdb: {  	vm9 =	veq.s32 v57, v27;
	vm10 =	veq.s32 v59, v27;
	vm11 =	veq.s32 v17, v27  }
0xdc: {  	vm12 =	veq.s32 v19, v27;
	vm13 =	veq.s32 v21, v27;
	vm14 =	veq.s32 v23, v27  }
0xdd: {  	v32 =	vadd.s32 v40, v41;
	v45 =	vsel vm15, $0x1, v0;
	v46 =	vsel vm4, $0x1, v0  }
0xde: {  	v47 =	vsel vm5, $0x1, v0;
	v48 =	vsel vm6, $0x1, v0;
	v37 =	vsel vm7, $0x1, v0  }
0xdf: {  	v49 =	vsel vm8, $0x1, v0;
	v51 =	vsel vm9, $0x1, v0;
	v53 =	vsel vm10, $0x1, v0  }
0xe0: {  	v55 =	vsel vm11, $0x1, v0;
	v58 =	vsel vm12, $0x1, v0;
	v21 =	vsel vm13, $0x1, v0  }
0xe1: {  	v31 =	vld.idx.msk [tilespmem:v16+s11+$0x0], $0xffff;
	v23 =	vsel vm14, $0x1, v0;
	vm15 =	veq.s32 v26, v27;
	v27 =	vshrl.u32 v10, $0x4  }
0xe2: {  	v32 =	vadd.s32 v42, v32;
	v34 =	vadd.s32 v45, v46;
	v56 =	vadd.s32 v51, v53  }
0xe3: {  	v26 =	vsel vm15, $0x1, v0;
	v46 =	vshrl.u32 v7, $0x4;
	v28 =	vld.idx.msk [tilespmem:v14+s11+$0x0], $0xffff;
	v19 =	vadd.s32 v55, v56  }
0xe4: {  	v32 =	vadd.s32 v43, v32;
	v50 =	vld.idx.msk [tilespmem:v12+s11+$0x0], $0xffff;
	v55 =	vshrl.u32 v6, $0x4;
	v19 =	vadd.s32 v58, v19  }
0xe5: {  	v35 =	vld.idx.msk [tilespmem:v18+s11+$0x0], $0xffff;
	v32 =	vadd.s32 v44, v32;
	v58 =	vand.u32 $0xFF0, v55;
	v19 =	vadd.s32 v21, v19  }
0xe6: {  	v36 =	vld.idx.msk [tilespmem:v20+s11+$0x0], $0xffff;
	v30 =	vadd.s32 v31, v30;
	v31 =	vadd.s32 v61, v62;
	v19 =	vadd.s32 v23, v19  }
0xe7: {  	v52 =	vld.idx.msk [tilespmem:v22+s11+$0x0], $0xffff;
	v61 =	vshrl.u32 v11, $0x4;
	v31 =	vadd.s32 v63, v31;
	v19 =	vadd.s32 v26, v19  }
0xe8: {  	v63 =	vand.u32 $0xFF0, v61;
	v28 =	vadd.s32 v29, v28;
	v29 =	vadd.s32 v60, v33  }
0xe9: {  	v54 =	vld.idx.msk [tilespmem:v24+s11+$0x0], $0xffff;
	v31 =	vadd.s32 v39, v31;
	v33 =	vadd.s32 v47, v34;
	v60 =	vshll.u32 v50, $0x4  }
0xea: {  	v57 =	vld.idx.msk [tilespmem:v25+s11+$0x0], $0xffff;
	v13 =	vshrl.u32 v50, $0xB;
	v34 =	vshrl.u32 v30, $0xB;
	v39 =	vshrl.u32 v8, $0x4  }
0xeb: {  	[tilespmem:v12+s11+$0x0] =	vst.idx.add.s32.msk $0xffff, v2;
	v50 =	vshrl.u32 v5, $0x4;
	v29 =	vadd.s32 v35, v29;
	v31 =	vadd.s32 v36, v31  }
0xec: {  	[tilespmem:v14+s11+$0x0] =	vst.idx.add.s32.msk $0xffff, v2;
	v33 =	vadd.s32 v48, v33;
	v15 =	vadd.s32 v52, v32;
	v62 =	vand.u32 $0x7FF0, v60  }
0xed: {  	[tilespmem:v16+s11+$0x0] =	vst.idx.add.s32.msk $0xffff, v2;
	v23 =	vshll.u32 v28, $0x4;
	v26 =	vshrl.u32 v28, $0xB;
	v28 =	vand.u32 $0xFF0, v27  }
0xee: {  	[tilespmem:v18+s11+$0x0] =	vst.idx.add.s32.msk $0xffff, v2;
	v32 =	vshll.u32 v30, $0x4;
	v35 =	vshrl.u32 v9, $0x4;
	v12 =	vor.u32 v13, v62  }
0xef: {  	[tilespmem:v20+s11+$0x0] =	vst.idx.add.s32.msk $0xffff, v2;
	v48 =	vand.u32 $0xFF0, v46;
	v13 =	vor.u32 v63, v13;
	v14 =	vand.u32 $0x7FF0, v23  }
0xf0: {  	v53 =	vand.u32 $0xFF0, v50;
	v33 =	vadd.s32 v37, v33;
	[tilespmem:v22+s11+$0x0] =	vst.idx.add.s32.msk $0xffff, v2;
	v14 =	vor.u32 v26, v14  }
0xf1: {  	v16 =	vor.u32 v28, v26;
	v59 =	vadd.s32 v49, v33;
	v33 =	vand.u32 $0x7FF0, v32;
	[tilespmem:v24+s11+$0x0] =	vst.idx.add.s32.msk $0xffff, v2  }
0xf2: {  	v37 =	vand.u32 $0xFF0, v35;
	v38 =	vshll.u32 v29, $0x4;
	v36 =	vor.u32 v34, v33;
	[tilespmem:v25+s11+$0x0] =	vst.idx.add.s32.msk $0xffff, v2  }
0xf3: {  	v40 =	vshrl.u32 v29, $0xB;
	v20 =	vor.u32 v37, v34;
	v21 =	vand.u32 $0x7FF0, v38;
	[tilespmem:v12+s13+$0x0] =	vst.idx.msk $0xffff, v11  }
0xf4: {  	v22 =	vand.u32 $0xFF0, v39;
	v43 =	vshll.u32 v31, $0x4;
	v41 =	vor.u32 v40, v21;
	[tilespmem:v13+s14+$0x0] =	vst.idx.add.s32.msk $0xffff, v2  }
0xf5: {  	v45 =	vshrl.u32 v31, $0xB;
	v42 =	vor.u32 v22, v40;
	v44 =	vand.u32 $0x7FF0, v43;
	[tilespmem:v14+s13+$0x0] =	vst.idx.msk $0xffff, v10  }
0xf6: {  	v49 =	vshll.u32 v15, $0x4;
	v15 =	vshrl.u32 v15, $0xB;
	v47 =	vor.u32 v45, v44;
	[tilespmem:v16+s14+$0x0] =	vst.idx.add.s32.msk $0xffff, v2  }
0xf7: {  	v51 =	vor.u32 v48, v45;
	v17 =	vadd.s32 v54, v59;
	v14 =	vand.u32 $0x7FF0, v49;
	[tilespmem:v36+s13+$0x0] =	vst.idx.msk $0xffff, v9  }
0xf8: {  	v19 =	vadd.s32 v57, v19;
	v54 =	vshll.u32 v17, $0x4;
	v52 =	vor.u32 v15, v14;
	[tilespmem:v20+s14+$0x0] =	vst.idx.add.s32.msk $0xffff, v2  }
0xf9: {  	v57 =	vshrl.u32 v17, $0xB;
	v56 =	vand.u32 $0x7FF0, v54;
	v14 =	vor.u32 v53, v15;
	[tilespmem:v41+s13+$0x0] =	vst.idx.msk $0xffff, v8  }
0xfa: {  	v62 =	vshrl.u32 v4, $0x4;
	v59 =	vshll.u32 v19, $0x4;
	v8 =	vor.u32 v57, v56;
	[tilespmem:v42+s14+$0x0] =	vst.idx.add.s32.msk $0xffff, v2  }
0xfb: {  	v61 =	vshrl.u32 v19, $0xB;
	v60 =	vand.u32 $0x7FF0, v59;
	v11 =	vor.u32 v58, v57;
	[tilespmem:v47+s13+$0x0] =	vst.idx.msk $0xffff, v7  }
0xfc: {  	v63 =	vand.u32 $0xFF0, v62;
	v7 =	vor.u32 v61, v60;
	[tilespmem:v51+s14+$0x0] =	vst.idx.add.s32.msk $0xffff, v2  }
0xfd: {  	p0 =	sne.s32 s20, $0x1FE00;
	[tilespmem:v52+s13+$0x0] =	vst.idx.msk $0xffff, v5;
	v5 =	vor.u32 v63, v61  }
.Ltmp7:
0xfe: {  	[tilespmem:v14+s14+$0x0] =	vst.idx.add.s32.msk $0xffff, v2;
	(pc) =	sbr.rel @p0 .LBB2_15-.Ltmp7, $4  }
0xff: {  	[tilespmem:v8+s13+$0x0] =	vst.idx.msk $0xffff, v6  }
0x100: {  	[tilespmem:v11+s14+$0x0] =	vst.idx.add.s32.msk $0xffff, v2  }
0x101: {  	[tilespmem:v7+s13+$0x0] =	vst.idx.msk $0xffff, v4  }
0x102: {  	s20 =	sadd.s32 $0x200, s20;
	[tilespmem:v5+s14+$0x0] =	vst.idx.add.s32.msk $0xffff, v2  }
0x103: {  	s21 =	simm.s32 $0x19120  }
0x104: {  	v6 =	vld [tilespmem:s21+$0x10];
	_ =	sdelay $0x4  }
0x105: {  	v12 =	vld [tilespmem:s21+$0x0];
	(xrf0) =	vadd.scan.msk.s32 $0xffff, v6  }
0x106: {  	v15 =	vld [tilespmem:s21+$0xFFFFFFE0]  }
0x107: {  	v4 =	vld [tilespmem:s21+$0xFFFFFFF0]  }
0x108: {  	s29 =	simm.s32 $0x3  }
0x109: {  	v14 =	vmov s29  }
0x10a: {  	(xrf0) =	vadd.scan.msk.s32 $0xffff, v12  }
0x10b: {  	s22 =	simm.s32 $0x1;
	s20 =	simm.s32 $0x19160;
	v10 =	vmov s19;
	(xrf0) =	vadd.scan.msk.s32 $0xffff, v15;
	v17, _, _ =	vpop (xrf0)  }
0x10c: {  	v5 =	vmov s22;
	v7 =	vld [tilespmem:s20+$0x10];
	(xrf0) =	vadd.scan.msk.s32 $0xffff, v4;
	v6 =	vsub.s32 v17, v6;
	v17 =	vbroadcast v17, $0xF  }
0x10d: {  	s23 =	simm.s32 $0x2;
	s31 =	simm.s32 $0x6;
	v16 =	vand.u32 $0xFFFFFFFC, v10;
	v9 =	vand.u32 $0xFFFFFFFD, v5;
	v5 =	vld [tilespmem:s20+$0x0];
	[tilespmem:s21+$0x10] =	vst v6  }
0x10e: {  	s30 =	simm.s32 $0x5;
	v8 =	vmov s23;
	v13 =	vmov s31;
	[tilespmem:v14+s12+$0x0] =	vst.idx.msk $0x1, v17;
	v14 =	vld [tilespmem:s20+$0xFFFFFFE0]  }
0x10f: {  	v11 =	vmov s30;
	v10 =	vand.u32 $0xFFFFFFFE, v13;
	v13 =	vbroadcast v16, $0x0  }
0x110: {  	v8 =	vand.u32 $0xFFFFFFFE, v8;
	v11 =	vand.u32 $0xFFFFFFFD, v11;
	v9 =	vbroadcast v9, $0x0;
	v16, _, _ =	vpop (xrf0);
	v6 =	vld [tilespmem:s20+$0xFFFFFFF0]  }
0x111: {  	s19 =	simm.s32 $0x4;
	v8 =	vbroadcast v8, $0x0;
	(xrf0) =	vadd.scan.msk.s32 $0xffff, v7;
	v18 =	vsub.s32 v16, v12;
	v12 =	vbroadcast v16, $0xF;
	v16, _, _ =	vpop (xrf0)  }
0x112: {  	s24 =	simm.s32 $0x7;
	s22 =	simm.s32 $0x8;
	s23 =	simm.s32 $0x191A0;
	(xrf0) =	vadd.scan.msk.s32 $0xffff, v5;
	v17 =	vsub.s32 v16, v15;
	v15 =	vbroadcast v16, $0xF;
	[tilespmem:s21+$0x0] =	vst v18;
	v16, _, _ =	vpop (xrf0)  }
.LBB2_17:
0x113: {  	v19 =	vmov s19;
	(xrf0) =	vadd.scan.msk.s32 $0xffff, v14  }
0x114: {  	v18 =	vld [tilespmem:s23+$0x10];
	p0 =	slt.u32 s22, $0xFC;
	v20 =	vmov s24;
	[tilespmem:s21+$0xFFFFFFE0] =	vst v17;
	v17 =	vmovc v5;
	v21 =	vmovc v14;
	v22 =	vmov v11;
	v23 =	vmov v10;
	s19 =	smov.u32 s22;
	s22 =	sadd.s32 $0x4, s22  }
0x115: {  	v10 =	vsub.s32 v16, v4;
	v4 =	vmovc v6;
	s24 =	sadd.s32 $0x1, s19;
	v5 =	vld [tilespmem:s23+$0x0];
	s25 =	sadd.s32 $0x2, s19;
	(xrf0) =	vadd.scan.msk.s32 $0xffff, v6;
	[tilespmem:v13+s12+$0x0] =	vst.idx.msk $0x1, v15;
	v15 =	vbroadcast v16, $0xF  }
0x116: {  	v19 =	vand.u32 $0xFFFFFFFC, v19;
	v6 =	vld [tilespmem:s23+$0xFFFFFFF0];
	v11 =	vmov s24;
	v13 =	vmov s25;
	[tilespmem:s21+$0xFFFFFFF0] =	vst v10;
	s21 =	smov.u32 s20;
	s20 =	smov.u32 s23  }
.Ltmp8:
0x117: {  	v14 =	vld [tilespmem:s23+$0xFFFFFFE0];
	v11 =	vand.u32 $0xFFFFFFFD, v11;
	v10 =	vand.u32 $0xFFFFFFFE, v13;
	v13 =	vbroadcast v19, $0x0;
	v16, _, _ =	vpop (xrf0);
	[tilespmem:v9+s12+$0x0] =	vst.idx.msk $0x1, v15;
	(pc) =	sbr.rel @p0 .LBB2_17-.Ltmp8, $4  }
0x118: {  	v19 =	vsub.s32 v16, v7;
	v24 =	vbroadcast v16, $0xF;
	[tilespmem:v8+s12+$0x0] =	vst.idx.msk $0x1, v12  }
0x119: {  	v9 =	vbroadcast v22, $0x0;
	v8 =	vbroadcast v23, $0x0;
	(xrf0) =	vadd.scan.msk.s32 $0xffff, v18;
	[tilespmem:s21+$0x10] =	vst v19;
	v7, _, _ =	vpop (xrf0)  }
0x11a: {  	v19 =	vsub.s32 v7, v17;
	v12 =	vbroadcast v7, $0xF;
	[tilespmem:v20+s12+$0x0] =	vst.idx.msk $0x1, v24;
	v15, _, _ =	vpop (xrf0);
	v7 =	vmov v18  }
0x11b: {  	s24 =	sadd.s32 $0x3, s19;
	s23 =	sadd.s32 $0x40, s23;
	(xrf0) =	vadd.scan.msk.s32 $0xffff, v5;
	v17 =	vsub.s32 v15, v21;
	v15 =	vbroadcast v15, $0xF;
	[tilespmem:s21+$0x0] =	vst v19;
	v16, _, _ =	vpop (xrf0)  }
0x11c: {  	_ =	sdelay $0x2  }
0x11d: {  	(xrf0) =	vadd.scan.msk.s32 $0xffff, v14;
	[tilespmem:s21+$0xFFFFFFE0] =	vst v17  }
0x11e: {  	v54 =	vmov s24;
	[tilespmem:v8+s12+$0x0] =	vst.idx.msk $0x1, v12  }
0x11f: {  	v18 =	vmov s19;
	v4 =	vsub.s32 v16, v4;
	v55 =	vbroadcast v16, $0xF;
	[tilespmem:v13+s12+$0x0] =	vst.idx.msk $0x1, v15  }
0x120: {  	v10 =	vbroadcast v10, $0x0;
	(xrf0) =	vadd.scan.msk.s32 $0xffff, v6;
	v56 =	vand.u32 $0xFFFFFFFC, v18;
	[tilespmem:s21+$0xFFFFFFF0] =	vst v4;
	v57, _, _ =	vpop (xrf0)  }
0x121: {  	v4 =	vbroadcast v56, $0x0;
	[tilespmem:v9+s12+$0x0] =	vst.idx.msk $0x1, v55;
	v7 =	vsub.s32 v57, v7;
	v58 =	vbroadcast v57, $0xF  }
0x122: {  	[tilespmem:s20+$0x10] =	vst v7;
	v60, _, _ =	vpop (xrf0)  }
0x123: {  	v59 =	vbroadcast v11, $0x0;
	v5 =	vsub.s32 v60, v5;
	[tilespmem:v54+s12+$0x0] =	vst.idx.msk $0x1, v58;
	v61, _, _ =	vpop (xrf0)  }
0x124: {  	v63 =	vbroadcast v60, $0xF;
	v62 =	vsub.s32 v61, v14;
	[tilespmem:s20+$0x0] =	vst v5  }
0x125: {  	v9 =	vbroadcast v61, $0xF;
	[tilespmem:s20+$0xFFFFFFE0] =	vst v62  }
0x126: {  	[tilespmem:v10+s12+$0x0] =	vst.idx.msk $0x1, v63;
	v5, _, _ =	vpop (xrf0)  }
0x127: {  	[tilespmem:v4+s12+$0x0] =	vst.idx.msk $0x1, v9;
	v4 =	vsub.s32 v5, v6;
	v5 =	vbroadcast v5, $0xF  }
0x128: {  	[tilespmem:s20+$0xFFFFFFF0] =	vst v4  }
0x129: {  	s31 =	simm.s32 $0x0;
	[tilespmem:v59+s12+$0x0] =	vst.idx.msk $0x1, v5  }
0x12a: {  	v4 =	vld [tilespmem:s31+$0x18000];
	_ =	sdelay $0x4  }
0x12b: {  	(xrf0) =	vadd.scan.msk.s32 $0xffff, v4;
	_ =	sdelay $0x5  }
0x12c: {  	v5, _, _ =	vpop (xrf0)  }
0x12d: {  	s21 =	simm.s32 $0x0;
	(v2sf) =	vpush v5, $0xF  }
0x12e: {  	v4 =	vsub.s32 s21, v4  }
0x12f: {  	v4 =	vadd.s32 v5, v4  }
0x130: {  	s19 =	simm.s32 $0x10;
	s22 =	simm.s32 $0x80;
	s20 =	simm.s32 $0x0;
	[tilespmem:s31+$0x18000] =	vst v4  }
.LBB2_19:
0x131: {  	p0 =	sne.s32 s22, $0x3C0;
	v4 =	vld [tilespmem:s19+$0x18000];
	_ =	sdelay $0x4  }
0x132: {  	(xrf0) =	vadd.scan.msk.s32 $0xffff, v4;
	_ =	sdelay $0x5  }
.Ltmp9:
0x133: {  	v5, _, _ =	vpop (xrf0);
	s23 =	spop (v2sf);
	(pc) =	sbr.rel @p0 .LBB2_19-.Ltmp9, $4  }
0x134: {  	(v2sf) =	vpush v5, $0xF;
	s20 =	sadd.s32 s20, s23  }
0x135: {  	v4 =	vsub.s32 s20, v4  }
0x136: {  	v4 =	vadd.s32 v5, v4  }
0x137: {  	[tilespmem:s19+$0x18000] =	vst v4;
	s19 =	sshra.s32 s22, $0x2;
	s22 =	sadd.s32 $0x40, s22  }
0x138: {  	v4 =	vld [tilespmem:s19+$0x18000];
	_ =	sdelay $0x4  }
0x139: {  	(xrf0) =	vadd.scan.msk.s32 $0xffff, v4;
	_ =	sdelay $0x3  }
0x13a: {  	v6 =	vmov s21  }
0x13b: {  	s31 =	simm.s32 $0x3;
	s22 =	simm.s32 $0x1;
	v6 =	vand.u32 $0xFFFFFFFC, v6  }
0x13c: {  	v7 =	vmov s31;
	v8 =	vmov s22;
	s22 =	simm.s32 $0x2;
	v6 =	vbroadcast v6, $0x0;
	v5, _, _ =	vpop (xrf0)  }
0x13d: {  	v8 =	vand.u32 $0xFFFFFFFD, v8;
	v9 =	vmov s22;
	s23 =	spop (v2sf);
	(v2sf) =	vpush v5, $0xF  }
0x13e: {  	v8 =	vbroadcast v8, $0x0;
	v9 =	vand.u32 $0xFFFFFFFE, v9;
	s20 =	sadd.s32 s20, s23  }
0x13f: {  	v9 =	vbroadcast v9, $0x0;
	v4 =	vsub.s32 s20, v4  }
0x140: {  	v4 =	vadd.s32 v5, v4  }
0x141: {  	s24 =	simm.s32 $0x4;
	[tilespmem:s19+$0x18000] =	vst v4  }
0x142: {  	s25 =	simm.s32 $0x5;
	v5 =	vmov s24;
	v4 =	vld.idx.msk [tilespmem:v7+s12+$0x0], $0xffff  }
0x143: {  	v5 =	vand.u32 $0xFFFFFFFC, v5;
	v14 =	vld.idx.msk [tilespmem:v6+s12+$0x0], $0xffff;
	v6 =	vmov s25  }
0x144: {  	s26 =	simm.s32 $0x7;
	s28 =	simm.s32 $0x6;
	v7 =	vld.idx.msk [tilespmem:v8+s12+$0x0], $0xffff;
	v10 =	vbroadcast v5, $0x0;
	v5 =	vand.u32 $0xFFFFFFFD, v6  }
0x145: {  	s19 =	simm.s32 $0x19120;
	v8 =	vmov s26;
	v12 =	vld.idx.msk [tilespmem:v9+s12+$0x0], $0xffff;
	v16 =	vbroadcast v5, $0x0;
	v5 =	vmov s28  }
0x146: {  	v15 =	vld [tilespmem:s19+$0x0];
	v5 =	vand.u32 $0xFFFFFFFE, v5  }
0x147: {  	v17 =	vld [tilespmem:s19+$0xFFFFFFE0];
	v13 =	vbroadcast v5, $0x0  }
0x148: {  	v9 =	vld [tilespmem:s19+$0xFFFFFFF0]  }
0x149: {  	s29 =	simm.s32 $0x8;
	v6 =	vld [tilespmem:s19+$0x10]  }
0x14a: {  	s30 =	simm.s32 $0xB;
	v11 =	vmov s29;
	v5 =	vld.idx.msk [tilespmem:v8+s12+$0x0], $0xffff  }
0x14b: {  	s21 =	simm.s32 $0x9;
	v18 =	vand.u32 $0xFFFFFFFC, v11;
	v11 =	vmov s30;
	s22 =	simm.s32 $0xA;
	v19 =	vadd.s32 v12, v15;
	v8 =	vld.idx.msk [tilespmem:v10+s12+$0x0], $0xffff  }
0x14c: {  	s20 =	simm.s32 $0x19120;
	v12 =	vbroadcast v18, $0x0;
	v15 =	vmov s21;
	s21 =	simm.s32 $0xC;
	v14 =	vadd.s32 v14, v17;
	[tilespmem:s19+$0x0] =	vst v19;
	v10 =	vld.idx.msk [tilespmem:v16+s12+$0x0], $0xffff;
	s31 =	spop (v2sf)  }
.LBB2_21:
0x14d: {  	p0 =	slt.u32 s21, $0xFC;
	v15 =	vand.u32 $0xFFFFFFFD, v15;
	v16 =	vmov s22;
	v17 =	vld.idx.msk [tilespmem:v13+s12+$0x0], $0xffff;
	[tilespmem:s19+$0xFFFFFFE0] =	vst v14;
	v7 =	vadd.s32 v7, v9;
	s20 =	sadd.s32 $0x40, s20  }
0x14e: {  	v14 =	vbroadcast v15, $0x0;
	v9 =	vand.u32 $0xFFFFFFFE, v16;
	v15 =	vld [tilespmem:s20+$0x0];
	[tilespmem:s19+$0xFFFFFFF0] =	vst v7;
	v6 =	vadd.s32 v4, v6  }
0x14f: {  	v13 =	vbroadcast v9, $0x0;
	v16 =	vld [tilespmem:s20+$0xFFFFFFE0];
	[tilespmem:s19+$0x10] =	vst v6;
	s19 =	smov.u32 s20  }
.Ltmp10:
0x150: {  	v4 =	vmov v5;
	v9 =	vld [tilespmem:s20+$0xFFFFFFF0];
	(pc) =	sbr.rel @p0 .LBB2_21-.Ltmp10, $4  }
0x151: {  	v18 =	vmov v8;
	v6 =	vld [tilespmem:s20+$0x10]  }
0x152: {  	s22 =	sadd.s32 $0x3, s21;
	v8 =	vmov s21;
	v7 =	vmov v10;
	v5 =	vld.idx.msk [tilespmem:v11+s12+$0x0], $0xffff  }
0x153: {  	s23 =	sadd.s32 $0x1, s21;
	v10 =	vand.u32 $0xFFFFFFFC, v8;
	v11 =	vmov s22;
	v8 =	vld.idx.msk [tilespmem:v12+s12+$0x0], $0xffff;
	v17 =	vadd.s32 v17, v15  }
0x154: {  	s22 =	sadd.s32 $0x2, s21;
	s21 =	sadd.s32 $0x4, s21;
	v12 =	vbroadcast v10, $0x0;
	v15 =	vmov s23;
	v10 =	vld.idx.msk [tilespmem:v14+s12+$0x0], $0xffff;
	v14 =	vadd.s32 v18, v16;
	[tilespmem:s20+$0x0] =	vst v17  }
0x155: {  	_ =	sdelay $0x3  }
0x156: {  	v13 =	vld.idx.msk [tilespmem:v13+s12+$0x0], $0xffff  }
0x157: {  	s20 =	sadd.s32 $0x40, s20;
	v11 =	vld.idx.msk [tilespmem:v11+s12+$0x0], $0xffff  }
0x158: {  	v15 =	vand.u32 $0xFFFFFFFD, v15;
	v17 =	vld [tilespmem:s20+$0x0]  }
0x159: {  	v16 =	vmov s22;
	v15 =	vbroadcast v15, $0x0;
	v18 =	vld [tilespmem:s20+$0xFFFFFFE0]  }
0x15a: {  	v16 =	vand.u32 $0xFFFFFFFE, v16;
	v19 =	vld [tilespmem:s20+$0xFFFFFFF0]  }
0x15b: {  	v20 =	vld [tilespmem:s20+$0x10];
	v16 =	vbroadcast v16, $0x0  }
0x15c: {  	v12 =	vld.idx.msk [tilespmem:v12+s12+$0x0], $0xffff;
	s21 =	sadd.s32 $0x40, s20  }
0x15d: {  	v59 =	vld [tilespmem:s21+$0x0]  }
0x15e: {  	[tilespmem:s19+$0xFFFFFFE0] =	vst v14;
	v4 =	vadd.s32 v4, v6;
	v60 =	vld [tilespmem:s21+$0xFFFFFFE0]  }
0x15f: {  	[tilespmem:s19+$0x10] =	vst v4;
	v4 =	vadd.s32 v13, v17;
	v15 =	vld.idx.msk [tilespmem:v15+s12+$0x0], $0xffff  }
0x160: {  	v7 =	vadd.s32 v7, v9;
	[tilespmem:s20+$0x0] =	vst v4;
	v4 =	vld [tilespmem:s21+$0xFFFFFFF0]  }
0x161: {  	[tilespmem:s19+$0xFFFFFFF0] =	vst v7;
	v8 =	vadd.s32 v8, v18;
	v58 =	vld.idx.msk [tilespmem:v16+s12+$0x0], $0xffff  }
0x162: {  	v62 =	vld [tilespmem:s21+$0x10];
	v61 =	vadd.s32 v10, v19;
	[tilespmem:s20+$0xFFFFFFE0] =	vst v8  }
0x163: {  	v5 =	vadd.s32 v5, v20;
	[tilespmem:s20+$0xFFFFFFF0] =	vst v61  }
0x164: {  	[tilespmem:s20+$0x10] =	vst v5;
	v63 =	vadd.s32 v12, v60  }
0x165: {  	[tilespmem:s21+$0xFFFFFFE0] =	vst v63;
	v4 =	vadd.s32 v15, v4  }
0x166: {  	p0 =	por $0x1, $0x1;
	v5 =	vadd.s32 v58, v59;
	[tilespmem:s21+$0xFFFFFFF0] =	vst v4  }
.Ltmp11:
0x167: {  	v4 =	vadd.s32 v11, v62;
	[tilespmem:s21+$0x0] =	vst v5;
	(pc) =	sbr.rel @!p0 .LBB2_24-.Ltmp11, $4  }
0x168: {  	s19 =	simm.s32 $0x18120;
	[tilespmem:s21+$0x10] =	vst v4  }
0x169: {  	[tilespmem:s19+$0xFFFFFFE0] =	vst v0  }
0x16a: {  	[tilespmem:s19+$0x10] =	vst v0  }
0x16b: {  	s20 =	simm.s32 $0x0;
	[tilespmem:s19+$0x0] =	vst v0  }
.LBB2_23:
0x16c: {  	s20 =	sadd.s32 $0x4, s20  }
0x16d: {  	[tilespmem:s19+$0xFFFFFFF0] =	vst v0;
	s19 =	sadd.s32 $0x40, s19;
	p0 =	slt.u32 s20, $0xFC  }
.Ltmp12:
0x16e: {  	[tilespmem:s19+$0xFFFFFFE0] =	vst v0;
	(pc) =	sbr.rel @p0 .LBB2_23-.Ltmp12, $3  }
0x16f: {  	_ =	sdelay $0x1  }
0x170: {  	[tilespmem:s19+$0x10] =	vst v0  }
0x171: {  	[tilespmem:s19+$0x0] =	vst v0  }
.LBB2_24:
0x172: {  	[tilespmem:s19+$0xFFFFFFF0] =	vst v0;
	s19 =	simm.s32 $0x0;
	s20 =	simm.s32 $0x0  }
.LBB2_25:
0x173: {  	s21 =	sshra.s32 s20, $0x2  }
0x174: {  	v11 =	vld [tilespmem:s21+$0x8000]  }
0x175: {  	v10 =	vld [tilespmem:s21+$0x8010]  }
0x176: {  	v9 =	vld [tilespmem:s21+$0x8020]  }
0x177: {  	v8 =	vld [tilespmem:s21+$0x8030]  }
0x178: {  	v7 =	vld [tilespmem:s21+$0x8040]  }
0x179: {  	v5 =	vld [tilespmem:s21+$0x8050]  }
0x17a: {  	v4 =	vld [tilespmem:s21+$0x8060]  }
0x17b: {  	v6 =	vld [tilespmem:s21+$0x8070];
	_ =	sdelay $0x2  }
0x17c: {  	v12 =	vshrl.u32 v11, $0x4;
	v14 =	vshrl.u32 v10, $0x4  }
0x17d: {  	v18 =	vshrl.u32 v9, $0x4;
	v19 =	vshrl.u32 v8, $0x4;
	v22 =	vshrl.u32 v7, $0x4  }
0x17e: {  	v27 =	vshrl.u32 v5, $0x4;
	v28 =	vshrl.u32 v4, $0x4;
	v31 =	vshrl.u32 v6, $0x4  }
0x17f: {  	v13 =	vand.u32 $0xFF0, v12;
	v16 =	vand.u32 $0xFF0, v14;
	v20 =	vand.u32 $0xFF0, v18  }
0x180: {  	v21 =	vand.u32 $0xFF0, v19;
	v25 =	vand.u32 $0xFF0, v22;
	v29 =	vand.u32 $0xFF0, v27  }
0x181: {  	v30 =	vand.u32 $0xFF0, v28;
	v34 =	vand.u32 $0xFF0, v31;
	v12 =	vand.u32 $0xF80, v12  }
0x182: {  	v14 =	vand.u32 $0xF80, v14;
	v37 =	vand.u32 $0xF80, v18;
	v39 =	vand.u32 $0xF80, v19  }
0x183: {  	v41 =	vand.u32 $0xF80, v22;
	v43 =	vand.u32 $0xF80, v27;
	v45 =	vand.u32 $0xF80, v28  }
0x184: {  	v51 =	vand.u32 $0xF80, v31;
	v15 =	vor.u32 v1, v13;
	v17 =	vor.u32 v1, v16  }
0x185: {  	v23 =	vor.u32 v1, v20;
	v24 =	vor.u32 v1, v21;
	v26 =	vor.u32 v1, v25  }
0x186: {  	v32 =	vor.u32 v1, v29;
	v33 =	vor.u32 v1, v30;
	v35 =	vor.u32 v1, v34  }
0x187: {  	vm0 =	veq.s32 v13, v16;
	vm13 =	veq.s32 v13, v20;
	vm14 =	veq.s32 v16, v20  }
0x188: {  	vm15 =	veq.s32 v13, v21;
	vm4 =	veq.s32 v16, v21;
	vm5 =	veq.s32 v20, v21  }
0x189: {  	vm6 =	veq.s32 v13, v25;
	vm7 =	veq.s32 v16, v25;
	vm8 =	veq.s32 v20, v25  }
0x18a: {  	vm9 =	veq.s32 v21, v25;
	vm10 =	veq.s32 v13, v29;
	vm11 =	veq.s32 v16, v29  }
0x18b: {  	vm12 =	veq.s32 v20, v29;
	v15 =	vand.u32 $0x7F, v15;
	v36 =	vand.u32 $0x7F, v17  }
0x18c: {  	v38 =	vand.u32 $0x7F, v23;
	v40 =	vand.u32 $0x7F, v24;
	v42 =	vand.u32 $0x7F, v26  }
0x18d: {  	v44 =	vand.u32 $0x7F, v32;
	v47 =	vand.u32 $0x7F, v33;
	v48 =	vsel vm0, $0x1, v0  }
0x18e: {  	v49 =	vsel vm13, $0x1, v0;
	v52 =	vsel vm14, $0x1, v0;
	v53 =	vand.u32 $0x7F, v35  }
0x18f: {  	v54 =	vsel vm15, $0x1, v0;
	v55 =	vsel vm4, $0x1, v0;
	v57 =	vsel vm5, $0x1, v0  }
0x190: {  	v58 =	vsel vm6, $0x1, v0;
	v59 =	vsel vm7, $0x1, v0;
	v60 =	vsel vm8, $0x1, v0  }
0x191: {  	v61 =	vsel vm9, $0x1, v0;
	v62 =	vsel vm10, $0x1, v0;
	v63 =	vsel vm11, $0x1, v0  }
0x192: {  	vm13 =	veq.s32 v21, v29;
	vm14 =	veq.s32 v25, v29;
	vm15 =	veq.s32 v13, v30  }
0x193: {  	vm4 =	veq.s32 v16, v30;
	vm5 =	veq.s32 v20, v30;
	vm6 =	veq.s32 v21, v30  }
0x194: {  	vm7 =	veq.s32 v25, v30;
	vm8 =	veq.s32 v29, v30;
	vm9 =	veq.s32 v13, v34  }
0x195: {  	vm10 =	veq.s32 v16, v34;
	vm11 =	veq.s32 v20, v34;
	v12 =	vor.u32 v12, v15  }
0x196: {  	v14 =	vor.u32 v14, v36;
	v15 =	vor.u32 v37, v38;
	v17 =	vor.u32 v39, v40  }
0x197: {  	v18 =	vor.u32 v41, v42;
	v19 =	vor.u32 v43, v44;
	v22 =	vor.u32 v45, v47  }
0x198: {  	v28 =	vor.u32 v51, v53;
	v24 =	vadd.s32 v49, v52;
	v32 =	vadd.s32 v54, v55  }
0x199: {  	v27 =	vadd.s32 v58, v59;
	v40 =	vsel vm12, $0x1, v0;
	v41 =	vsel vm13, $0x1, v0  }
0x19a: {  	v42 =	vsel vm14, $0x1, v0;
	v31 =	vadd.s32 v62, v63;
	v43 =	vsel vm15, $0x1, v0  }
0x19b: {  	v44 =	vsel vm4, $0x1, v0;
	v45 =	vsel vm5, $0x1, v0;
	v37 =	vsel vm7, $0x1, v0  }
0x19c: {  	v47 =	vsel vm8, $0x1, v0;
	v49 =	vsel vm9, $0x1, v0;
	v51 =	vsel vm10, $0x1, v0  }
0x19d: {  	v53 =	vsel vm11, $0x1, v0;
	vm12 =	veq.s32 v21, v34;
	vm13 =	veq.s32 v25, v34;
	v46 =	vld.idx.msk [tilespmem:v14+s14+$0x0], $0xffff  }
0x19e: {  	vm14 =	veq.s32 v29, v34;
	vm15 =	veq.s32 v30, v34;
	v59 =	vshrl.u32 v11, $0xC;
	v50 =	vld.idx.msk [tilespmem:v15+s14+$0x0], $0xffff  }
0x19f: {  	v34 =	vshrl.u32 v9, $0xC;
	v38 =	vshrl.u32 v8, $0xC;
	v26 =	vadd.s32 v57, v32;
	v56 =	vld.idx.msk [tilespmem:v17+s14+$0x0], $0xffff  }
0x1a0: {  	v27 =	vadd.s32 v60, v27;
	v31 =	vadd.s32 v40, v31;
	v33 =	vadd.s32 v43, v44;
	v36 =	vld.idx.msk [tilespmem:v18+s14+$0x0], $0xffff  }
0x1a1: {  	v54 =	vadd.s32 v49, v51;
	v25 =	vsel vm13, $0x1, v0;
	v29 =	vsel vm14, $0x1, v0  }
0x1a2: {  	v30 =	vsel vm15, $0x1, v0;
	v27 =	vadd.s32 v61, v27;
	v31 =	vadd.s32 v41, v31  }
0x1a3: {  	v32 =	vadd.s32 v45, v33;
	v21 =	vadd.s32 v53, v54;
	v61 =	vand.u32 $0xFF0, v59  }
0x1a4: {  	v45 =	vshrl.u32 v7, $0xC;
	v31 =	vadd.s32 v42, v31;
	v23 =	vadd.s32 v48, v46  }
0x1a5: {  	v24 =	vadd.s32 v50, v24;
	v26 =	vadd.s32 v56, v26;
	v27 =	vadd.s32 v36, v27;
	v48 =	vld.idx.msk [tilespmem:v12+s14+$0x0], $0xffff  }
0x1a6: {  	v52 =	vld.idx.msk [tilespmem:v22+s14+$0x0], $0xffff;
	v46 =	vsel vm6, $0x1, v0;
	v56 =	vsel vm12, $0x1, v0;
	v36 =	vand.u32 $0xFF0, v34  }
0x1a7: {  	v55 =	vld.idx.msk [tilespmem:v28+s14+$0x0], $0xffff;
	v32 =	vadd.s32 v46, v32;
	v21 =	vadd.s32 v56, v21;
	v62 =	vshll.u32 v23, $0x4  }
0x1a8: {  	v50 =	vld.idx.msk [tilespmem:v19+s14+$0x0], $0xffff;
	v63 =	vshrl.u32 v23, $0xB;
	v33 =	vshrl.u32 v24, $0xB;
	v39 =	vshrl.u32 v26, $0xB  }
0x1a9: {  	[tilespmem:v12+s14+$0x0] =	vst.idx.add.s32.msk $0xffff, v2;
	v42 =	vshll.u32 v27, $0x4;
	v44 =	vshrl.u32 v27, $0xB;
	v32 =	vadd.s32 v37, v32  }
0x1aa: {  	[tilespmem:v14+s14+$0x0] =	vst.idx.add.s32.msk $0xffff, v2;
	v21 =	vadd.s32 v25, v21;
	v14 =	vand.u32 $0x7FF0, v62;
	v58 =	vshll.u32 v48, $0x4  }
0x1ab: {  	[tilespmem:v15+s14+$0x0] =	vst.idx.add.s32.msk $0xffff, v2;
	v21 =	vadd.s32 v29, v21;
	v13 =	vshrl.u32 v48, $0xB;
	v60 =	vand.u32 $0x7FF0, v58  }
0x1ac: {  	v43 =	vand.u32 $0x7FF0, v42;
	[tilespmem:v17+s14+$0x0] =	vst.idx.add.s32.msk $0xffff, v2;
	v14 =	vor.u32 v63, v14;
	v12 =	vor.u32 v13, v60  }
0x1ad: {  	v29 =	vshrl.u32 v10, $0xC;
	v21 =	vadd.s32 v30, v21;
	[tilespmem:v18+s14+$0x0] =	vst.idx.add.s32.msk $0xffff, v2;
	v13 =	vor.u32 v61, v13  }
0x1ae: {  	v30 =	vand.u32 $0xFF0, v29;
	v16 =	vadd.s32 v50, v31;
	v31 =	vshll.u32 v24, $0x4;
	[tilespmem:v19+s14+$0x0] =	vst.idx.add.s32.msk $0xffff, v2  }
0x1af: {  	v57 =	vadd.s32 v47, v32;
	v15 =	vor.u32 v30, v63;
	v32 =	vand.u32 $0x7FF0, v31;
	[tilespmem:v22+s14+$0x0] =	vst.idx.add.s32.msk $0xffff, v2  }
0x1b0: {  	v37 =	vshll.u32 v26, $0x4;
	v46 =	vor.u32 v44, v43;
	v35 =	vor.u32 v33, v32;
	[tilespmem:v28+s14+$0x0] =	vst.idx.add.s32.msk $0xffff, v2  }
0x1b1: {  	v47 =	vand.u32 $0xFF0, v45;
	v18 =	vor.u32 v36, v33;
	v19 =	vand.u32 $0x7FF0, v37;
	[tilespmem:v12+s19+$0x0] =	vst.idx.msk $0xffff, v11  }
0x1b2: {  	v20 =	vadd.s32 v52, v57;
	v22 =	vand.u32 $0xFF0, v38;
	v40 =	vor.u32 v39, v19;
	[tilespmem:v13+s11+$0x0] =	vst.idx.add.s32.msk $0xffff, v2  }
0x1b3: {  	v62 =	vshrl.u32 v6, $0xC;
	v51 =	vor.u32 v47, v44;
	v41 =	vor.u32 v22, v39;
	[tilespmem:v14+s19+$0x0] =	vst.idx.msk $0xffff, v10  }
0x1b4: {  	v21 =	vadd.s32 v55, v21;
	v50 =	vshrl.u32 v5, $0xC;
	v48 =	vshll.u32 v16, $0x4;
	[tilespmem:v15+s11+$0x0] =	vst.idx.add.s32.msk $0xffff, v2  }
0x1b5: {  	v54 =	vshll.u32 v20, $0x4;
	v49 =	vshrl.u32 v16, $0xB;
	v14 =	vand.u32 $0x7FF0, v48;
	[tilespmem:v35+s19+$0x0] =	vst.idx.msk $0xffff, v9  }
0x1b6: {  	v55 =	vshrl.u32 v4, $0xC;
	v53 =	vand.u32 $0xFF0, v50;
	v52 =	vor.u32 v49, v14;
	[tilespmem:v18+s11+$0x0] =	vst.idx.add.s32.msk $0xffff, v2  }
0x1b7: {  	v57 =	vshrl.u32 v20, $0xB;
	v56 =	vand.u32 $0x7FF0, v54;
	v14 =	vor.u32 v53, v49;
	[tilespmem:v40+s19+$0x0] =	vst.idx.msk $0xffff, v8  }
0x1b8: {  	v58 =	vand.u32 $0xFF0, v55;
	v59 =	vshll.u32 v21, $0x4;
	v8 =	vor.u32 v57, v56;
	[tilespmem:v41+s11+$0x0] =	vst.idx.add.s32.msk $0xffff, v2  }
0x1b9: {  	v60 =	vand.u32 $0x7FF0, v59;
	v61 =	vshrl.u32 v21, $0xB;
	v11 =	vor.u32 v58, v57;
	[tilespmem:v46+s19+$0x0] =	vst.idx.msk $0xffff, v7  }
0x1ba: {  	v63 =	vand.u32 $0xFF0, v62;
	v7 =	vor.u32 v61, v60;
	[tilespmem:v51+s11+$0x0] =	vst.idx.add.s32.msk $0xffff, v2  }
0x1bb: {  	p0 =	sne.s32 s20, $0x1FE00;
	[tilespmem:v52+s19+$0x0] =	vst.idx.msk $0xffff, v5;
	v5 =	vor.u32 v63, v61  }
.Ltmp13:
0x1bc: {  	[tilespmem:v14+s11+$0x0] =	vst.idx.add.s32.msk $0xffff, v2;
	(pc) =	sbr.rel @p0 .LBB2_25-.Ltmp13, $4  }
0x1bd: {  	[tilespmem:v8+s19+$0x0] =	vst.idx.msk $0xffff, v4  }
0x1be: {  	[tilespmem:v11+s11+$0x0] =	vst.idx.add.s32.msk $0xffff, v2  }
0x1bf: {  	[tilespmem:v7+s19+$0x0] =	vst.idx.msk $0xffff, v6  }
0x1c0: {  	s20 =	sadd.s32 $0x200, s20;
	[tilespmem:v5+s11+$0x0] =	vst.idx.add.s32.msk $0xffff, v2  }
0x1c1: {  	s21 =	simm.s32 $0x18120  }
0x1c2: {  	v6 =	vld [tilespmem:s21+$0x10];
	_ =	sdelay $0x4  }
0x1c3: {  	v12 =	vld [tilespmem:s21+$0x0];
	(xrf0) =	vadd.scan.msk.s32 $0xffff, v6  }
0x1c4: {  	v15 =	vld [tilespmem:s21+$0xFFFFFFE0]  }
0x1c5: {  	v4 =	vld [tilespmem:s21+$0xFFFFFFF0]  }
0x1c6: {  	s29 =	simm.s32 $0x3  }
0x1c7: {  	v14 =	vmov s29  }
0x1c8: {  	(xrf0) =	vadd.scan.msk.s32 $0xffff, v12  }
0x1c9: {  	s22 =	simm.s32 $0x1;
	s20 =	simm.s32 $0x18160;
	v10 =	vmov s19;
	(xrf0) =	vadd.scan.msk.s32 $0xffff, v15;
	v17, _, _ =	vpop (xrf0)  }
0x1ca: {  	v5 =	vmov s22;
	v7 =	vld [tilespmem:s20+$0x10];
	(xrf0) =	vadd.scan.msk.s32 $0xffff, v4;
	v6 =	vsub.s32 v17, v6;
	v17 =	vbroadcast v17, $0xF  }
0x1cb: {  	s23 =	simm.s32 $0x2;
	s31 =	simm.s32 $0x6;
	v16 =	vand.u32 $0xFFFFFFFC, v10;
	v9 =	vand.u32 $0xFFFFFFFD, v5;
	v5 =	vld [tilespmem:s20+$0x0];
	[tilespmem:s21+$0x10] =	vst v6  }
0x1cc: {  	s30 =	simm.s32 $0x5;
	v8 =	vmov s23;
	v13 =	vmov s31;
	[tilespmem:v14+s12+$0x0] =	vst.idx.msk $0x1, v17;
	v14 =	vld [tilespmem:s20+$0xFFFFFFE0]  }
0x1cd: {  	v11 =	vmov s30;
	v10 =	vand.u32 $0xFFFFFFFE, v13;
	v13 =	vbroadcast v16, $0x0  }
0x1ce: {  	v8 =	vand.u32 $0xFFFFFFFE, v8;
	v11 =	vand.u32 $0xFFFFFFFD, v11;
	v9 =	vbroadcast v9, $0x0;
	v16, _, _ =	vpop (xrf0);
	v6 =	vld [tilespmem:s20+$0xFFFFFFF0]  }
0x1cf: {  	s19 =	simm.s32 $0x4;
	v8 =	vbroadcast v8, $0x0;
	(xrf0) =	vadd.scan.msk.s32 $0xffff, v7;
	v18 =	vsub.s32 v16, v12;
	v12 =	vbroadcast v16, $0xF;
	v16, _, _ =	vpop (xrf0)  }
0x1d0: {  	s24 =	simm.s32 $0x7;
	s22 =	simm.s32 $0x8;
	s23 =	simm.s32 $0x181A0;
	(xrf0) =	vadd.scan.msk.s32 $0xffff, v5;
	v17 =	vsub.s32 v16, v15;
	v15 =	vbroadcast v16, $0xF;
	[tilespmem:s21+$0x0] =	vst v18;
	v16, _, _ =	vpop (xrf0)  }
.LBB2_27:
0x1d1: {  	v19 =	vmov s19;
	(xrf0) =	vadd.scan.msk.s32 $0xffff, v14  }
0x1d2: {  	v18 =	vld [tilespmem:s23+$0x10];
	p0 =	slt.u32 s22, $0xFC;
	v20 =	vmov s24;
	[tilespmem:s21+$0xFFFFFFE0] =	vst v17;
	v17 =	vmovc v5;
	v21 =	vmovc v14;
	v22 =	vmov v11;
	v23 =	vmov v10;
	s19 =	smov.u32 s22;
	s22 =	sadd.s32 $0x4, s22  }
0x1d3: {  	v10 =	vsub.s32 v16, v4;
	v4 =	vmovc v6;
	s24 =	sadd.s32 $0x1, s19;
	v5 =	vld [tilespmem:s23+$0x0];
	s25 =	sadd.s32 $0x2, s19;
	(xrf0) =	vadd.scan.msk.s32 $0xffff, v6;
	[tilespmem:v13+s12+$0x0] =	vst.idx.msk $0x1, v15;
	v15 =	vbroadcast v16, $0xF  }
0x1d4: {  	v19 =	vand.u32 $0xFFFFFFFC, v19;
	v6 =	vld [tilespmem:s23+$0xFFFFFFF0];
	v11 =	vmov s24;
	v13 =	vmov s25;
	[tilespmem:s21+$0xFFFFFFF0] =	vst v10;
	s21 =	smov.u32 s20;
	s20 =	smov.u32 s23  }
.Ltmp14:
0x1d5: {  	v14 =	vld [tilespmem:s23+$0xFFFFFFE0];
	v11 =	vand.u32 $0xFFFFFFFD, v11;
	v10 =	vand.u32 $0xFFFFFFFE, v13;
	v13 =	vbroadcast v19, $0x0;
	v16, _, _ =	vpop (xrf0);
	[tilespmem:v9+s12+$0x0] =	vst.idx.msk $0x1, v15;
	(pc) =	sbr.rel @p0 .LBB2_27-.Ltmp14, $4  }
0x1d6: {  	v19 =	vsub.s32 v16, v7;
	v24 =	vbroadcast v16, $0xF;
	[tilespmem:v8+s12+$0x0] =	vst.idx.msk $0x1, v12  }
0x1d7: {  	v9 =	vbroadcast v22, $0x0;
	v8 =	vbroadcast v23, $0x0;
	(xrf0) =	vadd.scan.msk.s32 $0xffff, v18;
	[tilespmem:s21+$0x10] =	vst v19;
	v7, _, _ =	vpop (xrf0)  }
0x1d8: {  	v19 =	vsub.s32 v7, v17;
	v12 =	vbroadcast v7, $0xF;
	[tilespmem:v20+s12+$0x0] =	vst.idx.msk $0x1, v24;
	v15, _, _ =	vpop (xrf0);
	v7 =	vmov v18  }
0x1d9: {  	s24 =	sadd.s32 $0x3, s19;
	s23 =	sadd.s32 $0x40, s23;
	(xrf0) =	vadd.scan.msk.s32 $0xffff, v5;
	v17 =	vsub.s32 v15, v21;
	v15 =	vbroadcast v15, $0xF;
	[tilespmem:s21+$0x0] =	vst v19;
	v16, _, _ =	vpop (xrf0)  }
0x1da: {  	_ =	sdelay $0x2  }
0x1db: {  	(xrf0) =	vadd.scan.msk.s32 $0xffff, v14;
	[tilespmem:s21+$0xFFFFFFE0] =	vst v17  }
0x1dc: {  	v54 =	vmov s24;
	[tilespmem:v8+s12+$0x0] =	vst.idx.msk $0x1, v12  }
0x1dd: {  	v18 =	vmov s19;
	v4 =	vsub.s32 v16, v4;
	v55 =	vbroadcast v16, $0xF;
	[tilespmem:v13+s12+$0x0] =	vst.idx.msk $0x1, v15  }
0x1de: {  	v10 =	vbroadcast v10, $0x0;
	(xrf0) =	vadd.scan.msk.s32 $0xffff, v6;
	v56 =	vand.u32 $0xFFFFFFFC, v18;
	[tilespmem:s21+$0xFFFFFFF0] =	vst v4;
	v57, _, _ =	vpop (xrf0)  }
0x1df: {  	v4 =	vbroadcast v56, $0x0;
	[tilespmem:v9+s12+$0x0] =	vst.idx.msk $0x1, v55;
	v7 =	vsub.s32 v57, v7;
	v58 =	vbroadcast v57, $0xF  }
0x1e0: {  	[tilespmem:s20+$0x10] =	vst v7;
	v60, _, _ =	vpop (xrf0)  }
0x1e1: {  	v59 =	vbroadcast v11, $0x0;
	v5 =	vsub.s32 v60, v5;
	[tilespmem:v54+s12+$0x0] =	vst.idx.msk $0x1, v58;
	v61, _, _ =	vpop (xrf0)  }
0x1e2: {  	v63 =	vbroadcast v60, $0xF;
	v62 =	vsub.s32 v61, v14;
	[tilespmem:s20+$0x0] =	vst v5  }
0x1e3: {  	v9 =	vbroadcast v61, $0xF;
	[tilespmem:s20+$0xFFFFFFE0] =	vst v62  }
0x1e4: {  	[tilespmem:v10+s12+$0x0] =	vst.idx.msk $0x1, v63;
	v5, _, _ =	vpop (xrf0)  }
0x1e5: {  	[tilespmem:v4+s12+$0x0] =	vst.idx.msk $0x1, v9;
	v4 =	vsub.s32 v5, v6;
	v5 =	vbroadcast v5, $0xF  }
0x1e6: {  	[tilespmem:s20+$0xFFFFFFF0] =	vst v4  }
0x1e7: {  	s31 =	simm.s32 $0x0;
	[tilespmem:v59+s12+$0x0] =	vst.idx.msk $0x1, v5  }
0x1e8: {  	v4 =	vld [tilespmem:s31+$0x18000];
	_ =	sdelay $0x4  }
0x1e9: {  	(xrf0) =	vadd.scan.msk.s32 $0xffff, v4;
	_ =	sdelay $0x5  }
0x1ea: {  	v5, _, _ =	vpop (xrf0)  }
0x1eb: {  	s21 =	simm.s32 $0x0;
	(v2sf) =	vpush v5, $0xF  }
0x1ec: {  	v4 =	vsub.s32 s21, v4  }
0x1ed: {  	v4 =	vadd.s32 v5, v4  }
0x1ee: {  	s19 =	simm.s32 $0x10;
	s22 =	simm.s32 $0x80;
	s20 =	simm.s32 $0x0;
	[tilespmem:s31+$0x18000] =	vst v4  }
.LBB2_29:
0x1ef: {  	p0 =	sne.s32 s22, $0x3C0;
	v4 =	vld [tilespmem:s19+$0x18000];
	_ =	sdelay $0x4  }
0x1f0: {  	(xrf0) =	vadd.scan.msk.s32 $0xffff, v4;
	_ =	sdelay $0x5  }
.Ltmp15:
0x1f1: {  	v5, _, _ =	vpop (xrf0);
	s23 =	spop (v2sf);
	(pc) =	sbr.rel @p0 .LBB2_29-.Ltmp15, $4  }
0x1f2: {  	(v2sf) =	vpush v5, $0xF;
	s20 =	sadd.s32 s20, s23  }
0x1f3: {  	v4 =	vsub.s32 s20, v4  }
0x1f4: {  	v4 =	vadd.s32 v5, v4  }
0x1f5: {  	[tilespmem:s19+$0x18000] =	vst v4;
	s19 =	sshra.s32 s22, $0x2;
	s22 =	sadd.s32 $0x40, s22  }
0x1f6: {  	v4 =	vld [tilespmem:s19+$0x18000];
	_ =	sdelay $0x4  }
0x1f7: {  	(xrf0) =	vadd.scan.msk.s32 $0xffff, v4;
	_ =	sdelay $0x3  }
0x1f8: {  	v6 =	vmov s21  }
0x1f9: {  	s31 =	simm.s32 $0x3;
	s22 =	simm.s32 $0x1;
	v6 =	vand.u32 $0xFFFFFFFC, v6  }
0x1fa: {  	v7 =	vmov s31;
	v8 =	vmov s22;
	s22 =	simm.s32 $0x2;
	v6 =	vbroadcast v6, $0x0;
	v5, _, _ =	vpop (xrf0)  }
0x1fb: {  	v8 =	vand.u32 $0xFFFFFFFD, v8;
	v9 =	vmov s22;
	s23 =	spop (v2sf);
	(v2sf) =	vpush v5, $0xF  }
0x1fc: {  	v8 =	vbroadcast v8, $0x0;
	v9 =	vand.u32 $0xFFFFFFFE, v9;
	s20 =	sadd.s32 s20, s23  }
0x1fd: {  	v9 =	vbroadcast v9, $0x0;
	v4 =	vsub.s32 s20, v4  }
0x1fe: {  	v4 =	vadd.s32 v5, v4  }
0x1ff: {  	s24 =	simm.s32 $0x4;
	[tilespmem:s19+$0x18000] =	vst v4  }
0x200: {  	s25 =	simm.s32 $0x5;
	v5 =	vmov s24;
	v4 =	vld.idx.msk [tilespmem:v7+s12+$0x0], $0xffff  }
0x201: {  	v5 =	vand.u32 $0xFFFFFFFC, v5;
	v14 =	vld.idx.msk [tilespmem:v6+s12+$0x0], $0xffff;
	v6 =	vmov s25  }
0x202: {  	s26 =	simm.s32 $0x7;
	s28 =	simm.s32 $0x6;
	v7 =	vld.idx.msk [tilespmem:v8+s12+$0x0], $0xffff;
	v10 =	vbroadcast v5, $0x0;
	v5 =	vand.u32 $0xFFFFFFFD, v6  }
0x203: {  	s19 =	simm.s32 $0x18120;
	v8 =	vmov s26;
	v12 =	vld.idx.msk [tilespmem:v9+s12+$0x0], $0xffff;
	v16 =	vbroadcast v5, $0x0;
	v5 =	vmov s28  }
0x204: {  	v15 =	vld [tilespmem:s19+$0x0];
	v5 =	vand.u32 $0xFFFFFFFE, v5  }
0x205: {  	v17 =	vld [tilespmem:s19+$0xFFFFFFE0];
	v13 =	vbroadcast v5, $0x0  }
0x206: {  	v9 =	vld [tilespmem:s19+$0xFFFFFFF0]  }
0x207: {  	s29 =	simm.s32 $0x8;
	v6 =	vld [tilespmem:s19+$0x10]  }
0x208: {  	s30 =	simm.s32 $0xB;
	v11 =	vmov s29;
	v5 =	vld.idx.msk [tilespmem:v8+s12+$0x0], $0xffff  }
0x209: {  	s21 =	simm.s32 $0x9;
	v18 =	vand.u32 $0xFFFFFFFC, v11;
	v11 =	vmov s30;
	s22 =	simm.s32 $0xA;
	v19 =	vadd.s32 v12, v15;
	v8 =	vld.idx.msk [tilespmem:v10+s12+$0x0], $0xffff  }
0x20a: {  	s20 =	simm.s32 $0x18120;
	v12 =	vbroadcast v18, $0x0;
	v15 =	vmov s21;
	s21 =	simm.s32 $0xC;
	v14 =	vadd.s32 v14, v17;
	[tilespmem:s19+$0x0] =	vst v19;
	v10 =	vld.idx.msk [tilespmem:v16+s12+$0x0], $0xffff;
	s31 =	spop (v2sf)  }
.LBB2_31:
0x20b: {  	p0 =	slt.u32 s21, $0xFC;
	v15 =	vand.u32 $0xFFFFFFFD, v15;
	v16 =	vmov s22;
	v17 =	vld.idx.msk [tilespmem:v13+s12+$0x0], $0xffff;
	[tilespmem:s19+$0xFFFFFFE0] =	vst v14;
	v7 =	vadd.s32 v7, v9;
	s20 =	sadd.s32 $0x40, s20  }
0x20c: {  	v14 =	vbroadcast v15, $0x0;
	v9 =	vand.u32 $0xFFFFFFFE, v16;
	v15 =	vld [tilespmem:s20+$0x0];
	[tilespmem:s19+$0xFFFFFFF0] =	vst v7;
	v6 =	vadd.s32 v4, v6  }
0x20d: {  	v13 =	vbroadcast v9, $0x0;
	v16 =	vld [tilespmem:s20+$0xFFFFFFE0];
	[tilespmem:s19+$0x10] =	vst v6;
	s19 =	smov.u32 s20  }
.Ltmp16:
0x20e: {  	v4 =	vmov v5;
	v9 =	vld [tilespmem:s20+$0xFFFFFFF0];
	(pc) =	sbr.rel @p0 .LBB2_31-.Ltmp16, $4  }
0x20f: {  	v18 =	vmov v8;
	v6 =	vld [tilespmem:s20+$0x10]  }
0x210: {  	s22 =	sadd.s32 $0x3, s21;
	v8 =	vmov s21;
	v7 =	vmov v10;
	v5 =	vld.idx.msk [tilespmem:v11+s12+$0x0], $0xffff  }
0x211: {  	s23 =	sadd.s32 $0x1, s21;
	v10 =	vand.u32 $0xFFFFFFFC, v8;
	v11 =	vmov s22;
	v8 =	vld.idx.msk [tilespmem:v12+s12+$0x0], $0xffff;
	v17 =	vadd.s32 v17, v15  }
0x212: {  	s22 =	sadd.s32 $0x2, s21;
	s21 =	sadd.s32 $0x4, s21;
	v12 =	vbroadcast v10, $0x0;
	v15 =	vmov s23;
	v10 =	vld.idx.msk [tilespmem:v14+s12+$0x0], $0xffff;
	v14 =	vadd.s32 v18, v16;
	[tilespmem:s20+$0x0] =	vst v17  }
0x213: {  	_ =	sdelay $0x3  }
0x214: {  	v13 =	vld.idx.msk [tilespmem:v13+s12+$0x0], $0xffff  }
0x215: {  	s20 =	sadd.s32 $0x40, s20;
	v11 =	vld.idx.msk [tilespmem:v11+s12+$0x0], $0xffff  }
0x216: {  	v15 =	vand.u32 $0xFFFFFFFD, v15;
	v17 =	vld [tilespmem:s20+$0x0]  }
0x217: {  	v16 =	vmov s22;
	v15 =	vbroadcast v15, $0x0;
	v18 =	vld [tilespmem:s20+$0xFFFFFFE0]  }
0x218: {  	v16 =	vand.u32 $0xFFFFFFFE, v16;
	v19 =	vld [tilespmem:s20+$0xFFFFFFF0]  }
0x219: {  	v20 =	vld [tilespmem:s20+$0x10];
	v16 =	vbroadcast v16, $0x0  }
0x21a: {  	v12 =	vld.idx.msk [tilespmem:v12+s12+$0x0], $0xffff;
	s21 =	sadd.s32 $0x40, s20  }
0x21b: {  	v59 =	vld [tilespmem:s21+$0x0]  }
0x21c: {  	[tilespmem:s19+$0xFFFFFFE0] =	vst v14;
	v4 =	vadd.s32 v4, v6;
	v60 =	vld [tilespmem:s21+$0xFFFFFFE0]  }
0x21d: {  	[tilespmem:s19+$0x10] =	vst v4;
	v4 =	vadd.s32 v13, v17;
	v15 =	vld.idx.msk [tilespmem:v15+s12+$0x0], $0xffff  }
0x21e: {  	v7 =	vadd.s32 v7, v9;
	[tilespmem:s20+$0x0] =	vst v4;
	v4 =	vld [tilespmem:s21+$0xFFFFFFF0]  }
0x21f: {  	[tilespmem:s19+$0xFFFFFFF0] =	vst v7;
	v8 =	vadd.s32 v8, v18;
	v58 =	vld.idx.msk [tilespmem:v16+s12+$0x0], $0xffff  }
0x220: {  	v62 =	vld [tilespmem:s21+$0x10];
	v61 =	vadd.s32 v10, v19;
	[tilespmem:s20+$0xFFFFFFE0] =	vst v8  }
0x221: {  	v5 =	vadd.s32 v5, v20;
	[tilespmem:s20+$0xFFFFFFF0] =	vst v61  }
0x222: {  	[tilespmem:s20+$0x10] =	vst v5;
	v63 =	vadd.s32 v12, v60  }
0x223: {  	[tilespmem:s21+$0xFFFFFFE0] =	vst v63;
	v4 =	vadd.s32 v15, v4  }
0x224: {  	p0 =	por $0x1, $0x1;
	v5 =	vadd.s32 v58, v59;
	[tilespmem:s21+$0xFFFFFFF0] =	vst v4  }
.Ltmp17:
0x225: {  	v4 =	vadd.s32 v11, v62;
	[tilespmem:s21+$0x0] =	vst v5;
	(pc) =	sbr.rel @!p0 .LBB2_34-.Ltmp17, $4  }
0x226: {  	s19 =	simm.s32 $0x19120;
	[tilespmem:s21+$0x10] =	vst v4  }
0x227: {  	[tilespmem:s19+$0xFFFFFFE0] =	vst v0  }
0x228: {  	[tilespmem:s19+$0x10] =	vst v0  }
0x229: {  	s20 =	simm.s32 $0x0;
	[tilespmem:s19+$0x0] =	vst v0  }
.LBB2_33:
0x22a: {  	s20 =	sadd.s32 $0x4, s20  }
0x22b: {  	[tilespmem:s19+$0xFFFFFFF0] =	vst v0;
	s19 =	sadd.s32 $0x40, s19;
	p0 =	slt.u32 s20, $0xFC  }
.Ltmp18:
0x22c: {  	[tilespmem:s19+$0xFFFFFFE0] =	vst v0;
	(pc) =	sbr.rel @p0 .LBB2_33-.Ltmp18, $3  }
0x22d: {  	_ =	sdelay $0x1  }
0x22e: {  	[tilespmem:s19+$0x10] =	vst v0  }
0x22f: {  	[tilespmem:s19+$0x0] =	vst v0  }
.LBB2_34:
0x230: {  	[tilespmem:s19+$0xFFFFFFF0] =	vst v0;
	s19 =	simm.s32 $0x0;
	s20 =	simm.s32 $0x0  }
.LBB2_35:
0x231: {  	s21 =	sshra.s32 s20, $0x2  }
0x232: {  	v11 =	vld [tilespmem:s21+$0x0]  }
0x233: {  	v10 =	vld [tilespmem:s21+$0x10]  }
0x234: {  	v9 =	vld [tilespmem:s21+$0x20]  }
0x235: {  	v8 =	vld [tilespmem:s21+$0x30]  }
0x236: {  	v7 =	vld [tilespmem:s21+$0x40]  }
0x237: {  	v5 =	vld [tilespmem:s21+$0x50]  }
0x238: {  	v4 =	vld [tilespmem:s21+$0x60]  }
0x239: {  	v6 =	vld [tilespmem:s21+$0x70];
	_ =	sdelay $0x2  }
0x23a: {  	v12 =	vshrl.u32 v11, $0xC;
	v14 =	vshrl.u32 v10, $0xC  }
0x23b: {  	v18 =	vshrl.u32 v9, $0xC;
	v19 =	vshrl.u32 v8, $0xC;
	v22 =	vshrl.u32 v7, $0xC  }
0x23c: {  	v27 =	vshrl.u32 v5, $0xC;
	v28 =	vshrl.u32 v4, $0xC;
	v31 =	vshrl.u32 v6, $0xC  }
0x23d: {  	v13 =	vand.u32 $0xFF0, v12;
	v16 =	vand.u32 $0xFF0, v14;
	v20 =	vand.u32 $0xFF0, v18  }
0x23e: {  	v21 =	vand.u32 $0xFF0, v19;
	v25 =	vand.u32 $0xFF0, v22;
	v29 =	vand.u32 $0xFF0, v27  }
0x23f: {  	v30 =	vand.u32 $0xFF0, v28;
	v34 =	vand.u32 $0xFF0, v31;
	v12 =	vand.u32 $0xF80, v12  }
0x240: {  	v14 =	vand.u32 $0xF80, v14;
	v37 =	vand.u32 $0xF80, v18;
	v39 =	vand.u32 $0xF80, v19  }
0x241: {  	v41 =	vand.u32 $0xF80, v22;
	v43 =	vand.u32 $0xF80, v27;
	v45 =	vand.u32 $0xF80, v28  }
0x242: {  	v51 =	vand.u32 $0xF80, v31;
	v15 =	vor.u32 v1, v13;
	v17 =	vor.u32 v1, v16  }
0x243: {  	v23 =	vor.u32 v1, v20;
	v24 =	vor.u32 v1, v21;
	v26 =	vor.u32 v1, v25  }
0x244: {  	v32 =	vor.u32 v1, v29;
	v33 =	vor.u32 v1, v30;
	v35 =	vor.u32 v1, v34  }
0x245: {  	vm0 =	veq.s32 v13, v16;
	vm13 =	veq.s32 v13, v20;
	vm14 =	veq.s32 v16, v20  }
0x246: {  	vm15 =	veq.s32 v13, v21;
	vm4 =	veq.s32 v16, v21;
	vm5 =	veq.s32 v20, v21  }
0x247: {  	vm6 =	veq.s32 v13, v25;
	vm7 =	veq.s32 v16, v25;
	vm8 =	veq.s32 v20, v25  }
0x248: {  	vm9 =	veq.s32 v21, v25;
	vm10 =	veq.s32 v13, v29;
	vm11 =	veq.s32 v16, v29  }
0x249: {  	vm12 =	veq.s32 v20, v29;
	v15 =	vand.u32 $0x7F, v15;
	v36 =	vand.u32 $0x7F, v17  }
0x24a: {  	v38 =	vand.u32 $0x7F, v23;
	v40 =	vand.u32 $0x7F, v24;
	v42 =	vand.u32 $0x7F, v26  }
0x24b: {  	v44 =	vand.u32 $0x7F, v32;
	v47 =	vand.u32 $0x7F, v33;
	v48 =	vsel vm0, $0x1, v0  }
0x24c: {  	v49 =	vsel vm13, $0x1, v0;
	v52 =	vsel vm14, $0x1, v0;
	v53 =	vand.u32 $0x7F, v35  }
0x24d: {  	v54 =	vsel vm15, $0x1, v0;
	v55 =	vsel vm4, $0x1, v0;
	v57 =	vsel vm5, $0x1, v0  }
0x24e: {  	v58 =	vsel vm6, $0x1, v0;
	v59 =	vsel vm7, $0x1, v0;
	v60 =	vsel vm8, $0x1, v0  }
0x24f: {  	v61 =	vsel vm9, $0x1, v0;
	v62 =	vsel vm10, $0x1, v0;
	v63 =	vsel vm11, $0x1, v0  }
0x250: {  	vm13 =	veq.s32 v21, v29;
	vm14 =	veq.s32 v25, v29;
	vm15 =	veq.s32 v13, v30  }
0x251: {  	vm4 =	veq.s32 v16, v30;
	vm5 =	veq.s32 v20, v30;
	vm6 =	veq.s32 v21, v30  }
0x252: {  	vm7 =	veq.s32 v25, v30;
	vm8 =	veq.s32 v29, v30;
	vm9 =	veq.s32 v13, v34  }
0x253: {  	vm10 =	veq.s32 v16, v34;
	vm11 =	veq.s32 v20, v34;
	v12 =	vor.u32 v12, v15  }
0x254: {  	v14 =	vor.u32 v14, v36;
	v15 =	vor.u32 v37, v38;
	v17 =	vor.u32 v39, v40  }
0x255: {  	v18 =	vor.u32 v41, v42;
	v19 =	vor.u32 v43, v44;
	v22 =	vor.u32 v45, v47  }
0x256: {  	v28 =	vor.u32 v51, v53;
	v24 =	vadd.s32 v49, v52;
	v32 =	vadd.s32 v54, v55  }
0x257: {  	v27 =	vadd.s32 v58, v59;
	v40 =	vsel vm12, $0x1, v0;
	v41 =	vsel vm13, $0x1, v0  }
0x258: {  	v42 =	vsel vm14, $0x1, v0;
	v31 =	vadd.s32 v62, v63;
	v43 =	vsel vm15, $0x1, v0  }
0x259: {  	v44 =	vsel vm4, $0x1, v0;
	v45 =	vsel vm5, $0x1, v0;
	v37 =	vsel vm7, $0x1, v0  }
0x25a: {  	v47 =	vsel vm8, $0x1, v0;
	v49 =	vsel vm9, $0x1, v0;
	v51 =	vsel vm10, $0x1, v0  }
0x25b: {  	v53 =	vsel vm11, $0x1, v0;
	vm12 =	veq.s32 v21, v34;
	vm13 =	veq.s32 v25, v34;
	v46 =	vld.idx.msk [tilespmem:v14+s11+$0x0], $0xffff  }
0x25c: {  	vm14 =	veq.s32 v29, v34;
	vm15 =	veq.s32 v30, v34;
	v59 =	vshrl.u32 v11, $0x14;
	v50 =	vld.idx.msk [tilespmem:v15+s11+$0x0], $0xffff  }
0x25d: {  	v34 =	vshrl.u32 v9, $0x14;
	v38 =	vshrl.u32 v8, $0x14;
	v26 =	vadd.s32 v57, v32;
	v56 =	vld.idx.msk [tilespmem:v17+s11+$0x0], $0xffff  }
0x25e: {  	v27 =	vadd.s32 v60, v27;
	v31 =	vadd.s32 v40, v31;
	v33 =	vadd.s32 v43, v44;
	v36 =	vld.idx.msk [tilespmem:v18+s11+$0x0], $0xffff  }
0x25f: {  	v54 =	vadd.s32 v49, v51;
	v25 =	vsel vm13, $0x1, v0;
	v29 =	vsel vm14, $0x1, v0  }
0x260: {  	v30 =	vsel vm15, $0x1, v0;
	v27 =	vadd.s32 v61, v27;
	v31 =	vadd.s32 v41, v31  }
0x261: {  	v32 =	vadd.s32 v45, v33;
	v21 =	vadd.s32 v53, v54;
	v61 =	vand.u32 $0xFF0, v59  }
0x262: {  	v45 =	vshrl.u32 v7, $0x14;
	v31 =	vadd.s32 v42, v31;
	v23 =	vadd.s32 v48, v46  }
0x263: {  	v24 =	vadd.s32 v50, v24;
	v26 =	vadd.s32 v56, v26;
	v27 =	vadd.s32 v36, v27;
	v48 =	vld.idx.msk [tilespmem:v12+s11+$0x0], $0xffff  }
0x264: {  	v52 =	vld.idx.msk [tilespmem:v22+s11+$0x0], $0xffff;
	v46 =	vsel vm6, $0x1, v0;
	v56 =	vsel vm12, $0x1, v0;
	v36 =	vand.u32 $0xFF0, v34  }
0x265: {  	v55 =	vld.idx.msk [tilespmem:v28+s11+$0x0], $0xffff;
	v32 =	vadd.s32 v46, v32;
	v21 =	vadd.s32 v56, v21;
	v62 =	vshll.u32 v23, $0x4  }
0x266: {  	v50 =	vld.idx.msk [tilespmem:v19+s11+$0x0], $0xffff;
	v63 =	vshrl.u32 v23, $0xB;
	v33 =	vshrl.u32 v24, $0xB;
	v39 =	vshrl.u32 v26, $0xB  }
0x267: {  	[tilespmem:v12+s11+$0x0] =	vst.idx.add.s32.msk $0xffff, v2;
	v42 =	vshll.u32 v27, $0x4;
	v44 =	vshrl.u32 v27, $0xB;
	v32 =	vadd.s32 v37, v32  }
0x268: {  	[tilespmem:v14+s11+$0x0] =	vst.idx.add.s32.msk $0xffff, v2;
	v21 =	vadd.s32 v25, v21;
	v14 =	vand.u32 $0x7FF0, v62;
	v58 =	vshll.u32 v48, $0x4  }
0x269: {  	[tilespmem:v15+s11+$0x0] =	vst.idx.add.s32.msk $0xffff, v2;
	v21 =	vadd.s32 v29, v21;
	v13 =	vshrl.u32 v48, $0xB;
	v60 =	vand.u32 $0x7FF0, v58  }
0x26a: {  	v43 =	vand.u32 $0x7FF0, v42;
	[tilespmem:v17+s11+$0x0] =	vst.idx.add.s32.msk $0xffff, v2;
	v14 =	vor.u32 v63, v14;
	v12 =	vor.u32 v13, v60  }
0x26b: {  	v29 =	vshrl.u32 v10, $0x14;
	v21 =	vadd.s32 v30, v21;
	[tilespmem:v18+s11+$0x0] =	vst.idx.add.s32.msk $0xffff, v2;
	v13 =	vor.u32 v61, v13  }
0x26c: {  	v30 =	vand.u32 $0xFF0, v29;
	v16 =	vadd.s32 v50, v31;
	v31 =	vshll.u32 v24, $0x4;
	[tilespmem:v19+s11+$0x0] =	vst.idx.add.s32.msk $0xffff, v2  }
0x26d: {  	v57 =	vadd.s32 v47, v32;
	v15 =	vor.u32 v30, v63;
	v32 =	vand.u32 $0x7FF0, v31;
	[tilespmem:v22+s11+$0x0] =	vst.idx.add.s32.msk $0xffff, v2  }
0x26e: {  	v37 =	vshll.u32 v26, $0x4;
	v46 =	vor.u32 v44, v43;
	v35 =	vor.u32 v33, v32;
	[tilespmem:v28+s11+$0x0] =	vst.idx.add.s32.msk $0xffff, v2  }
0x26f: {  	v47 =	vand.u32 $0xFF0, v45;
	v18 =	vor.u32 v36, v33;
	v19 =	vand.u32 $0x7FF0, v37;
	[tilespmem:v12+s13+$0x0] =	vst.idx.msk $0xffff, v11  }
0x270: {  	v20 =	vadd.s32 v52, v57;
	v22 =	vand.u32 $0xFF0, v38;
	v40 =	vor.u32 v39, v19;
	[tilespmem:v13+s14+$0x0] =	vst.idx.add.s32.msk $0xffff, v2  }
0x271: {  	v62 =	vshrl.u32 v6, $0x14;
	v51 =	vor.u32 v47, v44;
	v41 =	vor.u32 v22, v39;
	[tilespmem:v14+s13+$0x0] =	vst.idx.msk $0xffff, v10  }
0x272: {  	v21 =	vadd.s32 v55, v21;
	v50 =	vshrl.u32 v5, $0x14;
	v48 =	vshll.u32 v16, $0x4;
	[tilespmem:v15+s14+$0x0] =	vst.idx.add.s32.msk $0xffff, v2  }
0x273: {  	v54 =	vshll.u32 v20, $0x4;
	v49 =	vshrl.u32 v16, $0xB;
	v14 =	vand.u32 $0x7FF0, v48;
	[tilespmem:v35+s13+$0x0] =	vst.idx.msk $0xffff, v9  }
0x274: {  	v55 =	vshrl.u32 v4, $0x14;
	v53 =	vand.u32 $0xFF0, v50;
	v52 =	vor.u32 v49, v14;
	[tilespmem:v18+s14+$0x0] =	vst.idx.add.s32.msk $0xffff, v2  }
0x275: {  	v57 =	vshrl.u32 v20, $0xB;
	v56 =	vand.u32 $0x7FF0, v54;
	v14 =	vor.u32 v53, v49;
	[tilespmem:v40+s13+$0x0] =	vst.idx.msk $0xffff, v8  }
0x276: {  	v58 =	vand.u32 $0xFF0, v55;
	v59 =	vshll.u32 v21, $0x4;
	v8 =	vor.u32 v57, v56;
	[tilespmem:v41+s14+$0x0] =	vst.idx.add.s32.msk $0xffff, v2  }
0x277: {  	v60 =	vand.u32 $0x7FF0, v59;
	v61 =	vshrl.u32 v21, $0xB;
	v11 =	vor.u32 v58, v57;
	[tilespmem:v46+s13+$0x0] =	vst.idx.msk $0xffff, v7  }
0x278: {  	v63 =	vand.u32 $0xFF0, v62;
	v7 =	vor.u32 v61, v60;
	[tilespmem:v51+s14+$0x0] =	vst.idx.add.s32.msk $0xffff, v2  }
0x279: {  	p0 =	sne.s32 s20, $0x1FE00;
	[tilespmem:v52+s13+$0x0] =	vst.idx.msk $0xffff, v5;
	v5 =	vor.u32 v63, v61  }
.Ltmp19:
0x27a: {  	[tilespmem:v14+s14+$0x0] =	vst.idx.add.s32.msk $0xffff, v2;
	(pc) =	sbr.rel @p0 .LBB2_35-.Ltmp19, $4  }
0x27b: {  	[tilespmem:v8+s13+$0x0] =	vst.idx.msk $0xffff, v4  }
0x27c: {  	[tilespmem:v11+s14+$0x0] =	vst.idx.add.s32.msk $0xffff, v2  }
0x27d: {  	[tilespmem:v7+s13+$0x0] =	vst.idx.msk $0xffff, v6  }
0x27e: {  	s20 =	sadd.s32 $0x200, s20;
	[tilespmem:v5+s14+$0x0] =	vst.idx.add.s32.msk $0xffff, v2  }
0x27f: {  	s21 =	simm.s32 $0x19120  }
0x280: {  	v6 =	vld [tilespmem:s21+$0x10];
	_ =	sdelay $0x4  }
0x281: {  	v12 =	vld [tilespmem:s21+$0x0];
	(xrf0) =	vadd.scan.msk.s32 $0xffff, v6  }
0x282: {  	v15 =	vld [tilespmem:s21+$0xFFFFFFE0]  }
0x283: {  	v4 =	vld [tilespmem:s21+$0xFFFFFFF0]  }
0x284: {  	s29 =	simm.s32 $0x3  }
0x285: {  	v14 =	vmov s29  }
0x286: {  	(xrf0) =	vadd.scan.msk.s32 $0xffff, v12  }
0x287: {  	s22 =	simm.s32 $0x1;
	s20 =	simm.s32 $0x19160;
	v10 =	vmov s19;
	(xrf0) =	vadd.scan.msk.s32 $0xffff, v15;
	v17, _, _ =	vpop (xrf0)  }
0x288: {  	v5 =	vmov s22;
	v7 =	vld [tilespmem:s20+$0x10];
	(xrf0) =	vadd.scan.msk.s32 $0xffff, v4;
	v6 =	vsub.s32 v17, v6;
	v17 =	vbroadcast v17, $0xF  }
0x289: {  	s23 =	simm.s32 $0x2;
	s31 =	simm.s32 $0x6;
	v16 =	vand.u32 $0xFFFFFFFC, v10;
	v9 =	vand.u32 $0xFFFFFFFD, v5;
	v5 =	vld [tilespmem:s20+$0x0];
	[tilespmem:s21+$0x10] =	vst v6  }
0x28a: {  	s30 =	simm.s32 $0x5;
	v8 =	vmov s23;
	v13 =	vmov s31;
	[tilespmem:v14+s12+$0x0] =	vst.idx.msk $0x1, v17;
	v14 =	vld [tilespmem:s20+$0xFFFFFFE0]  }
0x28b: {  	v11 =	vmov s30;
	v10 =	vand.u32 $0xFFFFFFFE, v13;
	v13 =	vbroadcast v16, $0x0  }
0x28c: {  	v8 =	vand.u32 $0xFFFFFFFE, v8;
	v11 =	vand.u32 $0xFFFFFFFD, v11;
	v9 =	vbroadcast v9, $0x0;
	v16, _, _ =	vpop (xrf0);
	v6 =	vld [tilespmem:s20+$0xFFFFFFF0]  }
0x28d: {  	s19 =	simm.s32 $0x4;
	v8 =	vbroadcast v8, $0x0;
	(xrf0) =	vadd.scan.msk.s32 $0xffff, v7;
	v18 =	vsub.s32 v16, v12;
	v12 =	vbroadcast v16, $0xF;
	v16, _, _ =	vpop (xrf0)  }
0x28e: {  	s24 =	simm.s32 $0x7;
	s22 =	simm.s32 $0x8;
	s23 =	simm.s32 $0x191A0;
	(xrf0) =	vadd.scan.msk.s32 $0xffff, v5;
	v17 =	vsub.s32 v16, v15;
	v15 =	vbroadcast v16, $0xF;
	[tilespmem:s21+$0x0] =	vst v18;
	v16, _, _ =	vpop (xrf0)  }
.LBB2_37:
0x28f: {  	v19 =	vmov s19;
	(xrf0) =	vadd.scan.msk.s32 $0xffff, v14  }
0x290: {  	v18 =	vld [tilespmem:s23+$0x10];
	p0 =	slt.u32 s22, $0xFC;
	v20 =	vmov s24;
	[tilespmem:s21+$0xFFFFFFE0] =	vst v17;
	v17 =	vmovc v5;
	v21 =	vmovc v14;
	v22 =	vmov v11;
	v23 =	vmov v10;
	s19 =	smov.u32 s22;
	s22 =	sadd.s32 $0x4, s22  }
0x291: {  	v10 =	vsub.s32 v16, v4;
	v4 =	vmovc v6;
	s24 =	sadd.s32 $0x1, s19;
	v5 =	vld [tilespmem:s23+$0x0];
	s25 =	sadd.s32 $0x2, s19;
	(xrf0) =	vadd.scan.msk.s32 $0xffff, v6;
	[tilespmem:v13+s12+$0x0] =	vst.idx.msk $0x1, v15;
	v15 =	vbroadcast v16, $0xF  }
0x292: {  	v19 =	vand.u32 $0xFFFFFFFC, v19;
	v6 =	vld [tilespmem:s23+$0xFFFFFFF0];
	v11 =	vmov s24;
	v13 =	vmov s25;
	[tilespmem:s21+$0xFFFFFFF0] =	vst v10;
	s21 =	smov.u32 s20;
	s20 =	smov.u32 s23  }
.Ltmp20:
0x293: {  	v14 =	vld [tilespmem:s23+$0xFFFFFFE0];
	v11 =	vand.u32 $0xFFFFFFFD, v11;
	v10 =	vand.u32 $0xFFFFFFFE, v13;
	v13 =	vbroadcast v19, $0x0;
	v16, _, _ =	vpop (xrf0);
	[tilespmem:v9+s12+$0x0] =	vst.idx.msk $0x1, v15;
	(pc) =	sbr.rel @p0 .LBB2_37-.Ltmp20, $4  }
0x294: {  	v19 =	vsub.s32 v16, v7;
	v24 =	vbroadcast v16, $0xF;
	[tilespmem:v8+s12+$0x0] =	vst.idx.msk $0x1, v12  }
0x295: {  	v9 =	vbroadcast v22, $0x0;
	v8 =	vbroadcast v23, $0x0;
	(xrf0) =	vadd.scan.msk.s32 $0xffff, v18;
	[tilespmem:s21+$0x10] =	vst v19;
	v7, _, _ =	vpop (xrf0)  }
0x296: {  	v19 =	vsub.s32 v7, v17;
	v12 =	vbroadcast v7, $0xF;
	[tilespmem:v20+s12+$0x0] =	vst.idx.msk $0x1, v24;
	v15, _, _ =	vpop (xrf0);
	v7 =	vmov v18  }
0x297: {  	s24 =	sadd.s32 $0x3, s19;
	s23 =	sadd.s32 $0x40, s23;
	(xrf0) =	vadd.scan.msk.s32 $0xffff, v5;
	v17 =	vsub.s32 v15, v21;
	v15 =	vbroadcast v15, $0xF;
	[tilespmem:s21+$0x0] =	vst v19;
	v16, _, _ =	vpop (xrf0)  }
0x298: {  	_ =	sdelay $0x2  }
0x299: {  	(xrf0) =	vadd.scan.msk.s32 $0xffff, v14;
	[tilespmem:s21+$0xFFFFFFE0] =	vst v17  }
0x29a: {  	v54 =	vmov s24;
	[tilespmem:v8+s12+$0x0] =	vst.idx.msk $0x1, v12  }
0x29b: {  	v18 =	vmov s19;
	v4 =	vsub.s32 v16, v4;
	v55 =	vbroadcast v16, $0xF;
	[tilespmem:v13+s12+$0x0] =	vst.idx.msk $0x1, v15  }
0x29c: {  	v10 =	vbroadcast v10, $0x0;
	(xrf0) =	vadd.scan.msk.s32 $0xffff, v6;
	v56 =	vand.u32 $0xFFFFFFFC, v18;
	[tilespmem:s21+$0xFFFFFFF0] =	vst v4;
	v57, _, _ =	vpop (xrf0)  }
0x29d: {  	v4 =	vbroadcast v56, $0x0;
	[tilespmem:v9+s12+$0x0] =	vst.idx.msk $0x1, v55;
	v7 =	vsub.s32 v57, v7;
	v58 =	vbroadcast v57, $0xF  }
0x29e: {  	[tilespmem:s20+$0x10] =	vst v7;
	v60, _, _ =	vpop (xrf0)  }
0x29f: {  	v59 =	vbroadcast v11, $0x0;
	v5 =	vsub.s32 v60, v5;
	[tilespmem:v54+s12+$0x0] =	vst.idx.msk $0x1, v58;
	v61, _, _ =	vpop (xrf0)  }
0x2a0: {  	v63 =	vbroadcast v60, $0xF;
	v62 =	vsub.s32 v61, v14;
	[tilespmem:s20+$0x0] =	vst v5  }
0x2a1: {  	v9 =	vbroadcast v61, $0xF;
	[tilespmem:s20+$0xFFFFFFE0] =	vst v62  }
0x2a2: {  	[tilespmem:v10+s12+$0x0] =	vst.idx.msk $0x1, v63;
	v5, _, _ =	vpop (xrf0)  }
0x2a3: {  	[tilespmem:v4+s12+$0x0] =	vst.idx.msk $0x1, v9;
	v4 =	vsub.s32 v5, v6;
	v5 =	vbroadcast v5, $0xF  }
0x2a4: {  	[tilespmem:s20+$0xFFFFFFF0] =	vst v4  }
0x2a5: {  	s31 =	simm.s32 $0x0;
	[tilespmem:v59+s12+$0x0] =	vst.idx.msk $0x1, v5  }
0x2a6: {  	v4 =	vld [tilespmem:s31+$0x18000];
	_ =	sdelay $0x4  }
0x2a7: {  	(xrf0) =	vadd.scan.msk.s32 $0xffff, v4;
	_ =	sdelay $0x5  }
0x2a8: {  	v5, _, _ =	vpop (xrf0)  }
0x2a9: {  	s21 =	simm.s32 $0x0;
	(v2sf) =	vpush v5, $0xF  }
0x2aa: {  	v4 =	vsub.s32 s21, v4  }
0x2ab: {  	v4 =	vadd.s32 v5, v4  }
0x2ac: {  	s19 =	simm.s32 $0x10;
	s22 =	simm.s32 $0x80;
	s20 =	simm.s32 $0x0;
	[tilespmem:s31+$0x18000] =	vst v4  }
.LBB2_39:
0x2ad: {  	p0 =	sne.s32 s22, $0x3C0;
	v4 =	vld [tilespmem:s19+$0x18000];
	_ =	sdelay $0x4  }
0x2ae: {  	(xrf0) =	vadd.scan.msk.s32 $0xffff, v4;
	_ =	sdelay $0x5  }
.Ltmp21:
0x2af: {  	v5, _, _ =	vpop (xrf0);
	s23 =	spop (v2sf);
	(pc) =	sbr.rel @p0 .LBB2_39-.Ltmp21, $4  }
0x2b0: {  	(v2sf) =	vpush v5, $0xF;
	s20 =	sadd.s32 s20, s23  }
0x2b1: {  	v4 =	vsub.s32 s20, v4  }
0x2b2: {  	v4 =	vadd.s32 v5, v4  }
0x2b3: {  	[tilespmem:s19+$0x18000] =	vst v4;
	s19 =	sshra.s32 s22, $0x2;
	s22 =	sadd.s32 $0x40, s22  }
0x2b4: {  	v4 =	vld [tilespmem:s19+$0x18000];
	_ =	sdelay $0x4  }
0x2b5: {  	(xrf0) =	vadd.scan.msk.s32 $0xffff, v4;
	_ =	sdelay $0x3  }
0x2b6: {  	v6 =	vmov s21  }
0x2b7: {  	s31 =	simm.s32 $0x3;
	s22 =	simm.s32 $0x1;
	v6 =	vand.u32 $0xFFFFFFFC, v6  }
0x2b8: {  	v7 =	vmov s31;
	v8 =	vmov s22;
	s22 =	simm.s32 $0x2;
	v6 =	vbroadcast v6, $0x0;
	v5, _, _ =	vpop (xrf0)  }
0x2b9: {  	v8 =	vand.u32 $0xFFFFFFFD, v8;
	v9 =	vmov s22;
	s23 =	spop (v2sf);
	(v2sf) =	vpush v5, $0xF  }
0x2ba: {  	v8 =	vbroadcast v8, $0x0;
	v9 =	vand.u32 $0xFFFFFFFE, v9;
	s20 =	sadd.s32 s20, s23  }
0x2bb: {  	v9 =	vbroadcast v9, $0x0;
	v4 =	vsub.s32 s20, v4  }
0x2bc: {  	v4 =	vadd.s32 v5, v4  }
0x2bd: {  	s24 =	simm.s32 $0x4;
	[tilespmem:s19+$0x18000] =	vst v4  }
0x2be: {  	s25 =	simm.s32 $0x5;
	v5 =	vmov s24;
	v4 =	vld.idx.msk [tilespmem:v7+s12+$0x0], $0xffff  }
0x2bf: {  	v5 =	vand.u32 $0xFFFFFFFC, v5;
	v14 =	vld.idx.msk [tilespmem:v6+s12+$0x0], $0xffff;
	v6 =	vmov s25  }
0x2c0: {  	s26 =	simm.s32 $0x7;
	s28 =	simm.s32 $0x6;
	v7 =	vld.idx.msk [tilespmem:v8+s12+$0x0], $0xffff;
	v10 =	vbroadcast v5, $0x0;
	v5 =	vand.u32 $0xFFFFFFFD, v6  }
0x2c1: {  	s19 =	simm.s32 $0x19120;
	v8 =	vmov s26;
	v12 =	vld.idx.msk [tilespmem:v9+s12+$0x0], $0xffff;
	v16 =	vbroadcast v5, $0x0;
	v5 =	vmov s28  }
0x2c2: {  	v15 =	vld [tilespmem:s19+$0x0];
	v5 =	vand.u32 $0xFFFFFFFE, v5  }
0x2c3: {  	v17 =	vld [tilespmem:s19+$0xFFFFFFE0];
	v13 =	vbroadcast v5, $0x0  }
0x2c4: {  	v9 =	vld [tilespmem:s19+$0xFFFFFFF0]  }
0x2c5: {  	s29 =	simm.s32 $0x8;
	v6 =	vld [tilespmem:s19+$0x10]  }
0x2c6: {  	s30 =	simm.s32 $0xB;
	v11 =	vmov s29;
	v5 =	vld.idx.msk [tilespmem:v8+s12+$0x0], $0xffff  }
0x2c7: {  	s21 =	simm.s32 $0x9;
	v18 =	vand.u32 $0xFFFFFFFC, v11;
	v11 =	vmov s30;
	s22 =	simm.s32 $0xA;
	v19 =	vadd.s32 v12, v15;
	v8 =	vld.idx.msk [tilespmem:v10+s12+$0x0], $0xffff  }
0x2c8: {  	s20 =	simm.s32 $0x19120;
	v12 =	vbroadcast v18, $0x0;
	v15 =	vmov s21;
	s21 =	simm.s32 $0xC;
	v14 =	vadd.s32 v14, v17;
	[tilespmem:s19+$0x0] =	vst v19;
	v10 =	vld.idx.msk [tilespmem:v16+s12+$0x0], $0xffff;
	s31 =	spop (v2sf)  }
.LBB2_41:
0x2c9: {  	p0 =	slt.u32 s21, $0xFC;
	v15 =	vand.u32 $0xFFFFFFFD, v15;
	v16 =	vmov s22;
	v17 =	vld.idx.msk [tilespmem:v13+s12+$0x0], $0xffff;
	[tilespmem:s19+$0xFFFFFFE0] =	vst v14;
	v7 =	vadd.s32 v7, v9;
	s20 =	sadd.s32 $0x40, s20  }
0x2ca: {  	v14 =	vbroadcast v15, $0x0;
	v9 =	vand.u32 $0xFFFFFFFE, v16;
	v15 =	vld [tilespmem:s20+$0x0];
	[tilespmem:s19+$0xFFFFFFF0] =	vst v7;
	v6 =	vadd.s32 v4, v6  }
0x2cb: {  	v13 =	vbroadcast v9, $0x0;
	v16 =	vld [tilespmem:s20+$0xFFFFFFE0];
	[tilespmem:s19+$0x10] =	vst v6;
	s19 =	smov.u32 s20  }
.Ltmp22:
0x2cc: {  	v4 =	vmov v5;
	v9 =	vld [tilespmem:s20+$0xFFFFFFF0];
	(pc) =	sbr.rel @p0 .LBB2_41-.Ltmp22, $4  }
0x2cd: {  	v18 =	vmov v8;
	v6 =	vld [tilespmem:s20+$0x10]  }
0x2ce: {  	s22 =	sadd.s32 $0x3, s21;
	v8 =	vmov s21;
	v7 =	vmov v10;
	v5 =	vld.idx.msk [tilespmem:v11+s12+$0x0], $0xffff  }
0x2cf: {  	s23 =	sadd.s32 $0x1, s21;
	v10 =	vand.u32 $0xFFFFFFFC, v8;
	v11 =	vmov s22;
	v8 =	vld.idx.msk [tilespmem:v12+s12+$0x0], $0xffff;
	v17 =	vadd.s32 v17, v15  }
0x2d0: {  	s22 =	sadd.s32 $0x2, s21;
	s21 =	sadd.s32 $0x4, s21;
	v12 =	vbroadcast v10, $0x0;
	v15 =	vmov s23;
	v10 =	vld.idx.msk [tilespmem:v14+s12+$0x0], $0xffff;
	v14 =	vadd.s32 v18, v16;
	[tilespmem:s20+$0x0] =	vst v17  }
0x2d1: {  	_ =	sdelay $0x3  }
0x2d2: {  	v13 =	vld.idx.msk [tilespmem:v13+s12+$0x0], $0xffff  }
0x2d3: {  	v15 =	vand.u32 $0xFFFFFFFD, v15;
	s20 =	sadd.s32 $0x40, s20;
	v11 =	vld.idx.msk [tilespmem:v11+s12+$0x0], $0xffff  }
0x2d4: {  	v16 =	vmov s22;
	v15 =	vbroadcast v15, $0x0;
	v17 =	vld [tilespmem:s20+$0x0]  }
0x2d5: {  	v16 =	vand.u32 $0xFFFFFFFE, v16;
	v18 =	vld [tilespmem:s20+$0xFFFFFFE0]  }
0x2d6: {  	v19 =	vld [tilespmem:s20+$0xFFFFFFF0];
	v16 =	vbroadcast v16, $0x0  }
0x2d7: {  	v20 =	vld [tilespmem:s20+$0x10]  }
0x2d8: {  	v12 =	vld.idx.msk [tilespmem:v12+s12+$0x0], $0xffff;
	s21 =	sadd.s32 $0x40, s20  }
0x2d9: {  	v4 =	vadd.s32 v4, v6;
	v6 =	vld [tilespmem:s21+$0x0]  }
0x2da: {  	[tilespmem:s19+$0x10] =	vst v4;
	v4 =	vadd.s32 v13, v17;
	v15 =	vld.idx.msk [tilespmem:v15+s12+$0x0], $0xffff  }
0x2db: {  	[tilespmem:s20+$0x0] =	vst v4;
	v4 =	vld [tilespmem:s21+$0xFFFFFFF0]  }
0x2dc: {  	[tilespmem:s19+$0xFFFFFFE0] =	vst v14;
	v7 =	vadd.s32 v7, v9;
	v9 =	vld.idx.msk [tilespmem:v16+s12+$0x0], $0xffff  }
0x2dd: {  	[tilespmem:s19+$0xFFFFFFF0] =	vst v7;
	v7 =	vld [tilespmem:s21+$0xFFFFFFE0];
	v8 =	vadd.s32 v8, v18  }
0x2de: {  	v5 =	vadd.s32 v5, v20;
	[tilespmem:s20+$0xFFFFFFE0] =	vst v8;
	v8 =	vadd.s32 v10, v19;
	v10 =	vld [tilespmem:s21+$0x10]  }
0x2df: {  	p0 =	seq.s32 s18, $0x3;
	s19 =	sadd.s32 s4, s18;
	[tilespmem:s20+$0x10] =	vst v5  }
0x2e0: {  	s22 =	sadd.s32 @!p0 $0x1, s19;
	[tilespmem:s20+$0xFFFFFFF0] =	vst v8;
	v4 =	vadd.s32 v15, v4  }
0x2e1: {  	s20 =	sshll.u32 @!p0 s22, $0x4;
	v5 =	vadd.s32 v9, v6;
	[tilespmem:s21+$0xFFFFFFF0] =	vst v4  }
0x2e2: {  	s23 =	simm.s32 @!p0 $0x0;
	s22 =	sshll.u32 @!p0 s22, $0xC;
	s20 =	sand.u32 @!p0 $0x70, s20;
	v6 =	vadd.s32 v12, v7;
	[tilespmem:s21+$0x0] =	vst v5  }
0x2e3: {  	p1 =	seq.s32 @!p0 s18, $0x0;
	s22 =	sand.u32 @!p0 $0xFFF8000, s22;
	s20 =	sadd.s32 @!p0 s1, s20;
	v4 =	vadd.s32 v11, v10;
	[tilespmem:s21+$0xFFFFFFE0] =	vst v6  }
0x2e4: {  	s20 =	sadd.s32 @!p0 s22, s20;
	s22 =	simm.s32 @!p0 $0x400;
	[tilespmem:s21+$0x10] =	vst v4;
	s21 =	simm.s32 @!p0 $0x80  }
0x2e5: {  	[tilespmem:s23], [sflag:$0x1] =	stream.strided.gather @!p0 [hbm4b:s20+s21], $0x8000, s22, s21, $0x38;
	[tilespmem:$0x1A100] =	vst v63  }
0x2e6: {  	p0 =	por p0, !p1  }
0x2e7: {  	_ =	swait.ge @p0 [sflag:s16], $0x8000  }
0x2e8: {  	[sflag:s16] =	ssyncset.done @p0 $0x0  }
0x2e9: {  	s31 =	simm.s32 $0x0;
	[sflag:s16] =	ssyncadd.s32 @p0 $0xFFFF8000  }
0x2ea: {  	v4 =	vld [tilespmem:s31+$0x8070]  }
0x2eb: {  	v5 =	vld [tilespmem:s31+$0x8060]  }
0x2ec: {  	v8 =	vld [tilespmem:s31+$0x8000]  }
0x2ed: {  	v7 =	vld [tilespmem:s31+$0x8010]  }
0x2ee: {  	v6 =	vld [tilespmem:s31+$0x8030];
	_ =	sdelay $0x2  }
0x2ef: {  	v9 =	vshrl.u32 v4, $0x14;
	vm0 =	vgt.s32 v4, $0xFFFFFFFF  }
0x2f0: {  	v10 =	vshrl.u32 v5, $0x14;
	v16 =	vshrl.u32 v8, $0x14;
	v17 =	vshrl.u32 v7, $0x14  }
0x2f1: {  	v15 =	vshrl.u32 v6, $0x14;
	v20 =	vand.u32 $0xFF0, v9;
	v9 =	vand.u32 $0xF80, v9  }
0x2f2: {  	v21 =	vand.u32 $0xFF0, v10;
	v13 =	vand.u32 $0xF80, v10;
	v18 =	vand.u32 $0xFF0, v16  }
0x2f3: {  	v24 =	vand.u32 $0xFF0, v17;
	v19 =	vand.u32 $0xFF0, v15;
	v23 =	vand.u32 $0xF80, v15  }
0x2f4: {  	v27 =	vand.u32 $0xF80, v17;
	v34 =	vand.u32 $0xF80, v16;
	v11 =	vor.u32 v1, v20  }
0x2f5: {  	v14 =	vor.u32 v1, v21;
	vm1 =	veq.s32 v21, v20;
	vm5 =	veq.s32 v18, v20  }
0x2f6: {  	vm2 =	veq.s32 v24, v20;
	v15 =	vor.u32 v1, v19;
	vm3 =	veq.s32 v19, v21  }
0x2f7: {  	v40 =	vor.u32 v1, v18;
	vm6 =	veq.s32 v24, v19;
	vm4 =	veq.s32 v19, v20  }
0x2f8: {  	v10 =	vand.u32 $0x7F, v11;
	v11 =	vld [tilespmem:s31+$0x8040];
	v14 =	vand.u32 $0x7F, v14;
	v25 =	vand.u32 $0x7F, v15  }
0x2f9: {  	v15 =	vsel vm3, $0x1, v0;
	v12 =	vor.u32 v9, v10;
	v9 =	vld [tilespmem:s31+$0x8020];
	v10 =	vor.u32 v1, v24  }
0x2fa: {  	vm3 =	veq.s32 v18, v21;
	v32 =	vsel vm6, $0x1, v0;
	v22 =	vand.u32 $0x7F, v10;
	v10 =	vld [tilespmem:s31+$0x8050]  }
0x2fb: {  	vm6 =	veq.s32 v18, v19;
	v35 =	vsel vm5, $0x1, v0;
	vm5 =	veq.s32 v18, v24  }
0x2fc: {  	v40 =	vand.u32 $0x7F, v40;
	v13 =	vor.u32 v13, v14;
	v14 =	vor.u32 v23, v25  }
0x2fd: {  	v26 =	vsel vm3, $0x1, v0;
	vm3 =	veq.s32 v24, v21;
	v17 =	vshrl.u32 v11, $0x14  }
0x2fe: {  	v33 =	vsel vm5, $0x1, v0;
	v25 =	vshrl.u32 v9, $0x14;
	v30 =	vand.u32 $0xFF0, v17  }
0x2ff: {  	v17 =	vand.u32 $0xF80, v17;
	v16 =	vshrl.u32 v10, $0x14;
	v23 =	vor.u32 v1, v30  }
0x300: {  	vm7 =	veq.s32 v24, v30;
	v31 =	vand.u32 $0xFF0, v25;
	vm9 =	veq.s32 v18, v30  }
0x301: {  	v37 =	vand.u32 $0xF80, v25;
	vm10 =	veq.s32 v19, v30;
	v23 =	vand.u32 $0x7F, v23  }
0x302: {  	v29 =	vand.u32 $0xF80, v16;
	v38 =	vsel vm7, $0x1, v0;
	v28 =	vand.u32 $0xFF0, v16  }
0x303: {  	v16 =	vsel vm6, $0x1, v0;
	vm8 =	veq.s32 v31, v21;
	v17 =	vor.u32 v17, v23  }
0x304: {  	vm6 =	veq.s32 v24, v31;
	v63 =	vsel vm9, $0x1, v0;
	vm9 =	veq.s32 v30, v20  }
0x305: {  	v25 =	vld.idx.msk [tilespmem:v14+s14+$0x0], $0xffff;
	v39 =	vor.u32 v1, v31;
	vm12 =	veq.s32 v31, v30;
	v23 =	vor.u32 v27, v22  }
0x306: {  	v22 =	vsel vm2, $0x1, v0;
	v27 =	vadd.s32 v16, v32;
	vm2 =	veq.s32 v30, v28;
	v16 =	vld.idx.msk [tilespmem:v13+s14+$0x0], $0xffff  }
0x307: {  	s19 =	sshll.u32 s19, $0x4;
	v36 =	vor.u32 v1, v28;
	v38 =	vadd.s32 v63, v38;
	v32 =	vadd.s32 v35, v22;
	v22 =	vld.idx.msk [tilespmem:v12+s14+$0x0], $0xffff  }
0x308: {  	s18 =	sadd.s32 $0x1, s18;
	s19 =	sand.u32 $0x70, s19;
	s20 =	simm.s32 $0x200;
	vm5 =	veq.s32 v18, v28;
	vm7 =	veq.s32 v28, v21;
	vm11 =	veq.s32 v28, v20;
	v35 =	vld.idx.msk [tilespmem:v17+s14+$0x0], $0xffff  }
.LBB2_43:
0x309: {  	p0 =	sne.s32 s20, $0x1FE00;
	v34 =	vor.u32 v34, v40;
	v39 =	vand.u32 $0x7F, v39;
	vm13 =	veq.s32 v24, v28;
	s21 =	smov.u32 s20;
	s20 =	sadd.s32 $0x200, s20  }
0x30a: {  	v24 =	vor.u32 v37, v39;
	v37 =	vsel vm13, $0x1, v0;
	v39 =	vsel vm4, $0x1, v0  }
0x30b: {  	v41 =	vsel vm12, $0x1, v0;
	vm4 =	veq.s32 v30, v21;
	v21 =	vsel vm9, $0x1, v0;
	v40 =	vld.idx.msk [tilespmem:v23+s14+$0x0], $0xffff  }
0x30c: {  	v30 =	vsel vm10, $0x1, v0;
	vm9 =	veq.s32 v31, v20;
	v20 =	vsel vm11, $0x1, v0  }
0x30d: {  	v36 =	vand.u32 $0x7F, v36;
	v38 =	vadd.s32 v41, v38;
	v41 =	vsel vm4, $0x1, v0  }
0x30e: {  	v30 =	vadd.s32 v30, v38;
	vm4 =	veq.s32 v31, v28;
	v38 =	vsel vm8, $0x1, v0;
	v42 =	vld.idx.msk [tilespmem:v34+s14+$0x0], $0xffff  }
0x30f: {  	v43 =	vsel vm7, $0x1, v0;
	v29 =	vor.u32 v29, v36;
	v36 =	vsel vm3, $0x1, v0  }
0x310: {  	vm7 =	veq.s32 v31, v19;
	vm3 =	veq.s32 v18, v31;
	v18 =	vadd.s32 v26, v36  }
0x311: {  	v36 =	vsel vm9, $0x1, v0;
	v31 =	vadd.s32 v33, v40;
	v33 =	vsel vm3, $0x1, v0;
	v26 =	vld.idx.msk [tilespmem:v24+s14+$0x0], $0xffff  }
0x312: {  	v18 =	vadd.s32 v38, v18;
	v40 =	vsel vm6, $0x1, v0;
	vm3 =	veq.s32 v19, v28  }
0x313: {  	v32 =	vadd.s32 v36, v32;
	v28 =	vsel vm7, $0x1, v0;
	v19 =	vadd.s32 v33, v40  }
0x314: {  	v27 =	vadd.s32 v28, v27;
	v28 =	vadd.s32 v35, v30;
	v30 =	vsel vm5, $0x1, v0  }
0x315: {  	v25 =	vadd.s32 v25, v27;
	v27 =	vsel vm4, $0x1, v0;
	v30 =	vadd.s32 v30, v37  }
0x316: {  	v15 =	vadd.s32 v15, v18;
	v33 =	vsel vm3, $0x1, v0;
	v27 =	vadd.s32 v27, v30  }
0x317: {  	v32 =	vadd.s32 v39, v32;
	v30 =	vsel vm2, $0x1, v0;
	v27 =	vadd.s32 v33, v27;
	v18 =	vld.idx.msk [tilespmem:v29+s14+$0x0], $0xffff  }
0x318: {  	v21 =	vadd.s32 v21, v32;
	vm2 =	vgt.s32 v11, $0xFFFFFFFF;
	v27 =	vadd.s32 v30, v27;
	[tilespmem:v34+s14+$0x0] =	vst.idx.add.s32.msk $0xffff, v2  }
0x319: {  	v15 =	vadd.s32 v41, v15;
	v20 =	vadd.s32 v20, v21;
	v30 =	vsel vm1, $0x1, v0;
	[tilespmem:v23+s14+$0x0] =	vst.idx.add.s32.msk $0xffff, v2  }
0x31a: {  	v15 =	vadd.s32 v43, v15;
	v21 =	vsel vm2, $0xFFFFFFFF, v3;
	v20 =	vadd.s32 v30, v20;
	[tilespmem:v24+s14+$0x0] =	vst.idx.add.s32.msk $0xffff, v2  }
0x31b: {  	v15 =	vadd.s32 v16, v15;
	vm1 =	vgt.s32 v8, $0xFFFFFFFF;
	v16 =	vadd.s32 v22, v20;
	[tilespmem:v14+s14+$0x0] =	vst.idx.add.s32.msk $0xffff, v2  }
0x31c: {  	v11 =	vxor.u32 v11, v21;
	v14 =	vsel vm1, $0xFFFFFFFF, v3;
	vm1 =	vgt.s32 v7, $0xFFFFFFFF;
	[tilespmem:v17+s14+$0x0] =	vst.idx.add.s32.msk $0xffff, v2  }
0x31d: {  	v17 =	vadd.s32 v26, v19;
	v18 =	vadd.s32 v18, v27;
	v19 =	vsel vm1, $0xFFFFFFFF, v3;
	[tilespmem:v29+s14+$0x0] =	vst.idx.add.s32.msk $0xffff, v2  }
0x31e: {  	v8 =	vxor.u32 v8, v14;
	vm1 =	vgt.s32 v9, $0xFFFFFFFF;
	v7 =	vxor.u32 v7, v19;
	[tilespmem:v13+s14+$0x0] =	vst.idx.add.s32.msk $0xffff, v2  }
0x31f: {  	vm2 =	vgt.s32 v10, $0xFFFFFFFF;
	[tilespmem:v12+s14+$0x0] =	vst.idx.add.s32.msk $0xffff, v2;
	v12 =	vsel vm1, $0xFFFFFFFF, v3;
	vm1 =	vgt.s32 v6, $0xFFFFFFFF  }
0x320: {  	[tilespmem:v42+s15+$0x0] =	vst.idx.msk $0xffff, v8;
	v8 =	vxor.u32 v9, v12;
	v9 =	vsel vm1, $0xFFFFFFFF, v3;
	v12 =	vsel vm2, $0xFFFFFFFF, v3  }
0x321: {  	vm1 =	vgt.s32 v5, $0xFFFFFFFF;
	[tilespmem:v31+s15+$0x0] =	vst.idx.msk $0xffff, v7;
	v6 =	vxor.u32 v6, v9;
	v7 =	vxor.u32 v10, v12  }
0x322: {  	v9 =	vsel vm0, $0xFFFFFFFF, v3;
	[tilespmem:v17+s15+$0x0] =	vst.idx.msk $0xffff, v8;
	v8 =	vsel vm1, $0xFFFFFFFF, v3  }
0x323: {  	v4 =	vxor.u32 v4, v9;
	[tilespmem:v25+s15+$0x0] =	vst.idx.msk $0xffff, v6;
	v5 =	vxor.u32 v5, v8  }
0x324: {  	[tilespmem:v28+s15+$0x0] =	vst.idx.msk $0xffff, v11  }
0x325: {  	[tilespmem:v18+s15+$0x0] =	vst.idx.msk $0xffff, v7  }
0x326: {  	[tilespmem:v15+s15+$0x0] =	vst.idx.msk $0xffff, v5  }
0x327: {  	s21 =	sshra.s32 s21, $0x2;
	[tilespmem:v16+s15+$0x0] =	vst.idx.msk $0xffff, v4  }
0x328: {  	v4 =	vld [tilespmem:s21+$0x8070]  }
0x329: {  	v5 =	vld [tilespmem:s21+$0x8060]  }
0x32a: {  	v6 =	vld [tilespmem:s21+$0x8030]  }
0x32b: {  	v8 =	vld [tilespmem:s21+$0x8000]  }
0x32c: {  	v7 =	vld [tilespmem:s21+$0x8010]  }
0x32d: {  	v9 =	vld [tilespmem:s21+$0x8020];
	v10 =	vshrl.u32 v4, $0x14;
	vm0 =	vgt.s32 v4, $0xFFFFFFFF  }
0x32e: {  	v11 =	vshrl.u32 v5, $0x14;
	v20 =	vand.u32 $0xFF0, v10;
	v12 =	vand.u32 $0xF80, v10  }
0x32f: {  	v21 =	vand.u32 $0xFF0, v11;
	v13 =	vor.u32 v1, v20;
	v14 =	vand.u32 $0xF80, v11  }
0x330: {  	v10 =	vld [tilespmem:s21+$0x8050];
	v16 =	vshrl.u32 v8, $0x14;
	v15 =	vor.u32 v1, v21;
	v13 =	vand.u32 $0x7F, v13  }
0x331: {  	vm1 =	veq.s32 v21, v20;
	v11 =	vld [tilespmem:s21+$0x8040];
	v18 =	vand.u32 $0xFF0, v16;
	v17 =	vshrl.u32 v7, $0x14  }
0x332: {  	v22 =	vshrl.u32 v6, $0x14;
	v12 =	vor.u32 v12, v13;
	v24 =	vand.u32 $0xFF0, v17  }
0x333: {  	v19 =	vand.u32 $0xFF0, v22;
	vm5 =	veq.s32 v18, v20;
	v13 =	vor.u32 v1, v24  }
0x334: {  	v22 =	vand.u32 $0xF80, v22;
	vm2 =	veq.s32 v24, v20;
	v23 =	vand.u32 $0x7F, v13  }
0x335: {  	v15 =	vand.u32 $0x7F, v15;
	vm3 =	veq.s32 v19, v21;
	v13 =	vor.u32 v1, v19  }
0x336: {  	v25 =	vand.u32 $0x7F, v13;
	v13 =	vor.u32 v14, v15;
	v15 =	vsel vm3, $0x1, v0  }
0x337: {  	v27 =	vand.u32 $0xF80, v17;
	vm3 =	veq.s32 v18, v21;
	v14 =	vor.u32 v22, v25  }
0x338: {  	v40 =	vor.u32 v1, v18;
	v32 =	vshrl.u32 v9, $0x14;
	vm6 =	veq.s32 v24, v19  }
0x339: {  	v34 =	vand.u32 $0xF80, v16;
	vm4 =	veq.s32 v19, v20;
	v17 =	vshrl.u32 v11, $0x14  }
0x33a: {  	v35 =	vsel vm6, $0x1, v0;
	v22 =	vshrl.u32 v10, $0x14;
	v30 =	vand.u32 $0xFF0, v17  }
0x33b: {  	v26 =	vsel vm3, $0x1, v0;
	v17 =	vand.u32 $0xF80, v17;
	v25 =	vor.u32 v1, v30;
	v16 =	vld.idx.msk [tilespmem:v13+s14+$0x0], $0xffff  }
0x33c: {  	vm6 =	veq.s32 v18, v19;
	vm3 =	veq.s32 v24, v21;
	v28 =	vand.u32 $0x7F, v25  }
0x33d: {  	v36 =	vsel vm5, $0x1, v0;
	v29 =	vand.u32 $0xF80, v22;
	v17 =	vor.u32 v17, v28;
	v25 =	vld.idx.msk [tilespmem:v14+s14+$0x0], $0xffff  }
0x33e: {  	vm5 =	veq.s32 v18, v24;
	v23 =	vor.u32 v27, v23;
	vm7 =	veq.s32 v24, v30  }
0x33f: {  	v31 =	vand.u32 $0xFF0, v32;
	vm9 =	veq.s32 v18, v30;
	v38 =	vsel vm7, $0x1, v0  }
0x340: {  	v39 =	vsel vm2, $0x1, v0;
	v27 =	vsel vm6, $0x1, v0;
	v28 =	vand.u32 $0xFF0, v22  }
0x341: {  	v33 =	vsel vm5, $0x1, v0;
	v27 =	vadd.s32 v27, v35;
	vm2 =	veq.s32 v30, v28;
	v22 =	vld.idx.msk [tilespmem:v12+s14+$0x0], $0xffff  }
.Ltmp23:
0x342: {  	v37 =	vand.u32 $0xF80, v32;
	vm8 =	veq.s32 v31, v21;
	v32 =	vadd.s32 v36, v39;
	v35 =	vld.idx.msk [tilespmem:v17+s14+$0x0], $0xffff;
	(pc) =	sbr.rel @p0 .LBB2_43-.Ltmp23, $4  }
0x343: {  	vm6 =	veq.s32 v24, v31;
	v41 =	vsel vm9, $0x1, v0;
	vm9 =	veq.s32 v30, v20  }
0x344: {  	v39 =	vor.u32 v1, v31;
	vm10 =	veq.s32 v19, v30;
	v36 =	vor.u32 v1, v28  }
0x345: {  	v38 =	vadd.s32 v41, v38;
	vm5 =	veq.s32 v18, v28;
	vm7 =	veq.s32 v28, v21  }
0x346: {  	v40 =	vand.u32 $0x7F, v40;
	vm12 =	veq.s32 v31, v30;
	vm11 =	veq.s32 v28, v20  }
0x347: {  	v39 =	vand.u32 $0x7F, v39;
	vm13 =	veq.s32 v24, v28  }
0x348: {  	v24 =	vor.u32 v34, v40;
	v45 =	vsel vm4, $0x1, v0;
	v46 =	vsel vm12, $0x1, v0  }
0x349: {  	vm15 =	veq.s32 v30, v21;
	v48 =	vsel vm9, $0x1, v0;
	v41 =	vsel vm10, $0x1, v0  }
0x34a: {  	vm12 =	veq.s32 v31, v20;
	v49 =	vsel vm11, $0x1, v0;
	v36 =	vand.u32 $0x7F, v36  }
0x34b: {  	v51 =	vsel vm8, $0x1, v0;
	v52 =	vsel vm3, $0x1, v0;
	vm14 =	veq.s32 v18, v31  }
0x34c: {  	v56 =	vsel vm6, $0x1, v0;
	vm6 =	veq.s32 v19, v28;
	v60 =	vsel vm5, $0x1, v0  }
0x34d: {  	v42 =	vsel vm7, $0x1, v0;
	vm9 =	vgt.s32 v11, $0xFFFFFFFF;
	v34 =	vor.u32 v37, v39  }
0x34e: {  	vm10 =	vgt.s32 v8, $0xFFFFFFFF;
	vm11 =	vgt.s32 v7, $0xFFFFFFFF;
	v29 =	vor.u32 v29, v36  }
0x34f: {  	v44 =	vsel vm13, $0x1, v0;
	v38 =	vadd.s32 v46, v38;
	v50 =	vsel vm15, $0x1, v0  }
0x350: {  	v47 =	vld.idx.msk [tilespmem:v23+s14+$0x0], $0xffff;
	vm13 =	veq.s32 v31, v28;
	vm15 =	veq.s32 v31, v19;
	v53 =	vadd.s32 v26, v52  }
0x351: {  	v54 =	vsel vm14, $0x1, v0;
	v55 =	vsel vm12, $0x1, v0;
	vm12 =	vgt.s32 v9, $0xFFFFFFFF;
	v57 =	vld.idx.msk [tilespmem:v24+s14+$0x0], $0xffff  }
0x352: {  	v38 =	vadd.s32 v41, v38;
	v18 =	vadd.s32 v51, v53;
	v58 =	vsel vm15, $0x1, v0;
	v59 =	vld.idx.msk [tilespmem:v34+s14+$0x0], $0xffff  }
0x353: {  	v26 =	vadd.s32 v54, v56;
	v31 =	vadd.s32 v55, v32;
	v27 =	vadd.s32 v58, v27;
	v62 =	vld.idx.msk [tilespmem:v29+s14+$0x0], $0xffff  }
0x354: {  	v53 =	vsel vm12, $0xFFFFFFFF, v3;
	v28 =	vadd.s32 v35, v38;
	v15 =	vadd.s32 v15, v18;
	[tilespmem:v24+s14+$0x0] =	vst.idx.add.s32.msk $0xffff, v2  }
0x355: {  	v63 =	vsel vm6, $0x1, v0;
	v41 =	vadd.s32 v45, v31;
	v55 =	vxor.u32 v9, v53;
	[tilespmem:v23+s14+$0x0] =	vst.idx.add.s32.msk $0xffff, v2  }
0x356: {  	v37 =	vsel vm2, $0x1, v0;
	v25 =	vadd.s32 v25, v27;
	v43 =	vadd.s32 v48, v41;
	[tilespmem:v34+s14+$0x0] =	vst.idx.add.s32.msk $0xffff, v2  }
0x357: {  	vm14 =	vgt.s32 v10, $0xFFFFFFFF;
	v15 =	vadd.s32 v50, v15;
	v21 =	vadd.s32 v33, v47;
	[tilespmem:v14+s14+$0x0] =	vst.idx.add.s32.msk $0xffff, v2  }
0x358: {  	v61 =	vsel vm13, $0x1, v0;
	v33 =	vadd.s32 v60, v44;
	v20 =	vadd.s32 v49, v43;
	[tilespmem:v17+s14+$0x0] =	vst.idx.add.s32.msk $0xffff, v2  }
0x359: {  	vm13 =	vgt.s32 v6, $0xFFFFFFFF;
	v27 =	vadd.s32 v61, v33;
	v48 =	vadd.s32 v59, v26;
	[tilespmem:v29+s14+$0x0] =	vst.idx.add.s32.msk $0xffff, v2  }
0x35a: {  	v45 =	vadd.s32 v42, v15;
	v49 =	vsel vm10, $0xFFFFFFFF, v3;
	v38 =	vadd.s32 v63, v27;
	[tilespmem:v13+s14+$0x0] =	vst.idx.add.s32.msk $0xffff, v2  }
0x35b: {  	v50 =	vsel vm11, $0xFFFFFFFF, v3;
	v51 =	vxor.u32 v8, v49;
	v18 =	vadd.s32 v37, v38;
	[tilespmem:v12+s14+$0x0] =	vst.idx.add.s32.msk $0xffff, v2  }
0x35c: {  	v44 =	vsel vm1, $0x1, v0;
	v52 =	vxor.u32 v7, v50;
	v18 =	vadd.s32 v62, v18;
	[tilespmem:v57+s15+$0x0] =	vst.idx.msk $0xffff, v51  }
0x35d: {  	v56 =	vsel vm13, $0xFFFFFFFF, v3;
	v46 =	vadd.s32 v44, v20;
	v54 =	vadd.s32 v16, v45;
	[tilespmem:v21+s15+$0x0] =	vst.idx.msk $0xffff, v52  }
0x35e: {  	v58 =	vxor.u32 v6, v56;
	v47 =	vsel vm9, $0xFFFFFFFF, v3;
	v57 =	vadd.s32 v22, v46;
	[tilespmem:v48+s15+$0x0] =	vst.idx.msk $0xffff, v55  }
0x35f: {  	p0 =	sne.s32 s18, $0x4;
	vm15 =	vgt.s32 v5, $0xFFFFFFFF;
	v60 =	vsel vm14, $0xFFFFFFFF, v3;
	v59 =	vxor.u32 v11, v47;
	[tilespmem:v25+s15+$0x0] =	vst.idx.msk $0xffff, v58  }
.Ltmp24:
0x360: {  	v61 =	vxor.u32 v10, v60;
	v62 =	vsel vm15, $0xFFFFFFFF, v3;
	[tilespmem:v28+s15+$0x0] =	vst.idx.msk $0xffff, v59;
	(pc) =	sbr.rel @p0 .LBB2_2-.Ltmp24, $4  }
0x361: {  	v63 =	vsel vm0, $0xFFFFFFFF, v3;
	v5 =	vxor.u32 v5, v62;
	[tilespmem:v18+s15+$0x0] =	vst.idx.msk $0xffff, v61  }
0x362: {  	v4 =	vxor.u32 v4, v63;
	[tilespmem:v54+s15+$0x0] =	vst.idx.msk $0xffff, v5  }
0x363: {  	s19 =	sadd.s32 s19, s6;
	[tilespmem:v57+s15+$0x0] =	vst.idx.msk $0xffff, v4  }
0x364: {  	[hbm4b:s19+s8] =	stream.strided.scatter [tilespmem:s15], [sflag:$0x2], $0x8000, s9, s8, $0x38;
	[tilespmem:$0x1A100] =	vst v63  }
0x365: {  	s17 =	sadd.s32 $0x1, s17  }
0x366: {  	p0 =	sne.s32 s17, s7  }
.Ltmp25:
0x367: {  	_ = 	snop;
	(pc) =	sbr.rel @p0 .LBB2_1-.Ltmp25, $4  }
0x368: {  	_ = 	snop  }
0x369: {  	_ =	swait.ge [sflag:s16], $0x8000  }
0x36a: {  	[sflag:s16] =	ssyncset.done $0x0  }
0x36b: {  	[sflag:s16] =	ssyncadd.s32 $0xFFFF8000  }
0x36c: {  	_ =	sfence.sel $0x180000  }
0x36d: {  	[bflag:$0x0] =	sbarrier.arrive $0xFFFF  }
0x36e: {  	p0 =	sne.s32 s2, $0x0;
	_ =	strace $0x90000047  }
0x36f: {  	s0 =	sadd.s32 @!p0 $0x100000, s0;
	[bflag:$0x2] =	sbarrier.arrive $0xFFFF  }
0x370: {  	[sflag:s0] =	ssyncadd.tile.s32 @!p0 $0x1;
	_ =	shalt  }
.Lfunc_end2:
_tile_overlayer_lowered:
.L_overlay_start_2:
0x371: {  	(tag) =	ssettag $0x2  }
0x372: {  	s0 =	rddreg [dreg:$0x0];
	s2 =	stileid.u32  }
0x373: {  	s1 =	rddreg [dreg:$0x1];
	p0 =	sne.s32 s2, $0x0  }
0x374: {  	s3 =	rddreg [dreg:$0x2];
	[bflag:$0x3] =	sbarrier.arrive $0xFFFF;
	s2 =	simm.s32 @!p0 $0x1C03  }
0x375: {  	[timem:s3], [sflag:s2] =	dma.local @!p0 [hbm:s0], s1  }
0x376: {  	s0 =	simm.s32 @!p0 $0x3  }
0x377: {  	_ =	swait.ge @!p0 [sflag:s0], s1  }
0x378: {  	s1 =	ssub.s32 @!p0 $0x0, s1;
	[sflag:s0] =	ssyncset.done @!p0 $0x0  }
0x379: {  	[sflag:s0] =	ssyncadd.s32 @!p0 s1  }
0x37a: {  	[bflag:$0x3] =	sbarrier.arrive $0xFFFF  }
0x37b: {  	_ =	shalt  }

</sc_bundles>
